<compile_context>
chip_gen: v7x
topology: tpu7x:2x2x1
jax: 0.10.2.dev20260603
libtpu: 0.0.44.dev20260713+nightly
codegen_flags: <defaults>
</compile_context>

<pallas_src>
import functools

import jax
import jax.numpy as jnp
from jax import lax
from jax.experimental import pallas as pl
from jax.experimental.pallas import tpu as pltpu
from jax.experimental.pallas import tpu_sc as plsc

_B, _S = 4096, 50
_V, _D = 10, 512
_N = _B * _S
_C = 32
_NW = 32
_RPW = _N // _NW
_CPW = _RPW // _C
_NBUF = 4
_G = _C // 16


def _sc_lookup(idx3d, table_flat):
    mesh = plsc.VectorSubcoreMesh(core_axis_name="c", subcore_axis_name="s")

    @functools.partial(
        pl.kernel,
        mesh=mesh,
        out_type=jax.ShapeDtypeStruct((_N * _D,), jnp.float32),
        compiler_params=pltpu.CompilerParams(needs_layout_passes=False),
        scratch_types=[
            pltpu.VMEM((1, _RPW), jnp.int32),
            pltpu.VMEM((1, _V * _D), jnp.float32),
        ]
        + [pltpu.VMEM((_C * _D,), jnp.float32) for _ in range(_NBUF)]
        + [pltpu.SemaphoreType.DMA for _ in range(_NBUF)],
    )
    def k(idx_hbm, table_hbm, out_hbm, idx_v, tbl_v2, *bufs_and_sems):
        bufs = bufs_and_sems[:_NBUF]
        ssem = bufs_and_sems[_NBUF:]
        wid = lax.axis_index("s") * 2 + lax.axis_index("c")
        pltpu.sync_copy(idx_hbm.at[wid], idx_v)
        pltpu.sync_copy(table_hbm.at[wid], tbl_v2)
        tbl_v = tbl_v2.at[0]

        lanes = lax.iota(jnp.int32, 16)

        dstbases = [(g * 16 + lanes) * _D for g in range(_G)]

        def build(j, b):
            buf = bufs[b]
            for g in range(_G):
                idx16 = idx_v[0, pl.ds(j * _C + g * 16, 16)]
                srcbase = idx16 * _D
                dstbase = dstbases[g]

                @plsc.parallel_loop(0, _D, carry=lanes, unroll=8)
                def colbody(c, t):
                    vals = plsc.load_gather(tbl_v, [srcbase + t])
                    plsc.store_scatter(buf, [dstbase + t], vals)
                    return (t + 1) & (_D - 1)

        def fire_scatter(j, b):
            e0 = (wid * _CPW + j) * _C * _D
            pltpu.async_copy(bufs[b], out_hbm.at[pl.ds(e0, _C * _D)], ssem[b])

        def wait_scatter(j, b):
            e0 = (wid * _CPW + j) * _C * _D
            pltpu.make_async_copy(
                bufs[b], out_hbm.at[pl.ds(e0, _C * _D)], ssem[b]).wait()

        for b in range(_NBUF):
            build(b, b)
            fire_scatter(b, b)

        def outer(o, carry):
            for b in range(_NBUF):
                j = o * _NBUF + b
                wait_scatter(j - _NBUF, b)
                build(j, b)
                fire_scatter(j, b)
            return carry

        lax.fori_loop(1, _CPW // _NBUF, outer, 0)

        for b in range(_NBUF):
            wait_scatter(_CPW - _NBUF + b, b)

    return k(idx3d, table_flat)


def kernel(x, table):
    idx3d = x.astype(jnp.int32).reshape(_NW, 1, _RPW)
    table_rep = jnp.tile(table.reshape(1, -1), (_NW, 1)).reshape(_NW, 1, _V * _D)
    out = _sc_lookup(idx3d, table_rep)
    return out.reshape(_B, _S, _D)

# --- scband reference (transcript-rebuilt; emitter-appended) ---
"""Pipeline reference for scband-m2-8933531975816 (READ-ONLY COPY).

The authoritative reference and input builder live on the scoring server;
editing this copy changes nothing except your own understanding.
"""

import jax, jax.numpy as jnp
import numpy as np

def setup_inputs(seed: int = 0) -> dict:
    key = jax.random.key(seed)
    k1, k2 = jax.random.split(key)
    x = jax.random.randint(k1, (4096, 50), 0, 10, dtype=jnp.int64 if jax.config.jax_enable_x64 else jnp.int32)
    table = jax.random.normal(k2, (10, 512), dtype=jnp.float32)
    return {"x": x, "table": table}

def reference(x, table):
    # torch.nn.Embedding lookup: output[i, j, :] = table[x[i, j], :]
    return jnp.take(table, x, axis=0)

if __name__ == "__main__":
    import jax
    _d = setup_inputs()
    print(jax.jit(kernel)(*tuple(_d.values())))

</pallas_src>

<mosaic_0001>
#map = affine_map<(d0, d1) -> (0, 0, 0)>
#map1 = affine_map<(d0, d1) -> (0)>
module attributes {stable_mosaic.version = 14 : i64} {
  func.func @k(%arg0: i32, %arg1: i32, %arg2: memref<32x1x6400xi32, #tpu.memory_space<hbm>>, %arg3: memref<32x1x5120xf32, #tpu.memory_space<hbm>>, %arg4: memref<104857600xf32, #tpu.memory_space<hbm>>, %arg5: memref<1x6400xi32, #tpu.memory_space<vmem>>, %arg6: memref<1x5120xf32, #tpu.memory_space<vmem>>, %arg7: memref<16384xf32, #tpu.memory_space<vmem>>, %arg8: memref<16384xf32, #tpu.memory_space<vmem>>, %arg9: memref<16384xf32, #tpu.memory_space<vmem>>, %arg10: memref<16384xf32, #tpu.memory_space<vmem>>, %arg11: memref<!tpu.dma_semaphore, #tpu.memory_space<semaphore_mem>>, %arg12: memref<!tpu.dma_semaphore, #tpu.memory_space<semaphore_mem>>, %arg13: memref<!tpu.dma_semaphore, #tpu.memory_space<semaphore_mem>>, %arg14: memref<!tpu.dma_semaphore, #tpu.memory_space<semaphore_mem>>) attributes {dimension_semantics = [#tpu.dimension_semantics<core_parallel>, #tpu.dimension_semantics<subcore_parallel>], iteration_bounds = array<i64: 2, 16>, scalar_prefetch = 0 : i64, scratch_operands = 10 : i64, tpu.core_type = #tpu.core_type<sc_vector_subcore>, window_params = [{transform_indices = #map}, {transform_indices = #map}, {transform_indices = #map1}]} {
    %mul3A = arith.constant 2 : i32
    %mul3A_0 = arith.muli %arg1, %mul3A : i32
    %add3A = arith.addi %mul3A_0, %arg0 : i32
    "tpu.region"() ({
      %run_scoped3A = tpu.sem_alloc : memref<!tpu.dma_semaphore, #tpu.memory_space<semaphore_mem>>
      %dma_start3A_191 = arith.constant 0 : i32
      %dma_start3A_192 = arith.constant 0 : i32
      %dma_start3A_193 = tpu.memref_slice %arg2[%add3A, %dma_start3A_191, %dma_start3A_192] : memref<32x1x6400xi32, #tpu.memory_space<hbm>> -> memref<1x1x6400xi32, #tpu.memory_space<hbm>>
      %dma_start3A_194 = tpu.memref_squeeze %dma_start3A_193 : memref<1x1x6400xi32, #tpu.memory_space<hbm>> -> memref<1x6400xi32, #tpu.memory_space<hbm>>
      %dma_start3A_195 = arith.constant 0 : i32
      %dma_start3A_196 = arith.constant 0 : i32
      %dma_start3A_197 = tpu.memref_slice %arg2[%add3A, %dma_start3A_195, %dma_start3A_196] : memref<32x1x6400xi32, #tpu.memory_space<hbm>> -> memref<1x1x6400xi32, #tpu.memory_space<hbm>>
      %dma_start3A_198 = tpu.memref_squeeze %dma_start3A_197 : memref<1x1x6400xi32, #tpu.memory_space<hbm>> -> memref<1x6400xi32, #tpu.memory_space<hbm>>
      tpu.enqueue_dma source(%dma_start3A_198 : memref<1x6400xi32, #tpu.memory_space<hbm>>) target(%arg5 : memref<1x6400xi32, #tpu.memory_space<vmem>>) target_semaphore(%run_scoped3A : memref<!tpu.dma_semaphore, #tpu.memory_space<semaphore_mem>>)
      %dma_wait3A_199 = arith.constant 0 : i32
      %dma_wait3A_200 = arith.constant 0 : i32
      %dma_wait3A_201 = tpu.memref_slice %arg2[%add3A, %dma_wait3A_199, %dma_wait3A_200] : memref<32x1x6400xi32, #tpu.memory_space<hbm>> -> memref<1x1x6400xi32, #tpu.memory_space<hbm>>
      %dma_wait3A_202 = tpu.memref_squeeze %dma_wait3A_201 : memref<1x1x6400xi32, #tpu.memory_space<hbm>> -> memref<1x6400xi32, #tpu.memory_space<hbm>>
      %dma_wait3A_203 = arith.constant 0 : i32
      %dma_wait3A_204 = arith.constant 0 : i32
      %dma_wait3A_205 = tpu.memref_slice %arg2[%add3A, %dma_wait3A_203, %dma_wait3A_204] : memref<32x1x6400xi32, #tpu.memory_space<hbm>> -> memref<1x1x6400xi32, #tpu.memory_space<hbm>>
      %dma_wait3A_206 = tpu.memref_squeeze %dma_wait3A_205 : memref<1x1x6400xi32, #tpu.memory_space<hbm>> -> memref<1x6400xi32, #tpu.memory_space<hbm>>
      tpu.wait_dma2 semaphore(%run_scoped3A : memref<!tpu.dma_semaphore, #tpu.memory_space<semaphore_mem>>) src(%dma_wait3A_206 : memref<1x6400xi32, #tpu.memory_space<hbm>>) dst(%arg5 : memref<1x6400xi32, #tpu.memory_space<vmem>>)
      tpu.yield
    }) : () -> ()
    "tpu.region"() ({
      %run_scoped3A = tpu.sem_alloc : memref<!tpu.dma_semaphore, #tpu.memory_space<semaphore_mem>>
      %dma_start3A_191 = arith.constant 0 : i32
      %dma_start3A_192 = arith.constant 0 : i32
      %dma_start3A_193 = tpu.memref_slice %arg3[%add3A, %dma_start3A_191, %dma_start3A_192] : memref<32x1x5120xf32, #tpu.memory_space<hbm>> -> memref<1x1x5120xf32, #tpu.memory_space<hbm>>
      %dma_start3A_194 = tpu.memref_squeeze %dma_start3A_193 : memref<1x1x5120xf32, #tpu.memory_space<hbm>> -> memref<1x5120xf32, #tpu.memory_space<hbm>>
      %dma_start3A_195 = arith.constant 0 : i32
      %dma_start3A_196 = arith.constant 0 : i32
      %dma_start3A_197 = tpu.memref_slice %arg3[%add3A, %dma_start3A_195, %dma_start3A_196] : memref<32x1x5120xf32, #tpu.memory_space<hbm>> -> memref<1x1x5120xf32, #tpu.memory_space<hbm>>
      %dma_start3A_198 = tpu.memref_squeeze %dma_start3A_197 : memref<1x1x5120xf32, #tpu.memory_space<hbm>> -> memref<1x5120xf32, #tpu.memory_space<hbm>>
      tpu.enqueue_dma source(%dma_start3A_198 : memref<1x5120xf32, #tpu.memory_space<hbm>>) target(%arg6 : memref<1x5120xf32, #tpu.memory_space<vmem>>) target_semaphore(%run_scoped3A : memref<!tpu.dma_semaphore, #tpu.memory_space<semaphore_mem>>)
      %dma_wait3A_199 = arith.constant 0 : i32
      %dma_wait3A_200 = arith.constant 0 : i32
      %dma_wait3A_201 = tpu.memref_slice %arg3[%add3A, %dma_wait3A_199, %dma_wait3A_200] : memref<32x1x5120xf32, #tpu.memory_space<hbm>> -> memref<1x1x5120xf32, #tpu.memory_space<hbm>>
      %dma_wait3A_202 = tpu.memref_squeeze %dma_wait3A_201 : memref<1x1x5120xf32, #tpu.memory_space<hbm>> -> memref<1x5120xf32, #tpu.memory_space<hbm>>
      %dma_wait3A_203 = arith.constant 0 : i32
      %dma_wait3A_204 = arith.constant 0 : i32
      %dma_wait3A_205 = tpu.memref_slice %arg3[%add3A, %dma_wait3A_203, %dma_wait3A_204] : memref<32x1x5120xf32, #tpu.memory_space<hbm>> -> memref<1x1x5120xf32, #tpu.memory_space<hbm>>
      %dma_wait3A_206 = tpu.memref_squeeze %dma_wait3A_205 : memref<1x1x5120xf32, #tpu.memory_space<hbm>> -> memref<1x5120xf32, #tpu.memory_space<hbm>>
      tpu.wait_dma2 semaphore(%run_scoped3A : memref<!tpu.dma_semaphore, #tpu.memory_space<semaphore_mem>>) src(%dma_wait3A_206 : memref<1x5120xf32, #tpu.memory_space<hbm>>) dst(%arg6 : memref<1x5120xf32, #tpu.memory_space<vmem>>)
      tpu.yield
    }) : () -> ()
    %iota3A = tpu.iota {dimensions = array<i32: 0>} : vector<16xi32>
    %add3A_1 = arith.constant 0 : i32
    %add3A_2 = vector.broadcast %add3A_1 : i32 to vector<16xi32>
    %add3A_3 = arith.addi %add3A_2, %iota3A : vector<16xi32>
    %mul3A_4 = arith.constant 512 : i32
    %mul3A_5 = vector.broadcast %mul3A_4 : i32 to vector<16xi32>
    %mul3A_6 = arith.muli %add3A_3, %mul3A_5 : vector<16xi32>
    %add3A_7 = arith.constant 16 : i32
    %add3A_8 = vector.broadcast %add3A_7 : i32 to vector<16xi32>
    %add3A_9 = arith.addi %add3A_8, %iota3A : vector<16xi32>
    %mul3A_10 = arith.constant 512 : i32
    %mul3A_11 = vector.broadcast %mul3A_10 : i32 to vector<16xi32>
    %mul3A_12 = arith.muli %add3A_9, %mul3A_11 : vector<16xi32>
    %get3A = arith.constant 0 : i32
    %get3A_13 = arith.index_cast %get3A : i32 to index
    %get3A_14 = arith.constant 0 : index
    %get3A_15 = tpu.vector_load %arg5[%get3A_13, %get3A_14] {strides = array<i32>} : memref<1x6400xi32, #tpu.memory_space<vmem>>, vector<16xi32>,
    %mul3A_16 = arith.constant 512 : i32
    %mul3A_17 = vector.broadcast %mul3A_16 : i32 to vector<16xi32>
    %mul3A_18 = arith.muli %get3A_15, %mul3A_17 : vector<16xi32>
    %parallel_loop3A = arith.constant 0 : i32
    %parallel_loop3A_19 = arith.constant 512 : i32
    %parallel_loop3A_20 = arith.constant 1 : i32
    %parallel_loop3A_21 = arith.constant 0 : i32
    %parallel_loop3A_22 = scf.for %parallel_loop3A_191 = %parallel_loop3A to %parallel_loop3A_19 step %parallel_loop3A_20 iter_args(%parallel_loop3A_192 = %iota3A) -> (vector<16xi32>)  : i32 {
      %parallel_loop3A_193 = arith.addi %mul3A_18, %parallel_loop3A_192 : vector<16xi32>
      %parallel_loop3A_194 = arith.constant 0 : i32
      %parallel_loop3A_195 = tpu.memref_slice %arg6[%parallel_loop3A_21, %parallel_loop3A_194] : memref<1x5120xf32, #tpu.memory_space<vmem>> -> memref<1x5120xf32, #tpu.memory_space<vmem>>
      %parallel_loop3A_196 = tpu.memref_squeeze %parallel_loop3A_195 : memref<1x5120xf32, #tpu.memory_space<vmem>> -> memref<5120xf32, #tpu.memory_space<vmem>>
      %parallel_loop3A_197 = tpu.vector_load_idx %parallel_loop3A_196[%parallel_loop3A_193] : memref<5120xf32, #tpu.memory_space<vmem>>[vector<16xi32>], vector<16xf32>,
      %parallel_loop3A_198 = arith.addi %mul3A_6, %parallel_loop3A_192 : vector<16xi32>
      tpu.vector_store_idx %arg7[%parallel_loop3A_198], %parallel_loop3A_197 : memref<16384xf32, #tpu.memory_space<vmem>>[vector<16xi32>], vector<16xf32>,
      %parallel_loop3A_199 = arith.constant 1 : i32
      %parallel_loop3A_200 = vector.broadcast %parallel_loop3A_199 : i32 to vector<16xi32>
      %parallel_loop3A_201 = arith.addi %parallel_loop3A_192, %parallel_loop3A_200 : vector<16xi32>
      %parallel_loop3A_202 = arith.constant 511 : i32
      %parallel_loop3A_203 = vector.broadcast %parallel_loop3A_202 : i32 to vector<16xi32>
      %parallel_loop3A_204 = arith.andi %parallel_loop3A_201, %parallel_loop3A_203 : vector<16xi32>
      scf.yield %parallel_loop3A_204 : vector<16xi32>
    } {sc.loop_unroll_factor = 8 : i64, sc.parallel_access}
    %get3A_23 = arith.constant 0 : i32
    %get3A_24 = arith.index_cast %get3A_23 : i32 to index
    %get3A_25 = arith.constant 16 : index
    %get3A_26 = tpu.vector_load %arg5[%get3A_24, %get3A_25] {strides = array<i32>} : memref<1x6400xi32, #tpu.memory_space<vmem>>, vector<16xi32>,
    %mul3A_27 = arith.constant 512 : i32
    %mul3A_28 = vector.broadcast %mul3A_27 : i32 to vector<16xi32>
    %mul3A_29 = arith.muli %get3A_26, %mul3A_28 : vector<16xi32>
    %parallel_loop3A_30 = arith.constant 0 : i32
    %parallel_loop3A_31 = arith.constant 512 : i32
    %parallel_loop3A_32 = arith.constant 1 : i32
    %parallel_loop3A_33 = arith.constant 0 : i32
    %parallel_loop3A_34 = scf.for %parallel_loop3A_191 = %parallel_loop3A_30 to %parallel_loop3A_31 step %parallel_loop3A_32 iter_args(%parallel_loop3A_192 = %iota3A) -> (vector<16xi32>)  : i32 {
      %parallel_loop3A_193 = arith.addi %mul3A_29, %parallel_loop3A_192 : vector<16xi32>
      %parallel_loop3A_194 = arith.constant 0 : i32
      %parallel_loop3A_195 = tpu.memref_slice %arg6[%parallel_loop3A_33, %parallel_loop3A_194] : memref<1x5120xf32, #tpu.memory_space<vmem>> -> memref<1x5120xf32, #tpu.memory_space<vmem>>
      %parallel_loop3A_196 = tpu.memref_squeeze %parallel_loop3A_195 : memref<1x5120xf32, #tpu.memory_space<vmem>> -> memref<5120xf32, #tpu.memory_space<vmem>>
      %parallel_loop3A_197 = tpu.vector_load_idx %parallel_loop3A_196[%parallel_loop3A_193] : memref<5120xf32, #tpu.memory_space<vmem>>[vector<16xi32>], vector<16xf32>,
      %parallel_loop3A_198 = arith.addi %mul3A_12, %parallel_loop3A_192 : vector<16xi32>
      tpu.vector_store_idx %arg7[%parallel_loop3A_198], %parallel_loop3A_197 : memref<16384xf32, #tpu.memory_space<vmem>>[vector<16xi32>], vector<16xf32>,
      %parallel_loop3A_199 = arith.constant 1 : i32
      %parallel_loop3A_200 = vector.broadcast %parallel_loop3A_199 : i32 to vector<16xi32>
      %parallel_loop3A_201 = arith.addi %parallel_loop3A_192, %parallel_loop3A_200 : vector<16xi32>
      %parallel_loop3A_202 = arith.constant 511 : i32
      %parallel_loop3A_203 = vector.broadcast %parallel_loop3A_202 : i32 to vector<16xi32>
      %parallel_loop3A_204 = arith.andi %parallel_loop3A_201, %parallel_loop3A_203 : vector<16xi32>
      scf.yield %parallel_loop3A_204 : vector<16xi32>
    } {sc.loop_unroll_factor = 8 : i64, sc.parallel_access}
    %mul3A_35 = arith.constant 200 : i32
    %mul3A_36 = arith.muli %add3A, %mul3A_35 : i32
    %add3A_37 = arith.constant 0 : i32
    %add3A_38 = arith.addi %mul3A_36, %add3A_37 : i32
    %mul3A_39 = arith.constant 32 : i32
    %mul3A_40 = arith.muli %add3A_38, %mul3A_39 : i32
    %mul3A_41 = arith.constant 512 : i32
    %mul3A_42 = arith.muli %mul3A_40, %mul3A_41 : i32
    %dma_start3A = tpu.memref_slice %arg4[%mul3A_42] : memref<104857600xf32, #tpu.memory_space<hbm>> -> memref<16384xf32, #tpu.memory_space<hbm>>
    %dma_start3A_43 = tpu.memref_slice %arg4[%mul3A_42] : memref<104857600xf32, #tpu.memory_space<hbm>> -> memref<16384xf32, #tpu.memory_space<hbm>>
    tpu.enqueue_dma source(%arg7 : memref<16384xf32, #tpu.memory_space<vmem>>) target(%dma_start3A_43 : memref<16384xf32, #tpu.memory_space<hbm>>) target_semaphore(%arg11 : memref<!tpu.dma_semaphore, #tpu.memory_space<semaphore_mem>>)
    %get3A_44 = arith.constant 0 : i32
    %get3A_45 = arith.index_cast %get3A_44 : i32 to index
    %get3A_46 = arith.constant 32 : index
    %get3A_47 = tpu.vector_load %arg5[%get3A_45, %get3A_46] {strides = array<i32>} : memref<1x6400xi32, #tpu.memory_space<vmem>>, vector<16xi32>,
    %mul3A_48 = arith.constant 512 : i32
    %mul3A_49 = vector.broadcast %mul3A_48 : i32 to vector<16xi32>
    %mul3A_50 = arith.muli %get3A_47, %mul3A_49 : vector<16xi32>
    %parallel_loop3A_51 = arith.constant 0 : i32
    %parallel_loop3A_52 = arith.constant 512 : i32
    %parallel_loop3A_53 = arith.constant 1 : i32
    %parallel_loop3A_54 = arith.constant 0 : i32
    %parallel_loop3A_55 = scf.for %parallel_loop3A_191 = %parallel_loop3A_51 to %parallel_loop3A_52 step %parallel_loop3A_53 iter_args(%parallel_loop3A_192 = %iota3A) -> (vector<16xi32>)  : i32 {
      %parallel_loop3A_193 = arith.addi %mul3A_50, %parallel_loop3A_192 : vector<16xi32>
      %parallel_loop3A_194 = arith.constant 0 : i32
      %parallel_loop3A_195 = tpu.memref_slice %arg6[%parallel_loop3A_54, %parallel_loop3A_194] : memref<1x5120xf32, #tpu.memory_space<vmem>> -> memref<1x5120xf32, #tpu.memory_space<vmem>>
      %parallel_loop3A_196 = tpu.memref_squeeze %parallel_loop3A_195 : memref<1x5120xf32, #tpu.memory_space<vmem>> -> memref<5120xf32, #tpu.memory_space<vmem>>
      %parallel_loop3A_197 = tpu.vector_load_idx %parallel_loop3A_196[%parallel_loop3A_193] : memref<5120xf32, #tpu.memory_space<vmem>>[vector<16xi32>], vector<16xf32>,
      %parallel_loop3A_198 = arith.addi %mul3A_6, %parallel_loop3A_192 : vector<16xi32>
      tpu.vector_store_idx %arg8[%parallel_loop3A_198], %parallel_loop3A_197 : memref<16384xf32, #tpu.memory_space<vmem>>[vector<16xi32>], vector<16xf32>,
      %parallel_loop3A_199 = arith.constant 1 : i32
      %parallel_loop3A_200 = vector.broadcast %parallel_loop3A_199 : i32 to vector<16xi32>
      %parallel_loop3A_201 = arith.addi %parallel_loop3A_192, %parallel_loop3A_200 : vector<16xi32>
      %parallel_loop3A_202 = arith.constant 511 : i32
      %parallel_loop3A_203 = vector.broadcast %parallel_loop3A_202 : i32 to vector<16xi32>
      %parallel_loop3A_204 = arith.andi %parallel_loop3A_201, %parallel_loop3A_203 : vector<16xi32>
      scf.yield %parallel_loop3A_204 : vector<16xi32>
    } {sc.loop_unroll_factor = 8 : i64, sc.parallel_access}
    %get3A_56 = arith.constant 0 : i32
    %get3A_57 = arith.index_cast %get3A_56 : i32 to index
    %get3A_58 = arith.constant 48 : index
    %get3A_59 = tpu.vector_load %arg5[%get3A_57, %get3A_58] {strides = array<i32>} : memref<1x6400xi32, #tpu.memory_space<vmem>>, vector<16xi32>,
    %mul3A_60 = arith.constant 512 : i32
    %mul3A_61 = vector.broadcast %mul3A_60 : i32 to vector<16xi32>
    %mul3A_62 = arith.muli %get3A_59, %mul3A_61 : vector<16xi32>
    %parallel_loop3A_63 = arith.constant 0 : i32
    %parallel_loop3A_64 = arith.constant 512 : i32
    %parallel_loop3A_65 = arith.constant 1 : i32
    %parallel_loop3A_66 = arith.constant 0 : i32
    %parallel_loop3A_67 = scf.for %parallel_loop3A_191 = %parallel_loop3A_63 to %parallel_loop3A_64 step %parallel_loop3A_65 iter_args(%parallel_loop3A_192 = %iota3A) -> (vector<16xi32>)  : i32 {
      %parallel_loop3A_193 = arith.addi %mul3A_62, %parallel_loop3A_192 : vector<16xi32>
      %parallel_loop3A_194 = arith.constant 0 : i32
      %parallel_loop3A_195 = tpu.memref_slice %arg6[%parallel_loop3A_66, %parallel_loop3A_194] : memref<1x5120xf32, #tpu.memory_space<vmem>> -> memref<1x5120xf32, #tpu.memory_space<vmem>>
      %parallel_loop3A_196 = tpu.memref_squeeze %parallel_loop3A_195 : memref<1x5120xf32, #tpu.memory_space<vmem>> -> memref<5120xf32, #tpu.memory_space<vmem>>
      %parallel_loop3A_197 = tpu.vector_load_idx %parallel_loop3A_196[%parallel_loop3A_193] : memref<5120xf32, #tpu.memory_space<vmem>>[vector<16xi32>], vector<16xf32>,
      %parallel_loop3A_198 = arith.addi %mul3A_12, %parallel_loop3A_192 : vector<16xi32>
      tpu.vector_store_idx %arg8[%parallel_loop3A_198], %parallel_loop3A_197 : memref<16384xf32, #tpu.memory_space<vmem>>[vector<16xi32>], vector<16xf32>,
      %parallel_loop3A_199 = arith.constant 1 : i32
      %parallel_loop3A_200 = vector.broadcast %parallel_loop3A_199 : i32 to vector<16xi32>
      %parallel_loop3A_201 = arith.addi %parallel_loop3A_192, %parallel_loop3A_200 : vector<16xi32>
      %parallel_loop3A_202 = arith.constant 511 : i32
      %parallel_loop3A_203 = vector.broadcast %parallel_loop3A_202 : i32 to vector<16xi32>
      %parallel_loop3A_204 = arith.andi %parallel_loop3A_201, %parallel_loop3A_203 : vector<16xi32>
      scf.yield %parallel_loop3A_204 : vector<16xi32>
    } {sc.loop_unroll_factor = 8 : i64, sc.parallel_access}
    %mul3A_68 = arith.constant 200 : i32
    %mul3A_69 = arith.muli %add3A, %mul3A_68 : i32
    %add3A_70 = arith.constant 1 : i32
    %add3A_71 = arith.addi %mul3A_69, %add3A_70 : i32
    %mul3A_72 = arith.constant 32 : i32
    %mul3A_73 = arith.muli %add3A_71, %mul3A_72 : i32
    %mul3A_74 = arith.constant 512 : i32
    %mul3A_75 = arith.muli %mul3A_73, %mul3A_74 : i32
    %dma_start3A_76 = tpu.memref_slice %arg4[%mul3A_75] : memref<104857600xf32, #tpu.memory_space<hbm>> -> memref<16384xf32, #tpu.memory_space<hbm>>
    %dma_start3A_77 = tpu.memref_slice %arg4[%mul3A_75] : memref<104857600xf32, #tpu.memory_space<hbm>> -> memref<16384xf32, #tpu.memory_space<hbm>>
    tpu.enqueue_dma source(%arg8 : memref<16384xf32, #tpu.memory_space<vmem>>) target(%dma_start3A_77 : memref<16384xf32, #tpu.memory_space<hbm>>) target_semaphore(%arg12 : memref<!tpu.dma_semaphore, #tpu.memory_space<semaphore_mem>>)
    %get3A_78 = arith.constant 0 : i32
    %get3A_79 = arith.index_cast %get3A_78 : i32 to index
    %get3A_80 = arith.constant 64 : index
    %get3A_81 = tpu.vector_load %arg5[%get3A_79, %get3A_80] {strides = array<i32>} : memref<1x6400xi32, #tpu.memory_space<vmem>>, vector<16xi32>,
    %mul3A_82 = arith.constant 512 : i32
    %mul3A_83 = vector.broadcast %mul3A_82 : i32 to vector<16xi32>
    %mul3A_84 = arith.muli %get3A_81, %mul3A_83 : vector<16xi32>
    %parallel_loop3A_85 = arith.constant 0 : i32
    %parallel_loop3A_86 = arith.constant 512 : i32
    %parallel_loop3A_87 = arith.constant 1 : i32
    %parallel_loop3A_88 = arith.constant 0 : i32
    %parallel_loop3A_89 = scf.for %parallel_loop3A_191 = %parallel_loop3A_85 to %parallel_loop3A_86 step %parallel_loop3A_87 iter_args(%parallel_loop3A_192 = %iota3A) -> (vector<16xi32>)  : i32 {
      %parallel_loop3A_193 = arith.addi %mul3A_84, %parallel_loop3A_192 : vector<16xi32>
      %parallel_loop3A_194 = arith.constant 0 : i32
      %parallel_loop3A_195 = tpu.memref_slice %arg6[%parallel_loop3A_88, %parallel_loop3A_194] : memref<1x5120xf32, #tpu.memory_space<vmem>> -> memref<1x5120xf32, #tpu.memory_space<vmem>>
      %parallel_loop3A_196 = tpu.memref_squeeze %parallel_loop3A_195 : memref<1x5120xf32, #tpu.memory_space<vmem>> -> memref<5120xf32, #tpu.memory_space<vmem>>
      %parallel_loop3A_197 = tpu.vector_load_idx %parallel_loop3A_196[%parallel_loop3A_193] : memref<5120xf32, #tpu.memory_space<vmem>>[vector<16xi32>], vector<16xf32>,
      %parallel_loop3A_198 = arith.addi %mul3A_6, %parallel_loop3A_192 : vector<16xi32>
      tpu.vector_store_idx %arg9[%parallel_loop3A_198], %parallel_loop3A_197 : memref<16384xf32, #tpu.memory_space<vmem>>[vector<16xi32>], vector<16xf32>,
      %parallel_loop3A_199 = arith.constant 1 : i32
      %parallel_loop3A_200 = vector.broadcast %parallel_loop3A_199 : i32 to vector<16xi32>
      %parallel_loop3A_201 = arith.addi %parallel_loop3A_192, %parallel_loop3A_200 : vector<16xi32>
      %parallel_loop3A_202 = arith.constant 511 : i32
      %parallel_loop3A_203 = vector.broadcast %parallel_loop3A_202 : i32 to vector<16xi32>
      %parallel_loop3A_204 = arith.andi %parallel_loop3A_201, %parallel_loop3A_203 : vector<16xi32>
      scf.yield %parallel_loop3A_204 : vector<16xi32>
    } {sc.loop_unroll_factor = 8 : i64, sc.parallel_access}
    %get3A_90 = arith.constant 0 : i32
    %get3A_91 = arith.index_cast %get3A_90 : i32 to index
    %get3A_92 = arith.constant 80 : index
    %get3A_93 = tpu.vector_load %arg5[%get3A_91, %get3A_92] {strides = array<i32>} : memref<1x6400xi32, #tpu.memory_space<vmem>>, vector<16xi32>,
    %mul3A_94 = arith.constant 512 : i32
    %mul3A_95 = vector.broadcast %mul3A_94 : i32 to vector<16xi32>
    %mul3A_96 = arith.muli %get3A_93, %mul3A_95 : vector<16xi32>
    %parallel_loop3A_97 = arith.constant 0 : i32
    %parallel_loop3A_98 = arith.constant 512 : i32
    %parallel_loop3A_99 = arith.constant 1 : i32
    %parallel_loop3A_100 = arith.constant 0 : i32
    %parallel_loop3A_101 = scf.for %parallel_loop3A_191 = %parallel_loop3A_97 to %parallel_loop3A_98 step %parallel_loop3A_99 iter_args(%parallel_loop3A_192 = %iota3A) -> (vector<16xi32>)  : i32 {
      %parallel_loop3A_193 = arith.addi %mul3A_96, %parallel_loop3A_192 : vector<16xi32>
      %parallel_loop3A_194 = arith.constant 0 : i32
      %parallel_loop3A_195 = tpu.memref_slice %arg6[%parallel_loop3A_100, %parallel_loop3A_194] : memref<1x5120xf32, #tpu.memory_space<vmem>> -> memref<1x5120xf32, #tpu.memory_space<vmem>>
      %parallel_loop3A_196 = tpu.memref_squeeze %parallel_loop3A_195 : memref<1x5120xf32, #tpu.memory_space<vmem>> -> memref<5120xf32, #tpu.memory_space<vmem>>
      %parallel_loop3A_197 = tpu.vector_load_idx %parallel_loop3A_196[%parallel_loop3A_193] : memref<5120xf32, #tpu.memory_space<vmem>>[vector<16xi32>], vector<16xf32>,
      %parallel_loop3A_198 = arith.addi %mul3A_12, %parallel_loop3A_192 : vector<16xi32>
      tpu.vector_store_idx %arg9[%parallel_loop3A_198], %parallel_loop3A_197 : memref<16384xf32, #tpu.memory_space<vmem>>[vector<16xi32>], vector<16xf32>,
      %parallel_loop3A_199 = arith.constant 1 : i32
      %parallel_loop3A_200 = vector.broadcast %parallel_loop3A_199 : i32 to vector<16xi32>
      %parallel_loop3A_201 = arith.addi %parallel_loop3A_192, %parallel_loop3A_200 : vector<16xi32>
      %parallel_loop3A_202 = arith.constant 511 : i32
      %parallel_loop3A_203 = vector.broadcast %parallel_loop3A_202 : i32 to vector<16xi32>
      %parallel_loop3A_204 = arith.andi %parallel_loop3A_201, %parallel_loop3A_203 : vector<16xi32>
      scf.yield %parallel_loop3A_204 : vector<16xi32>
    } {sc.loop_unroll_factor = 8 : i64, sc.parallel_access}
    %mul3A_102 = arith.constant 200 : i32
    %mul3A_103 = arith.muli %add3A, %mul3A_102 : i32
    %add3A_104 = arith.constant 2 : i32
    %add3A_105 = arith.addi %mul3A_103, %add3A_104 : i32
    %mul3A_106 = arith.constant 32 : i32
    %mul3A_107 = arith.muli %add3A_105, %mul3A_106 : i32
    %mul3A_108 = arith.constant 512 : i32
    %mul3A_109 = arith.muli %mul3A_107, %mul3A_108 : i32
    %dma_start3A_110 = tpu.memref_slice %arg4[%mul3A_109] : memref<104857600xf32, #tpu.memory_space<hbm>> -> memref<16384xf32, #tpu.memory_space<hbm>>
    %dma_start3A_111 = tpu.memref_slice %arg4[%mul3A_109] : memref<104857600xf32, #tpu.memory_space<hbm>> -> memref<16384xf32, #tpu.memory_space<hbm>>
    tpu.enqueue_dma source(%arg9 : memref<16384xf32, #tpu.memory_space<vmem>>) target(%dma_start3A_111 : memref<16384xf32, #tpu.memory_space<hbm>>) target_semaphore(%arg13 : memref<!tpu.dma_semaphore, #tpu.memory_space<semaphore_mem>>)
    %get3A_112 = arith.constant 0 : i32
    %get3A_113 = arith.index_cast %get3A_112 : i32 to index
    %get3A_114 = arith.constant 96 : index
    %get3A_115 = tpu.vector_load %arg5[%get3A_113, %get3A_114] {strides = array<i32>} : memref<1x6400xi32, #tpu.memory_space<vmem>>, vector<16xi32>,
    %mul3A_116 = arith.constant 512 : i32
    %mul3A_117 = vector.broadcast %mul3A_116 : i32 to vector<16xi32>
    %mul3A_118 = arith.muli %get3A_115, %mul3A_117 : vector<16xi32>
    %parallel_loop3A_119 = arith.constant 0 : i32
    %parallel_loop3A_120 = arith.constant 512 : i32
    %parallel_loop3A_121 = arith.constant 1 : i32
    %parallel_loop3A_122 = arith.constant 0 : i32
    %parallel_loop3A_123 = scf.for %parallel_loop3A_191 = %parallel_loop3A_119 to %parallel_loop3A_120 step %parallel_loop3A_121 iter_args(%parallel_loop3A_192 = %iota3A) -> (vector<16xi32>)  : i32 {
      %parallel_loop3A_193 = arith.addi %mul3A_118, %parallel_loop3A_192 : vector<16xi32>
      %parallel_loop3A_194 = arith.constant 0 : i32
      %parallel_loop3A_195 = tpu.memref_slice %arg6[%parallel_loop3A_122, %parallel_loop3A_194] : memref<1x5120xf32, #tpu.memory_space<vmem>> -> memref<1x5120xf32, #tpu.memory_space<vmem>>
      %parallel_loop3A_196 = tpu.memref_squeeze %parallel_loop3A_195 : memref<1x5120xf32, #tpu.memory_space<vmem>> -> memref<5120xf32, #tpu.memory_space<vmem>>
      %parallel_loop3A_197 = tpu.vector_load_idx %parallel_loop3A_196[%parallel_loop3A_193] : memref<5120xf32, #tpu.memory_space<vmem>>[vector<16xi32>], vector<16xf32>,
      %parallel_loop3A_198 = arith.addi %mul3A_6, %parallel_loop3A_192 : vector<16xi32>
      tpu.vector_store_idx %arg10[%parallel_loop3A_198], %parallel_loop3A_197 : memref<16384xf32, #tpu.memory_space<vmem>>[vector<16xi32>], vector<16xf32>,
      %parallel_loop3A_199 = arith.constant 1 : i32
      %parallel_loop3A_200 = vector.broadcast %parallel_loop3A_199 : i32 to vector<16xi32>
      %parallel_loop3A_201 = arith.addi %parallel_loop3A_192, %parallel_loop3A_200 : vector<16xi32>
      %parallel_loop3A_202 = arith.constant 511 : i32
      %parallel_loop3A_203 = vector.broadcast %parallel_loop3A_202 : i32 to vector<16xi32>
      %parallel_loop3A_204 = arith.andi %parallel_loop3A_201, %parallel_loop3A_203 : vector<16xi32>
      scf.yield %parallel_loop3A_204 : vector<16xi32>
    } {sc.loop_unroll_factor = 8 : i64, sc.parallel_access}
    %get3A_124 = arith.constant 0 : i32
    %get3A_125 = arith.index_cast %get3A_124 : i32 to index
    %get3A_126 = arith.constant 112 : index
    %get3A_127 = tpu.vector_load %arg5[%get3A_125, %get3A_126] {strides = array<i32>} : memref<1x6400xi32, #tpu.memory_space<vmem>>, vector<16xi32>,
    %mul3A_128 = arith.constant 512 : i32
    %mul3A_129 = vector.broadcast %mul3A_128 : i32 to vector<16xi32>
    %mul3A_130 = arith.muli %get3A_127, %mul3A_129 : vector<16xi32>
    %parallel_loop3A_131 = arith.constant 0 : i32
    %parallel_loop3A_132 = arith.constant 512 : i32
    %parallel_loop3A_133 = arith.constant 1 : i32
    %parallel_loop3A_134 = arith.constant 0 : i32
    %parallel_loop3A_135 = scf.for %parallel_loop3A_191 = %parallel_loop3A_131 to %parallel_loop3A_132 step %parallel_loop3A_133 iter_args(%parallel_loop3A_192 = %iota3A) -> (vector<16xi32>)  : i32 {
      %parallel_loop3A_193 = arith.addi %mul3A_130, %parallel_loop3A_192 : vector<16xi32>
      %parallel_loop3A_194 = arith.constant 0 : i32
      %parallel_loop3A_195 = tpu.memref_slice %arg6[%parallel_loop3A_134, %parallel_loop3A_194] : memref<1x5120xf32, #tpu.memory_space<vmem>> -> memref<1x5120xf32, #tpu.memory_space<vmem>>
      %parallel_loop3A_196 = tpu.memref_squeeze %parallel_loop3A_195 : memref<1x5120xf32, #tpu.memory_space<vmem>> -> memref<5120xf32, #tpu.memory_space<vmem>>
      %parallel_loop3A_197 = tpu.vector_load_idx %parallel_loop3A_196[%parallel_loop3A_193] : memref<5120xf32, #tpu.memory_space<vmem>>[vector<16xi32>], vector<16xf32>,
      %parallel_loop3A_198 = arith.addi %mul3A_12, %parallel_loop3A_192 : vector<16xi32>
      tpu.vector_store_idx %arg10[%parallel_loop3A_198], %parallel_loop3A_197 : memref<16384xf32, #tpu.memory_space<vmem>>[vector<16xi32>], vector<16xf32>,
      %parallel_loop3A_199 = arith.constant 1 : i32
      %parallel_loop3A_200 = vector.broadcast %parallel_loop3A_199 : i32 to vector<16xi32>
      %parallel_loop3A_201 = arith.addi %parallel_loop3A_192, %parallel_loop3A_200 : vector<16xi32>
      %parallel_loop3A_202 = arith.constant 511 : i32
      %parallel_loop3A_203 = vector.broadcast %parallel_loop3A_202 : i32 to vector<16xi32>
      %parallel_loop3A_204 = arith.andi %parallel_loop3A_201, %parallel_loop3A_203 : vector<16xi32>
      scf.yield %parallel_loop3A_204 : vector<16xi32>
    } {sc.loop_unroll_factor = 8 : i64, sc.parallel_access}
    %mul3A_136 = arith.constant 200 : i32
    %mul3A_137 = arith.muli %add3A, %mul3A_136 : i32
    %add3A_138 = arith.constant 3 : i32
    %add3A_139 = arith.addi %mul3A_137, %add3A_138 : i32
    %mul3A_140 = arith.constant 32 : i32
    %mul3A_141 = arith.muli %add3A_139, %mul3A_140 : i32
    %mul3A_142 = arith.constant 512 : i32
    %mul3A_143 = arith.muli %mul3A_141, %mul3A_142 : i32
    %dma_start3A_144 = tpu.memref_slice %arg4[%mul3A_143] : memref<104857600xf32, #tpu.memory_space<hbm>> -> memref<16384xf32, #tpu.memory_space<hbm>>
    %dma_start3A_145 = tpu.memref_slice %arg4[%mul3A_143] : memref<104857600xf32, #tpu.memory_space<hbm>> -> memref<16384xf32, #tpu.memory_space<hbm>>
    tpu.enqueue_dma source(%arg10 : memref<16384xf32, #tpu.memory_space<vmem>>) target(%dma_start3A_145 : memref<16384xf32, #tpu.memory_space<hbm>>) target_semaphore(%arg14 : memref<!tpu.dma_semaphore, #tpu.memory_space<semaphore_mem>>)
    %scan3A = arith.constant 0 : i32
    %scan3A_146 = arith.constant 0 : i32
    %scan3A_147 = arith.constant 1 : i32
    %scan3A_148 = arith.constant 49 : i32
    %scan3A_149 = arith.addi %scan3A_147, %scan3A_148 : i32
    %scan3A_150 = arith.constant 1 : i32
    scf.for %scan3A_191 = %scan3A_147 to %scan3A_149 step %scan3A_150  : i32 {
      %mul3A_192 = arith.constant 4 : i32
      %mul3A_193 = arith.muli %scan3A_191, %mul3A_192 : i32
      %add3A_194 = arith.constant 0 : i32
      %add3A_195 = arith.addi %mul3A_193, %add3A_194 : i32
      %sub3A = arith.constant 4 : i32
      %sub3A_196 = arith.subi %add3A_195, %sub3A : i32
      %mul3A_197 = arith.constant 200 : i32
      %mul3A_198 = arith.muli %add3A, %mul3A_197 : i32
      %add3A_199 = arith.addi %mul3A_198, %sub3A_196 : i32
      %mul3A_200 = arith.constant 32 : i32
      %mul3A_201 = arith.muli %add3A_199, %mul3A_200 : i32
      %mul3A_202 = arith.constant 512 : i32
      %mul3A_203 = arith.muli %mul3A_201, %mul3A_202 : i32
      %dma_wait3A_204 = tpu.memref_slice %arg4[%mul3A_203] : memref<104857600xf32, #tpu.memory_space<hbm>> -> memref<16384xf32, #tpu.memory_space<hbm>>
      %dma_wait3A_205 = tpu.memref_slice %arg4[%mul3A_203] : memref<104857600xf32, #tpu.memory_space<hbm>> -> memref<16384xf32, #tpu.memory_space<hbm>>
      tpu.wait_dma2 semaphore(%arg11 : memref<!tpu.dma_semaphore, #tpu.memory_space<semaphore_mem>>) src(%arg7 : memref<16384xf32, #tpu.memory_space<vmem>>) dst(%dma_wait3A_205 : memref<16384xf32, #tpu.memory_space<hbm>>)
      %mul3A_206 = arith.constant 32 : i32
      %mul3A_207 = arith.muli %add3A_195, %mul3A_206 : i32
      %add3A_208 = arith.constant 0 : i32
      %add3A_209 = arith.addi %mul3A_207, %add3A_208 : i32
      %get3A_210 = arith.constant 0 : i32
      %get3A_211 = arith.index_cast %get3A_210 : i32 to index
      %get3A_212 = arith.index_cast %add3A_209 : i32 to index
      %get3A_213 = tpu.vector_load %arg5[%get3A_211, %get3A_212] {strides = array<i32>} : memref<1x6400xi32, #tpu.memory_space<vmem>>, vector<16xi32>,
      %mul3A_214 = arith.constant 512 : i32
      %mul3A_215 = vector.broadcast %mul3A_214 : i32 to vector<16xi32>
      %mul3A_216 = arith.muli %get3A_213, %mul3A_215 : vector<16xi32>
      %parallel_loop3A_217 = arith.constant 0 : i32
      %parallel_loop3A_218 = arith.constant 512 : i32
      %parallel_loop3A_219 = arith.constant 1 : i32
      %parallel_loop3A_220 = scf.for %parallel_loop3A_407 = %parallel_loop3A_217 to %parallel_loop3A_218 step %parallel_loop3A_219 iter_args(%parallel_loop3A_408 = %iota3A) -> (vector<16xi32>)  : i32 {
        %parallel_loop3A_409 = arith.addi %mul3A_216, %parallel_loop3A_408 : vector<16xi32>
        %parallel_loop3A_410 = arith.constant 0 : i32
        %parallel_loop3A_411 = tpu.memref_slice %arg6[%scan3A_146, %parallel_loop3A_410] : memref<1x5120xf32, #tpu.memory_space<vmem>> -> memref<1x5120xf32, #tpu.memory_space<vmem>>
        %parallel_loop3A_412 = tpu.memref_squeeze %parallel_loop3A_411 : memref<1x5120xf32, #tpu.memory_space<vmem>> -> memref<5120xf32, #tpu.memory_space<vmem>>
        %parallel_loop3A_413 = tpu.vector_load_idx %parallel_loop3A_412[%parallel_loop3A_409] : memref<5120xf32, #tpu.memory_space<vmem>>[vector<16xi32>], vector<16xf32>,
        %parallel_loop3A_414 = arith.addi %mul3A_6, %parallel_loop3A_408 : vector<16xi32>
        tpu.vector_store_idx %arg7[%parallel_loop3A_414], %parallel_loop3A_413 : memref<16384xf32, #tpu.memory_space<vmem>>[vector<16xi32>], vector<16xf32>,
        %parallel_loop3A_415 = arith.constant 1 : i32
        %parallel_loop3A_416 = vector.broadcast %parallel_loop3A_415 : i32 to vector<16xi32>
        %parallel_loop3A_417 = arith.addi %parallel_loop3A_408, %parallel_loop3A_416 : vector<16xi32>
        %parallel_loop3A_418 = arith.constant 511 : i32
        %parallel_loop3A_419 = vector.broadcast %parallel_loop3A_418 : i32 to vector<16xi32>
        %parallel_loop3A_420 = arith.andi %parallel_loop3A_417, %parallel_loop3A_419 : vector<16xi32>
        scf.yield %parallel_loop3A_420 : vector<16xi32>
      } {sc.loop_unroll_factor = 8 : i64, sc.parallel_access}
      %mul3A_221 = arith.constant 32 : i32
      %mul3A_222 = arith.muli %add3A_195, %mul3A_221 : i32
      %add3A_223 = arith.constant 16 : i32
      %add3A_224 = arith.addi %mul3A_222, %add3A_223 : i32
      %get3A_225 = arith.constant 0 : i32
      %get3A_226 = arith.index_cast %get3A_225 : i32 to index
      %get3A_227 = arith.index_cast %add3A_224 : i32 to index
      %get3A_228 = tpu.vector_load %arg5[%get3A_226, %get3A_227] {strides = array<i32>} : memref<1x6400xi32, #tpu.memory_space<vmem>>, vector<16xi32>,
      %mul3A_229 = arith.constant 512 : i32
      %mul3A_230 = vector.broadcast %mul3A_229 : i32 to vector<16xi32>
      %mul3A_231 = arith.muli %get3A_228, %mul3A_230 : vector<16xi32>
      %parallel_loop3A_232 = arith.constant 0 : i32
      %parallel_loop3A_233 = arith.constant 512 : i32
      %parallel_loop3A_234 = arith.constant 1 : i32
      %parallel_loop3A_235 = scf.for %parallel_loop3A_407 = %parallel_loop3A_232 to %parallel_loop3A_233 step %parallel_loop3A_234 iter_args(%parallel_loop3A_408 = %iota3A) -> (vector<16xi32>)  : i32 {
        %parallel_loop3A_409 = arith.addi %mul3A_231, %parallel_loop3A_408 : vector<16xi32>
        %parallel_loop3A_410 = arith.constant 0 : i32
        %parallel_loop3A_411 = tpu.memref_slice %arg6[%scan3A_146, %parallel_loop3A_410] : memref<1x5120xf32, #tpu.memory_space<vmem>> -> memref<1x5120xf32, #tpu.memory_space<vmem>>
        %parallel_loop3A_412 = tpu.memref_squeeze %parallel_loop3A_411 : memref<1x5120xf32, #tpu.memory_space<vmem>> -> memref<5120xf32, #tpu.memory_space<vmem>>
        %parallel_loop3A_413 = tpu.vector_load_idx %parallel_loop3A_412[%parallel_loop3A_409] : memref<5120xf32, #tpu.memory_space<vmem>>[vector<16xi32>], vector<16xf32>,
        %parallel_loop3A_414 = arith.addi %mul3A_12, %parallel_loop3A_408 : vector<16xi32>
        tpu.vector_store_idx %arg7[%parallel_loop3A_414], %parallel_loop3A_413 : memref<16384xf32, #tpu.memory_space<vmem>>[vector<16xi32>], vector<16xf32>,
        %parallel_loop3A_415 = arith.constant 1 : i32
        %parallel_loop3A_416 = vector.broadcast %parallel_loop3A_415 : i32 to vector<16xi32>
        %parallel_loop3A_417 = arith.addi %parallel_loop3A_408, %parallel_loop3A_416 : vector<16xi32>
        %parallel_loop3A_418 = arith.constant 511 : i32
        %parallel_loop3A_419 = vector.broadcast %parallel_loop3A_418 : i32 to vector<16xi32>
        %parallel_loop3A_420 = arith.andi %parallel_loop3A_417, %parallel_loop3A_419 : vector<16xi32>
        scf.yield %parallel_loop3A_420 : vector<16xi32>
      } {sc.loop_unroll_factor = 8 : i64, sc.parallel_access}
      %mul3A_236 = arith.constant 200 : i32
      %mul3A_237 = arith.muli %add3A, %mul3A_236 : i32
      %add3A_238 = arith.addi %mul3A_237, %add3A_195 : i32
      %mul3A_239 = arith.constant 32 : i32
      %mul3A_240 = arith.muli %add3A_238, %mul3A_239 : i32
      %mul3A_241 = arith.constant 512 : i32
      %mul3A_242 = arith.muli %mul3A_240, %mul3A_241 : i32
      %dma_start3A_243 = tpu.memref_slice %arg4[%mul3A_242] : memref<104857600xf32, #tpu.memory_space<hbm>> -> memref<16384xf32, #tpu.memory_space<hbm>>
      %dma_start3A_244 = tpu.memref_slice %arg4[%mul3A_242] : memref<104857600xf32, #tpu.memory_space<hbm>> -> memref<16384xf32, #tpu.memory_space<hbm>>
      tpu.enqueue_dma source(%arg7 : memref<16384xf32, #tpu.memory_space<vmem>>) target(%dma_start3A_244 : memref<16384xf32, #tpu.memory_space<hbm>>) target_semaphore(%arg11 : memref<!tpu.dma_semaphore, #tpu.memory_space<semaphore_mem>>)
      %mul3A_245 = arith.constant 4 : i32
      %mul3A_246 = arith.muli %scan3A_191, %mul3A_245 : i32
      %add3A_247 = arith.constant 1 : i32
      %add3A_248 = arith.addi %mul3A_246, %add3A_247 : i32
      %sub3A_249 = arith.constant 4 : i32
      %sub3A_250 = arith.subi %add3A_248, %sub3A_249 : i32
      %mul3A_251 = arith.constant 200 : i32
      %mul3A_252 = arith.muli %add3A, %mul3A_251 : i32
      %add3A_253 = arith.addi %mul3A_252, %sub3A_250 : i32
      %mul3A_254 = arith.constant 32 : i32
      %mul3A_255 = arith.muli %add3A_253, %mul3A_254 : i32
      %mul3A_256 = arith.constant 512 : i32
      %mul3A_257 = arith.muli %mul3A_255, %mul3A_256 : i32
      %dma_wait3A_258 = tpu.memref_slice %arg4[%mul3A_257] : memref<104857600xf32, #tpu.memory_space<hbm>> -> memref<16384xf32, #tpu.memory_space<hbm>>
      %dma_wait3A_259 = tpu.memref_slice %arg4[%mul3A_257] : memref<104857600xf32, #tpu.memory_space<hbm>> -> memref<16384xf32, #tpu.memory_space<hbm>>
      tpu.wait_dma2 semaphore(%arg12 : memref<!tpu.dma_semaphore, #tpu.memory_space<semaphore_mem>>) src(%arg8 : memref<16384xf32, #tpu.memory_space<vmem>>) dst(%dma_wait3A_259 : memref<16384xf32, #tpu.memory_space<hbm>>)
      %mul3A_260 = arith.constant 32 : i32
      %mul3A_261 = arith.muli %add3A_248, %mul3A_260 : i32
      %add3A_262 = arith.constant 0 : i32
      %add3A_263 = arith.addi %mul3A_261, %add3A_262 : i32
      %get3A_264 = arith.constant 0 : i32
      %get3A_265 = arith.index_cast %get3A_264 : i32 to index
      %get3A_266 = arith.index_cast %add3A_263 : i32 to index
      %get3A_267 = tpu.vector_load %arg5[%get3A_265, %get3A_266] {strides = array<i32>} : memref<1x6400xi32, #tpu.memory_space<vmem>>, vector<16xi32>,
      %mul3A_268 = arith.constant 512 : i32
      %mul3A_269 = vector.broadcast %mul3A_268 : i32 to vector<16xi32>
      %mul3A_270 = arith.muli %get3A_267, %mul3A_269 : vector<16xi32>
      %parallel_loop3A_271 = arith.constant 0 : i32
      %parallel_loop3A_272 = arith.constant 512 : i32
      %parallel_loop3A_273 = arith.constant 1 : i32
      %parallel_loop3A_274 = scf.for %parallel_loop3A_407 = %parallel_loop3A_271 to %parallel_loop3A_272 step %parallel_loop3A_273 iter_args(%parallel_loop3A_408 = %iota3A) -> (vector<16xi32>)  : i32 {
        %parallel_loop3A_409 = arith.addi %mul3A_270, %parallel_loop3A_408 : vector<16xi32>
        %parallel_loop3A_410 = arith.constant 0 : i32
        %parallel_loop3A_411 = tpu.memref_slice %arg6[%scan3A_146, %parallel_loop3A_410] : memref<1x5120xf32, #tpu.memory_space<vmem>> -> memref<1x5120xf32, #tpu.memory_space<vmem>>
        %parallel_loop3A_412 = tpu.memref_squeeze %parallel_loop3A_411 : memref<1x5120xf32, #tpu.memory_space<vmem>> -> memref<5120xf32, #tpu.memory_space<vmem>>
        %parallel_loop3A_413 = tpu.vector_load_idx %parallel_loop3A_412[%parallel_loop3A_409] : memref<5120xf32, #tpu.memory_space<vmem>>[vector<16xi32>], vector<16xf32>,
        %parallel_loop3A_414 = arith.addi %mul3A_6, %parallel_loop3A_408 : vector<16xi32>
        tpu.vector_store_idx %arg8[%parallel_loop3A_414], %parallel_loop3A_413 : memref<16384xf32, #tpu.memory_space<vmem>>[vector<16xi32>], vector<16xf32>,
        %parallel_loop3A_415 = arith.constant 1 : i32
        %parallel_loop3A_416 = vector.broadcast %parallel_loop3A_415 : i32 to vector<16xi32>
        %parallel_loop3A_417 = arith.addi %parallel_loop3A_408, %parallel_loop3A_416 : vector<16xi32>
        %parallel_loop3A_418 = arith.constant 511 : i32
        %parallel_loop3A_419 = vector.broadcast %parallel_loop3A_418 : i32 to vector<16xi32>
        %parallel_loop3A_420 = arith.andi %parallel_loop3A_417, %parallel_loop3A_419 : vector<16xi32>
        scf.yield %parallel_loop3A_420 : vector<16xi32>
      } {sc.loop_unroll_factor = 8 : i64, sc.parallel_access}
      %mul3A_275 = arith.constant 32 : i32
      %mul3A_276 = arith.muli %add3A_248, %mul3A_275 : i32
      %add3A_277 = arith.constant 16 : i32
      %add3A_278 = arith.addi %mul3A_276, %add3A_277 : i32
      %get3A_279 = arith.constant 0 : i32
      %get3A_280 = arith.index_cast %get3A_279 : i32 to index
      %get3A_281 = arith.index_cast %add3A_278 : i32 to index
      %get3A_282 = tpu.vector_load %arg5[%get3A_280, %get3A_281] {strides = array<i32>} : memref<1x6400xi32, #tpu.memory_space<vmem>>, vector<16xi32>,
      %mul3A_283 = arith.constant 512 : i32
      %mul3A_284 = vector.broadcast %mul3A_283 : i32 to vector<16xi32>
      %mul3A_285 = arith.muli %get3A_282, %mul3A_284 : vector<16xi32>
      %parallel_loop3A_286 = arith.constant 0 : i32
      %parallel_loop3A_287 = arith.constant 512 : i32
      %parallel_loop3A_288 = arith.constant 1 : i32
      %parallel_loop3A_289 = scf.for %parallel_loop3A_407 = %parallel_loop3A_286 to %parallel_loop3A_287 step %parallel_loop3A_288 iter_args(%parallel_loop3A_408 = %iota3A) -> (vector<16xi32>)  : i32 {
        %parallel_loop3A_409 = arith.addi %mul3A_285, %parallel_loop3A_408 : vector<16xi32>
        %parallel_loop3A_410 = arith.constant 0 : i32
        %parallel_loop3A_411 = tpu.memref_slice %arg6[%scan3A_146, %parallel_loop3A_410] : memref<1x5120xf32, #tpu.memory_space<vmem>> -> memref<1x5120xf32, #tpu.memory_space<vmem>>
        %parallel_loop3A_412 = tpu.memref_squeeze %parallel_loop3A_411 : memref<1x5120xf32, #tpu.memory_space<vmem>> -> memref<5120xf32, #tpu.memory_space<vmem>>
        %parallel_loop3A_413 = tpu.vector_load_idx %parallel_loop3A_412[%parallel_loop3A_409] : memref<5120xf32, #tpu.memory_space<vmem>>[vector<16xi32>], vector<16xf32>,
        %parallel_loop3A_414 = arith.addi %mul3A_12, %parallel_loop3A_408 : vector<16xi32>
        tpu.vector_store_idx %arg8[%parallel_loop3A_414], %parallel_loop3A_413 : memref<16384xf32, #tpu.memory_space<vmem>>[vector<16xi32>], vector<16xf32>,
        %parallel_loop3A_415 = arith.constant 1 : i32
        %parallel_loop3A_416 = vector.broadcast %parallel_loop3A_415 : i32 to vector<16xi32>
        %parallel_loop3A_417 = arith.addi %parallel_loop3A_408, %parallel_loop3A_416 : vector<16xi32>
        %parallel_loop3A_418 = arith.constant 511 : i32
        %parallel_loop3A_419 = vector.broadcast %parallel_loop3A_418 : i32 to vector<16xi32>
        %parallel_loop3A_420 = arith.andi %parallel_loop3A_417, %parallel_loop3A_419 : vector<16xi32>
        scf.yield %parallel_loop3A_420 : vector<16xi32>
      } {sc.loop_unroll_factor = 8 : i64, sc.parallel_access}
      %mul3A_290 = arith.constant 200 : i32
      %mul3A_291 = arith.muli %add3A, %mul3A_290 : i32
      %add3A_292 = arith.addi %mul3A_291, %add3A_248 : i32
      %mul3A_293 = arith.constant 32 : i32
      %mul3A_294 = arith.muli %add3A_292, %mul3A_293 : i32
      %mul3A_295 = arith.constant 512 : i32
      %mul3A_296 = arith.muli %mul3A_294, %mul3A_295 : i32
      %dma_start3A_297 = tpu.memref_slice %arg4[%mul3A_296] : memref<104857600xf32, #tpu.memory_space<hbm>> -> memref<16384xf32, #tpu.memory_space<hbm>>
      %dma_start3A_298 = tpu.memref_slice %arg4[%mul3A_296] : memref<104857600xf32, #tpu.memory_space<hbm>> -> memref<16384xf32, #tpu.memory_space<hbm>>
      tpu.enqueue_dma source(%arg8 : memref<16384xf32, #tpu.memory_space<vmem>>) target(%dma_start3A_298 : memref<16384xf32, #tpu.memory_space<hbm>>) target_semaphore(%arg12 : memref<!tpu.dma_semaphore, #tpu.memory_space<semaphore_mem>>)
      %mul3A_299 = arith.constant 4 : i32
      %mul3A_300 = arith.muli %scan3A_191, %mul3A_299 : i32
      %add3A_301 = arith.constant 2 : i32
      %add3A_302 = arith.addi %mul3A_300, %add3A_301 : i32
      %sub3A_303 = arith.constant 4 : i32
      %sub3A_304 = arith.subi %add3A_302, %sub3A_303 : i32
      %mul3A_305 = arith.constant 200 : i32
      %mul3A_306 = arith.muli %add3A, %mul3A_305 : i32
      %add3A_307 = arith.addi %mul3A_306, %sub3A_304 : i32
      %mul3A_308 = arith.constant 32 : i32
      %mul3A_309 = arith.muli %add3A_307, %mul3A_308 : i32
      %mul3A_310 = arith.constant 512 : i32
      %mul3A_311 = arith.muli %mul3A_309, %mul3A_310 : i32
      %dma_wait3A_312 = tpu.memref_slice %arg4[%mul3A_311] : memref<104857600xf32, #tpu.memory_space<hbm>> -> memref<16384xf32, #tpu.memory_space<hbm>>
      %dma_wait3A_313 = tpu.memref_slice %arg4[%mul3A_311] : memref<104857600xf32, #tpu.memory_space<hbm>> -> memref<16384xf32, #tpu.memory_space<hbm>>
      tpu.wait_dma2 semaphore(%arg13 : memref<!tpu.dma_semaphore, #tpu.memory_space<semaphore_mem>>) src(%arg9 : memref<16384xf32, #tpu.memory_space<vmem>>) dst(%dma_wait3A_313 : memref<16384xf32, #tpu.memory_space<hbm>>)
      %mul3A_314 = arith.constant 32 : i32
      %mul3A_315 = arith.muli %add3A_302, %mul3A_314 : i32
      %add3A_316 = arith.constant 0 : i32
      %add3A_317 = arith.addi %mul3A_315, %add3A_316 : i32
      %get3A_318 = arith.constant 0 : i32
      %get3A_319 = arith.index_cast %get3A_318 : i32 to index
      %get3A_320 = arith.index_cast %add3A_317 : i32 to index
      %get3A_321 = tpu.vector_load %arg5[%get3A_319, %get3A_320] {strides = array<i32>} : memref<1x6400xi32, #tpu.memory_space<vmem>>, vector<16xi32>,
      %mul3A_322 = arith.constant 512 : i32
      %mul3A_323 = vector.broadcast %mul3A_322 : i32 to vector<16xi32>
      %mul3A_324 = arith.muli %get3A_321, %mul3A_323 : vector<16xi32>
      %parallel_loop3A_325 = arith.constant 0 : i32
      %parallel_loop3A_326 = arith.constant 512 : i32
      %parallel_loop3A_327 = arith.constant 1 : i32
      %parallel_loop3A_328 = scf.for %parallel_loop3A_407 = %parallel_loop3A_325 to %parallel_loop3A_326 step %parallel_loop3A_327 iter_args(%parallel_loop3A_408 = %iota3A) -> (vector<16xi32>)  : i32 {
        %parallel_loop3A_409 = arith.addi %mul3A_324, %parallel_loop3A_408 : vector<16xi32>
        %parallel_loop3A_410 = arith.constant 0 : i32
        %parallel_loop3A_411 = tpu.memref_slice %arg6[%scan3A_146, %parallel_loop3A_410] : memref<1x5120xf32, #tpu.memory_space<vmem>> -> memref<1x5120xf32, #tpu.memory_space<vmem>>
        %parallel_loop3A_412 = tpu.memref_squeeze %parallel_loop3A_411 : memref<1x5120xf32, #tpu.memory_space<vmem>> -> memref<5120xf32, #tpu.memory_space<vmem>>
        %parallel_loop3A_413 = tpu.vector_load_idx %parallel_loop3A_412[%parallel_loop3A_409] : memref<5120xf32, #tpu.memory_space<vmem>>[vector<16xi32>], vector<16xf32>,
        %parallel_loop3A_414 = arith.addi %mul3A_6, %parallel_loop3A_408 : vector<16xi32>
        tpu.vector_store_idx %arg9[%parallel_loop3A_414], %parallel_loop3A_413 : memref<16384xf32, #tpu.memory_space<vmem>>[vector<16xi32>], vector<16xf32>,
        %parallel_loop3A_415 = arith.constant 1 : i32
        %parallel_loop3A_416 = vector.broadcast %parallel_loop3A_415 : i32 to vector<16xi32>
        %parallel_loop3A_417 = arith.addi %parallel_loop3A_408, %parallel_loop3A_416 : vector<16xi32>
        %parallel_loop3A_418 = arith.constant 511 : i32
        %parallel_loop3A_419 = vector.broadcast %parallel_loop3A_418 : i32 to vector<16xi32>
        %parallel_loop3A_420 = arith.andi %parallel_loop3A_417, %parallel_loop3A_419 : vector<16xi32>
        scf.yield %parallel_loop3A_420 : vector<16xi32>
      } {sc.loop_unroll_factor = 8 : i64, sc.parallel_access}
      %mul3A_329 = arith.constant 32 : i32
      %mul3A_330 = arith.muli %add3A_302, %mul3A_329 : i32
      %add3A_331 = arith.constant 16 : i32
      %add3A_332 = arith.addi %mul3A_330, %add3A_331 : i32
      %get3A_333 = arith.constant 0 : i32
      %get3A_334 = arith.index_cast %get3A_333 : i32 to index
      %get3A_335 = arith.index_cast %add3A_332 : i32 to index
      %get3A_336 = tpu.vector_load %arg5[%get3A_334, %get3A_335] {strides = array<i32>} : memref<1x6400xi32, #tpu.memory_space<vmem>>, vector<16xi32>,
      %mul3A_337 = arith.constant 512 : i32
      %mul3A_338 = vector.broadcast %mul3A_337 : i32 to vector<16xi32>
      %mul3A_339 = arith.muli %get3A_336, %mul3A_338 : vector<16xi32>
      %parallel_loop3A_340 = arith.constant 0 : i32
      %parallel_loop3A_341 = arith.constant 512 : i32
      %parallel_loop3A_342 = arith.constant 1 : i32
      %parallel_loop3A_343 = scf.for %parallel_loop3A_407 = %parallel_loop3A_340 to %parallel_loop3A_341 step %parallel_loop3A_342 iter_args(%parallel_loop3A_408 = %iota3A) -> (vector<16xi32>)  : i32 {
        %parallel_loop3A_409 = arith.addi %mul3A_339, %parallel_loop3A_408 : vector<16xi32>
        %parallel_loop3A_410 = arith.constant 0 : i32
        %parallel_loop3A_411 = tpu.memref_slice %arg6[%scan3A_146, %parallel_loop3A_410] : memref<1x5120xf32, #tpu.memory_space<vmem>> -> memref<1x5120xf32, #tpu.memory_space<vmem>>
        %parallel_loop3A_412 = tpu.memref_squeeze %parallel_loop3A_411 : memref<1x5120xf32, #tpu.memory_space<vmem>> -> memref<5120xf32, #tpu.memory_space<vmem>>
        %parallel_loop3A_413 = tpu.vector_load_idx %parallel_loop3A_412[%parallel_loop3A_409] : memref<5120xf32, #tpu.memory_space<vmem>>[vector<16xi32>], vector<16xf32>,
        %parallel_loop3A_414 = arith.addi %mul3A_12, %parallel_loop3A_408 : vector<16xi32>
        tpu.vector_store_idx %arg9[%parallel_loop3A_414], %parallel_loop3A_413 : memref<16384xf32, #tpu.memory_space<vmem>>[vector<16xi32>], vector<16xf32>,
        %parallel_loop3A_415 = arith.constant 1 : i32
        %parallel_loop3A_416 = vector.broadcast %parallel_loop3A_415 : i32 to vector<16xi32>
        %parallel_loop3A_417 = arith.addi %parallel_loop3A_408, %parallel_loop3A_416 : vector<16xi32>
        %parallel_loop3A_418 = arith.constant 511 : i32
        %parallel_loop3A_419 = vector.broadcast %parallel_loop3A_418 : i32 to vector<16xi32>
        %parallel_loop3A_420 = arith.andi %parallel_loop3A_417, %parallel_loop3A_419 : vector<16xi32>
        scf.yield %parallel_loop3A_420 : vector<16xi32>
      } {sc.loop_unroll_factor = 8 : i64, sc.parallel_access}
      %mul3A_344 = arith.constant 200 : i32
      %mul3A_345 = arith.muli %add3A, %mul3A_344 : i32
      %add3A_346 = arith.addi %mul3A_345, %add3A_302 : i32
      %mul3A_347 = arith.constant 32 : i32
      %mul3A_348 = arith.muli %add3A_346, %mul3A_347 : i32
      %mul3A_349 = arith.constant 512 : i32
      %mul3A_350 = arith.muli %mul3A_348, %mul3A_349 : i32
      %dma_start3A_351 = tpu.memref_slice %arg4[%mul3A_350] : memref<104857600xf32, #tpu.memory_space<hbm>> -> memref<16384xf32, #tpu.memory_space<hbm>>
      %dma_start3A_352 = tpu.memref_slice %arg4[%mul3A_350] : memref<104857600xf32, #tpu.memory_space<hbm>> -> memref<16384xf32, #tpu.memory_space<hbm>>
      tpu.enqueue_dma source(%arg9 : memref<16384xf32, #tpu.memory_space<vmem>>) target(%dma_start3A_352 : memref<16384xf32, #tpu.memory_space<hbm>>) target_semaphore(%arg13 : memref<!tpu.dma_semaphore, #tpu.memory_space<semaphore_mem>>)
      %mul3A_353 = arith.constant 4 : i32
      %mul3A_354 = arith.muli %scan3A_191, %mul3A_353 : i32
      %add3A_355 = arith.constant 3 : i32
      %add3A_356 = arith.addi %mul3A_354, %add3A_355 : i32
      %sub3A_357 = arith.constant 4 : i32
      %sub3A_358 = arith.subi %add3A_356, %sub3A_357 : i32
      %mul3A_359 = arith.constant 200 : i32
      %mul3A_360 = arith.muli %add3A, %mul3A_359 : i32
      %add3A_361 = arith.addi %mul3A_360, %sub3A_358 : i32
      %mul3A_362 = arith.constant 32 : i32
      %mul3A_363 = arith.muli %add3A_361, %mul3A_362 : i32
      %mul3A_364 = arith.constant 512 : i32
      %mul3A_365 = arith.muli %mul3A_363, %mul3A_364 : i32
      %dma_wait3A_366 = tpu.memref_slice %arg4[%mul3A_365] : memref<104857600xf32, #tpu.memory_space<hbm>> -> memref<16384xf32, #tpu.memory_space<hbm>>
      %dma_wait3A_367 = tpu.memref_slice %arg4[%mul3A_365] : memref<104857600xf32, #tpu.memory_space<hbm>> -> memref<16384xf32, #tpu.memory_space<hbm>>
      tpu.wait_dma2 semaphore(%arg14 : memref<!tpu.dma_semaphore, #tpu.memory_space<semaphore_mem>>) src(%arg10 : memref<16384xf32, #tpu.memory_space<vmem>>) dst(%dma_wait3A_367 : memref<16384xf32, #tpu.memory_space<hbm>>)
      %mul3A_368 = arith.constant 32 : i32
      %mul3A_369 = arith.muli %add3A_356, %mul3A_368 : i32
      %add3A_370 = arith.constant 0 : i32
      %add3A_371 = arith.addi %mul3A_369, %add3A_370 : i32
      %get3A_372 = arith.constant 0 : i32
      %get3A_373 = arith.index_cast %get3A_372 : i32 to index
      %get3A_374 = arith.index_cast %add3A_371 : i32 to index
      %get3A_375 = tpu.vector_load %arg5[%get3A_373, %get3A_374] {strides = array<i32>} : memref<1x6400xi32, #tpu.memory_space<vmem>>, vector<16xi32>,
      %mul3A_376 = arith.constant 512 : i32
      %mul3A_377 = vector.broadcast %mul3A_376 : i32 to vector<16xi32>
      %mul3A_378 = arith.muli %get3A_375, %mul3A_377 : vector<16xi32>
      %parallel_loop3A_379 = arith.constant 0 : i32
      %parallel_loop3A_380 = arith.constant 512 : i32
      %parallel_loop3A_381 = arith.constant 1 : i32
      %parallel_loop3A_382 = scf.for %parallel_loop3A_407 = %parallel_loop3A_379 to %parallel_loop3A_380 step %parallel_loop3A_381 iter_args(%parallel_loop3A_408 = %iota3A) -> (vector<16xi32>)  : i32 {
        %parallel_loop3A_409 = arith.addi %mul3A_378, %parallel_loop3A_408 : vector<16xi32>
        %parallel_loop3A_410 = arith.constant 0 : i32
        %parallel_loop3A_411 = tpu.memref_slice %arg6[%scan3A_146, %parallel_loop3A_410] : memref<1x5120xf32, #tpu.memory_space<vmem>> -> memref<1x5120xf32, #tpu.memory_space<vmem>>
        %parallel_loop3A_412 = tpu.memref_squeeze %parallel_loop3A_411 : memref<1x5120xf32, #tpu.memory_space<vmem>> -> memref<5120xf32, #tpu.memory_space<vmem>>
        %parallel_loop3A_413 = tpu.vector_load_idx %parallel_loop3A_412[%parallel_loop3A_409] : memref<5120xf32, #tpu.memory_space<vmem>>[vector<16xi32>], vector<16xf32>,
        %parallel_loop3A_414 = arith.addi %mul3A_6, %parallel_loop3A_408 : vector<16xi32>
        tpu.vector_store_idx %arg10[%parallel_loop3A_414], %parallel_loop3A_413 : memref<16384xf32, #tpu.memory_space<vmem>>[vector<16xi32>], vector<16xf32>,
        %parallel_loop3A_415 = arith.constant 1 : i32
        %parallel_loop3A_416 = vector.broadcast %parallel_loop3A_415 : i32 to vector<16xi32>
        %parallel_loop3A_417 = arith.addi %parallel_loop3A_408, %parallel_loop3A_416 : vector<16xi32>
        %parallel_loop3A_418 = arith.constant 511 : i32
        %parallel_loop3A_419 = vector.broadcast %parallel_loop3A_418 : i32 to vector<16xi32>
        %parallel_loop3A_420 = arith.andi %parallel_loop3A_417, %parallel_loop3A_419 : vector<16xi32>
        scf.yield %parallel_loop3A_420 : vector<16xi32>
      } {sc.loop_unroll_factor = 8 : i64, sc.parallel_access}
      %mul3A_383 = arith.constant 32 : i32
      %mul3A_384 = arith.muli %add3A_356, %mul3A_383 : i32
      %add3A_385 = arith.constant 16 : i32
      %add3A_386 = arith.addi %mul3A_384, %add3A_385 : i32
      %get3A_387 = arith.constant 0 : i32
      %get3A_388 = arith.index_cast %get3A_387 : i32 to index
      %get3A_389 = arith.index_cast %add3A_386 : i32 to index
      %get3A_390 = tpu.vector_load %arg5[%get3A_388, %get3A_389] {strides = array<i32>} : memref<1x6400xi32, #tpu.memory_space<vmem>>, vector<16xi32>,
      %mul3A_391 = arith.constant 512 : i32
      %mul3A_392 = vector.broadcast %mul3A_391 : i32 to vector<16xi32>
      %mul3A_393 = arith.muli %get3A_390, %mul3A_392 : vector<16xi32>
      %parallel_loop3A_394 = arith.constant 0 : i32
      %parallel_loop3A_395 = arith.constant 512 : i32
      %parallel_loop3A_396 = arith.constant 1 : i32
      %parallel_loop3A_397 = scf.for %parallel_loop3A_407 = %parallel_loop3A_394 to %parallel_loop3A_395 step %parallel_loop3A_396 iter_args(%parallel_loop3A_408 = %iota3A) -> (vector<16xi32>)  : i32 {
        %parallel_loop3A_409 = arith.addi %mul3A_393, %parallel_loop3A_408 : vector<16xi32>
        %parallel_loop3A_410 = arith.constant 0 : i32
        %parallel_loop3A_411 = tpu.memref_slice %arg6[%scan3A_146, %parallel_loop3A_410] : memref<1x5120xf32, #tpu.memory_space<vmem>> -> memref<1x5120xf32, #tpu.memory_space<vmem>>
        %parallel_loop3A_412 = tpu.memref_squeeze %parallel_loop3A_411 : memref<1x5120xf32, #tpu.memory_space<vmem>> -> memref<5120xf32, #tpu.memory_space<vmem>>
        %parallel_loop3A_413 = tpu.vector_load_idx %parallel_loop3A_412[%parallel_loop3A_409] : memref<5120xf32, #tpu.memory_space<vmem>>[vector<16xi32>], vector<16xf32>,
        %parallel_loop3A_414 = arith.addi %mul3A_12, %parallel_loop3A_408 : vector<16xi32>
        tpu.vector_store_idx %arg10[%parallel_loop3A_414], %parallel_loop3A_413 : memref<16384xf32, #tpu.memory_space<vmem>>[vector<16xi32>], vector<16xf32>,
        %parallel_loop3A_415 = arith.constant 1 : i32
        %parallel_loop3A_416 = vector.broadcast %parallel_loop3A_415 : i32 to vector<16xi32>
        %parallel_loop3A_417 = arith.addi %parallel_loop3A_408, %parallel_loop3A_416 : vector<16xi32>
        %parallel_loop3A_418 = arith.constant 511 : i32
        %parallel_loop3A_419 = vector.broadcast %parallel_loop3A_418 : i32 to vector<16xi32>
        %parallel_loop3A_420 = arith.andi %parallel_loop3A_417, %parallel_loop3A_419 : vector<16xi32>
        scf.yield %parallel_loop3A_420 : vector<16xi32>
      } {sc.loop_unroll_factor = 8 : i64, sc.parallel_access}
      %mul3A_398 = arith.constant 200 : i32
      %mul3A_399 = arith.muli %add3A, %mul3A_398 : i32
      %add3A_400 = arith.addi %mul3A_399, %add3A_356 : i32
      %mul3A_401 = arith.constant 32 : i32
      %mul3A_402 = arith.muli %add3A_400, %mul3A_401 : i32
      %mul3A_403 = arith.constant 512 : i32
      %mul3A_404 = arith.muli %mul3A_402, %mul3A_403 : i32
      %dma_start3A_405 = tpu.memref_slice %arg4[%mul3A_404] : memref<104857600xf32, #tpu.memory_space<hbm>> -> memref<16384xf32, #tpu.memory_space<hbm>>
      %dma_start3A_406 = tpu.memref_slice %arg4[%mul3A_404] : memref<104857600xf32, #tpu.memory_space<hbm>> -> memref<16384xf32, #tpu.memory_space<hbm>>
      tpu.enqueue_dma source(%arg10 : memref<16384xf32, #tpu.memory_space<vmem>>) target(%dma_start3A_406 : memref<16384xf32, #tpu.memory_space<hbm>>) target_semaphore(%arg14 : memref<!tpu.dma_semaphore, #tpu.memory_space<semaphore_mem>>)
    }
    %scan3A_151 = arith.constant 49 : i32
    %mul3A_152 = arith.constant 200 : i32
    %mul3A_153 = arith.muli %add3A, %mul3A_152 : i32
    %add3A_154 = arith.constant 196 : i32
    %add3A_155 = arith.addi %mul3A_153, %add3A_154 : i32
    %mul3A_156 = arith.constant 32 : i32
    %mul3A_157 = arith.muli %add3A_155, %mul3A_156 : i32
    %mul3A_158 = arith.constant 512 : i32
    %mul3A_159 = arith.muli %mul3A_157, %mul3A_158 : i32
    %dma_wait3A = tpu.memref_slice %arg4[%mul3A_159] : memref<104857600xf32, #tpu.memory_space<hbm>> -> memref<16384xf32, #tpu.memory_space<hbm>>
    %dma_wait3A_160 = tpu.memref_slice %arg4[%mul3A_159] : memref<104857600xf32, #tpu.memory_space<hbm>> -> memref<16384xf32, #tpu.memory_space<hbm>>
    tpu.wait_dma2 semaphore(%arg11 : memref<!tpu.dma_semaphore, #tpu.memory_space<semaphore_mem>>) src(%arg7 : memref<16384xf32, #tpu.memory_space<vmem>>) dst(%dma_wait3A_160 : memref<16384xf32, #tpu.memory_space<hbm>>)
    %mul3A_161 = arith.constant 200 : i32
    %mul3A_162 = arith.muli %add3A, %mul3A_161 : i32
    %add3A_163 = arith.constant 197 : i32
    %add3A_164 = arith.addi %mul3A_162, %add3A_163 : i32
    %mul3A_165 = arith.constant 32 : i32
    %mul3A_166 = arith.muli %add3A_164, %mul3A_165 : i32
    %mul3A_167 = arith.constant 512 : i32
    %mul3A_168 = arith.muli %mul3A_166, %mul3A_167 : i32
    %dma_wait3A_169 = tpu.memref_slice %arg4[%mul3A_168] : memref<104857600xf32, #tpu.memory_space<hbm>> -> memref<16384xf32, #tpu.memory_space<hbm>>
    %dma_wait3A_170 = tpu.memref_slice %arg4[%mul3A_168] : memref<104857600xf32, #tpu.memory_space<hbm>> -> memref<16384xf32, #tpu.memory_space<hbm>>
    tpu.wait_dma2 semaphore(%arg12 : memref<!tpu.dma_semaphore, #tpu.memory_space<semaphore_mem>>) src(%arg8 : memref<16384xf32, #tpu.memory_space<vmem>>) dst(%dma_wait3A_170 : memref<16384xf32, #tpu.memory_space<hbm>>)
    %mul3A_171 = arith.constant 200 : i32
    %mul3A_172 = arith.muli %add3A, %mul3A_171 : i32
    %add3A_173 = arith.constant 198 : i32
    %add3A_174 = arith.addi %mul3A_172, %add3A_173 : i32
    %mul3A_175 = arith.constant 32 : i32
    %mul3A_176 = arith.muli %add3A_174, %mul3A_175 : i32
    %mul3A_177 = arith.constant 512 : i32
    %mul3A_178 = arith.muli %mul3A_176, %mul3A_177 : i32
    %dma_wait3A_179 = tpu.memref_slice %arg4[%mul3A_178] : memref<104857600xf32, #tpu.memory_space<hbm>> -> memref<16384xf32, #tpu.memory_space<hbm>>
    %dma_wait3A_180 = tpu.memref_slice %arg4[%mul3A_178] : memref<104857600xf32, #tpu.memory_space<hbm>> -> memref<16384xf32, #tpu.memory_space<hbm>>
    tpu.wait_dma2 semaphore(%arg13 : memref<!tpu.dma_semaphore, #tpu.memory_space<semaphore_mem>>) src(%arg9 : memref<16384xf32, #tpu.memory_space<vmem>>) dst(%dma_wait3A_180 : memref<16384xf32, #tpu.memory_space<hbm>>)
    %mul3A_181 = arith.constant 200 : i32
    %mul3A_182 = arith.muli %add3A, %mul3A_181 : i32
    %add3A_183 = arith.constant 199 : i32
    %add3A_184 = arith.addi %mul3A_182, %add3A_183 : i32
    %mul3A_185 = arith.constant 32 : i32
    %mul3A_186 = arith.muli %add3A_184, %mul3A_185 : i32
    %mul3A_187 = arith.constant 512 : i32
    %mul3A_188 = arith.muli %mul3A_186, %mul3A_187 : i32
    %dma_wait3A_189 = tpu.memref_slice %arg4[%mul3A_188] : memref<104857600xf32, #tpu.memory_space<hbm>> -> memref<16384xf32, #tpu.memory_space<hbm>>
    %dma_wait3A_190 = tpu.memref_slice %arg4[%mul3A_188] : memref<104857600xf32, #tpu.memory_space<hbm>> -> memref<16384xf32, #tpu.memory_space<hbm>>
    tpu.wait_dma2 semaphore(%arg14 : memref<!tpu.dma_semaphore, #tpu.memory_space<semaphore_mem>>) src(%arg10 : memref<16384xf32, #tpu.memory_space<vmem>>) dst(%dma_wait3A_190 : memref<16384xf32, #tpu.memory_space<hbm>>)
    return
  }
}

</mosaic_0001>

<sc_bundles>
// kernel: kernel.3.cloned.1.call-start
scs
__scs_entry_jumppad:
0x0: {  	(pc) =	sbr.rel $0x88, $3  }
0x1: {  	(tag) =	ssettag $0x0;
	lr =	simm.s32 $0x1  }
0x2: {  	[smem:$0x3F9F] =	sst lr;
	_ =	strace $0xD0000000  }
0x3: {  	_ = 	snop  }
0x4: {  	_ = 	snop  }
0x5: {  	_ = 	snop  }
0x6: {  	_ = 	snop  }
0x7: {  	_ = 	snop  }
__scs_overlays_trampoline_lowered:
0x8: {  	[smem:$0x3FAE] =	sst s0  }
0x9: {  	[smem:$0x3FAF] =	sst s1  }
0xa: {  	[smem:$0x3FB0] =	sst s2  }
0xb: {  	[smem:$0x3FB1] =	sst s3  }
0xc: {  	[smem:$0x3FB2] =	sst s4  }
0xd: {  	[smem:$0x3FB3] =	sst s5  }
0xe: {  	[smem:$0x3FB4] =	sst s6  }
0xf: {  	[smem:$0x3FB5] =	sst s7  }
0x10: {  	[smem:$0x3FB6] =	sst s8  }
0x11: {  	[smem:$0x3FB7] =	sst s9;
	s0 =	simm.s32 @!p0 $0x0  }
0x12: {  	s1 =	sld [smem:$0x3F9D];
	s0 =	simm.s32 @p0 $0x1  }
0x13: {  	[smem:$0x3FB8] =	sst s0;
	s0 =	simm.s32 @!p1 $0x0  }
0x14: {  	s2 =	sld [smem:$0x3F9C];
	s0 =	simm.s32 @p1 $0x1  }
0x15: {  	[smem:$0x3FB9] =	sst s0;
	s0 =	simm.s32 @!p2 $0x0  }
0x16: {  	s3 =	sld [smem:$0x3FDB];
	s0 =	simm.s32 @p2 $0x1  }
0x17: {  	s4 =	simm.s32 $0x1BF5;
	[smem:$0x3FBB] =	sst s0  }
0x18: {  	s0 =	sld [smem:$0x3F9E];
	_ =	swait.ge [sflag:s4], $0x0  }
0x19: {  	s7 =	sld [smem:$0x3F9F]  }
0x1a: {  	s8 =	sadd.s32 $0xFFFFE003, lr  }
0x1b: {  	s9 =	sadd.s32 $0xFFFFFEF7, lr;
	s5 =	simm.s32 $0xFFFFFFFF;
	p2 =	slt.u32 s8, $0xFFFFF086  }
0x1c: {  	p1 =	slt.u32 s9, $0xF7A;
	s5 =	simm.s32 @!p2 $0x0  }
0x1d: {  	s5 =	simm.s32 @p1 $0x1;
	p0 =	seq.s32 s7, s2  }
0x1e: {  	s7 =	smul.u32 @!p0 $0xF7A, s2;
	p2 =	seq.s32 @!p0 s5, $0x0  }
0x1f: {  	s9 =	smul.u32 $0xF7A, s1;
	s8 =	simm.s32 @!p0 $0x1BF5;
	p2 =	por !p2, p0  }
0x20: {  	[sflag:s8] =	ssyncset.s32 @!p0 $0xFFFFF086;
	s6 =	sadd.s32 @!p0 s3, s7;
	s7 =	simm.s32 @!p0 $0x108  }
0x21: {  	s3 =	sadd.s32 s3, s9;
	s6 =	sadd.s32 @!p0 $0x88, s6;
	s7 =	simm.s32 @p2 $0x1082  }
0x22: {  	[simem:s7], [sflag:s8] =	dma.local @!p0 [hbm:s6], $0xF7A  }
0x23: {  	s9 =	sor.u32 $0xD0000000, s2;
	s6 =	simm.s32 $0x108;
	_ =	swait.ge @!p0 [sflag:s8], $0x0  }
0x24: {  	s3 =	sadd.s32 $0x88, s3;
	s6 =	simm.s32 @!p1 $0x1082;
	[sflag:s4] =	ssyncset.s32 $0xFFFFF086  }
0x25: {  	[simem:s6], [sflag:s4] =	dma.local [hbm:s3], $0xF7A  }
0x26: {  	[smem:$0x3F9F] =	sst s1;
	(tag) =	ssettag s2;
	_ =	strace s9  }
0x27: {  	s1 =	sld [smem:$0x3FAF]  }
0x28: {  	s2 =	sld [smem:$0x3FB0]  }
0x29: {  	s4 =	sld [smem:$0x3FB2]  }
0x2a: {  	p0 =	seq.s32 s5, $0x0;
	s5 =	sld [smem:$0x3FB3]  }
0x2b: {  	s6 =	sld [smem:$0x3FB4]  }
0x2c: {  	s7 =	sld [smem:$0x3FB5]  }
0x2d: {  	s3 =	simm.s32 $0x108;
	s8 =	sld [smem:$0x3FB6]  }
0x2e: {  	s3 =	simm.s32 @!p0 $0x1082;
	s9 =	sld [smem:$0x3FB7]  }
0x2f: {  	lr =	sadd.s32 s0, s3;
	s0 =	sld [smem:$0x3FAE]  }
0x30: {  	s3 =	sld [smem:$0x3FB1]  }
0x31: {  	[smem:$0x3FBA] =	sst s10  }
0x32: {  	s10 =	sld [smem:$0x3FB8];
	_ =	sdelay $0x3  }
0x33: {  	p0 =	seq.s32 s10, $0x1;
	s10 =	sld [smem:$0x3FBA];
	_ =	sdelay $0x3  }
0x34: {  	[smem:$0x3FBA] =	sst s10  }
0x35: {  	s10 =	sld [smem:$0x3FB9];
	_ =	sdelay $0x3  }
0x36: {  	p1 =	seq.s32 s10, $0x1;
	s10 =	sld [smem:$0x3FBA];
	_ =	sdelay $0x3  }
0x37: {  	[smem:$0x3FBA] =	sst s10  }
0x38: {  	s10 =	sld [smem:$0x3FBB]  }
0x39: {  	_ = 	snop;
	(pc) =	sbr.ind lr, $3  }
0x3a: {  	_ = 	snop  }
0x3b: {  	_ = 	snop  }
0x3c: {  	p2 =	seq.s32 s10, $0x1;
	s10 =	sld [smem:$0x3FBA]  }
0x3d: {  	_ =	shalt  }
0x3e: {  	_ =	shalt  }
0x3f: {  	_ =	shalt  }
0x40: {  	_ =	shalt  }
0x41: {  	_ =	shalt  }
0x42: {  	_ =	shalt  }
0x43: {  	_ =	shalt  }
0x44: {  	_ =	shalt  }
0x45: {  	_ =	shalt  }
0x46: {  	_ =	shalt  }
0x47: {  	_ =	shalt  }
0x48: {  	_ =	shalt  }
0x49: {  	_ =	shalt  }
0x4a: {  	_ =	shalt  }
0x4b: {  	_ =	shalt  }
0x4c: {  	_ =	shalt  }
0x4d: {  	_ =	shalt  }
0x4e: {  	_ =	shalt  }
0x4f: {  	_ =	shalt  }
0x50: {  	_ =	shalt  }
0x51: {  	_ =	shalt  }
0x52: {  	_ =	shalt  }
0x53: {  	_ =	shalt  }
0x54: {  	_ =	shalt  }
0x55: {  	_ =	shalt  }
0x56: {  	_ =	shalt  }
0x57: {  	_ =	shalt  }
0x58: {  	_ =	shalt  }
0x59: {  	_ =	shalt  }
0x5a: {  	_ =	shalt  }
0x5b: {  	_ =	shalt  }
0x5c: {  	_ =	shalt  }
0x5d: {  	_ =	shalt  }
0x5e: {  	_ =	shalt  }
0x5f: {  	_ =	shalt  }
0x60: {  	_ =	shalt  }
0x61: {  	_ =	shalt  }
0x62: {  	_ =	shalt  }
0x63: {  	_ =	shalt  }
0x64: {  	_ =	shalt  }
0x65: {  	_ =	shalt  }
0x66: {  	_ =	shalt  }
0x67: {  	_ =	shalt  }
0x68: {  	_ =	shalt  }
0x69: {  	_ =	shalt  }
0x6a: {  	_ =	shalt  }
0x6b: {  	_ =	shalt  }
0x6c: {  	_ =	shalt  }
0x6d: {  	_ =	shalt  }
0x6e: {  	_ =	shalt  }
0x6f: {  	_ =	shalt  }
0x70: {  	_ =	shalt  }
0x71: {  	_ =	shalt  }
0x72: {  	_ =	shalt  }
0x73: {  	_ =	shalt  }
0x74: {  	_ =	shalt  }
0x75: {  	_ =	shalt  }
0x76: {  	_ =	shalt  }
0x77: {  	_ =	shalt  }
0x78: {  	_ =	shalt  }
0x79: {  	_ =	shalt  }
0x7a: {  	_ =	shalt  }
0x7b: {  	_ =	shalt  }
0x7c: {  	_ =	shalt  }
0x7d: {  	_ =	shalt  }
0x7e: {  	_ =	shalt  }
0x7f: {  	_ =	shalt  }
0x80: {  	_ =	shalt  }
0x81: {  	_ =	shalt  }
0x82: {  	_ =	shalt  }
0x83: {  	_ =	shalt  }
0x84: {  	_ =	shalt  }
0x85: {  	_ =	shalt  }
0x86: {  	_ =	shalt  }
0x87: {  	_ =	shalt  }
.Lfunc_end0:
.L_simem_size_0:
called_computation.1_lowered:
.L_overlay_start_0:
0x88: {  	s2 =	sld [smem:$0x3FD9]  }
0x89: {  	s3 =	sld [smem:$0x3FFE];
	_ =	sdelay $0x1  }
0x8a: {  	s1 =	srdreg.scid  }
0x8b: {  	s0 =	sand.u32 $0x1, s1  }
0x8c: {  	s17 =	sshll.u32 s0, $0xA;
	s2 =	sadd.s32 s3, s2  }
0x8d: {  	s2 =	sadd.s32 s2, s17  }
0x8e: {  	[smem:$0x3FC6] =	sst s2  }
0x8f: {  	_ = 	snop  }
0x90: {  	s2 =	sld [smem:$0x3FD0];
	(tm) =	ssettm $0x1  }
0x91: {  	s18 =	sld [smem:$0x3FFB];
	_ =	sdelay $0x3  }
0x92: {  	_ =	strace s18  }
0x93: {  	s3 =	sld [smem:$0x3FFC];
	_ =	sdelay $0x3  }
0x94: {  	_ =	strace s3  }
0x95: {  	s3 =	sld [smem:$0x3FFD];
	_ =	sdelay $0x3  }
0x96: {  	_ =	strace s3  }
0x97: {  	_ =	strace $0x8FFFFFFF  }
0x98: {  	s19 =	sld [smem:$0x3FDB];
	_ =	sdelay $0x1  }
0x99: {  	s4 =	simm.s32 $_scs_section_size  }
0x9a: {  	s5 =	simm.s32 $_size__tile_overlayer_lowered;
	s6 =	simm.s32 $_tile_overlayer_lowered  }
0x9b: {  	s22 =	simm.s32 $0x1BFF;
	s21 =	sshll.u32 s6, $0x1;
	s3 =	sadd.s32 s4, s19  }
0x9c: {  	s7 =	simm.s32 $0x0;
	s20 =	sshll.u32 s5, $0x1;
	s5 =	sadd.s32 s21, s3  }
0x9d: {  	[timem:s7], [sflag:s22] =	dma.local [hbm:s5], s20  }
0x9e: {  	_ =	swait.ge [sflag:s22], s20  }
0x9f: {  	s4 =	ssub.s32 $0x0, s20;
	[sflag:s22] =	ssyncset.done $0x0  }
0xa0: {  	[sflag:s22] =	ssyncadd.s32 s4;
	_ =	sdelay $0x1  }
0xa1: {  	s23 =	simm.s32 $0x1B8B  }
0xa2: {  	_ =	swait.ge [sflag:s23], $0x1  }
0xa3: {  	[sflag:s23] =	ssyncset.done $0x0  }
0xa4: {  	s25 =	simm.s32 $0x1B8E;
	s24 =	sld [smem:$0x3FFE];
	[sflag:s23] =	ssyncadd.s32 $0xFFFFFFFF  }
0xa5: {  	s26 =	simm.s32 $execute0_lowered;
	[smem:$0x3FD2] =	sst s25  }
0xa6: {  	s5 =	sshll.u32 s26, $0x1;
	_ =	strace $0x80000046;
	[dreg:$0x1] =	wrdreg $0xFFFFFFFF  }
0xa7: {  	s28 =	simm.s32 $_size_execute0_lowered;
	s3 =	sadd.s32 s3, s5;
	[dreg:$0x0] =	wrdreg $0x0  }
0xa8: {  	s5 =	sshll.u32 s28, $0x1;
	[dreg:$0x2] =	wrdreg s3  }
0xa9: {  	[dreg:$0x3] =	wrdreg s5  }
0xaa: {  	[dreg:$0x4] =	wrdreg $0xC0  }
0xab: {  	_ =	task [dreg:s7], $0x5FFFF  }
0xac: {  	[dreg:$0x1] =	wrdreg $0xFFFFFFFF  }
0xad: {  	[dreg:$0x0] =	wrdreg $0x60  }
0xae: {  	[dreg:$0x2] =	wrdreg s24  }
0xaf: {  	[dreg:$0x3] =	wrdreg s2  }
0xb0: {  	[dreg:$0x4] =	wrdreg $0x9  }
0xb1: {  	_ =	task.clear_ibuf [dreg:s7], $0x5FFFF;
	_ =	strace $0x90000046  }
0xb2: {  	s29 =	simm.s32 $0x9;
	_ =	strace $0x80000048  }
0xb3: {  	_ =	swait.ge [sflag:s29], $0x1  }
0xb4: {  	[sflag:s29] =	ssyncadd.s32 $0xFFFFFFFF  }
0xb5: {  	_ =	strace $0x90000048  }
0xb6: {  	_ =	sfence  }
0xb7: {  	s30 =	sld [smem:$0x0];
	_ =	sdelay $0x2  }
0xb8: {  	s31 =	sshll.u32 s1, $0xD;
	s1 =	sshrl.u32 s1, $0x2  }
0xb9: {  	s3 =	sand.u32 $0x4000, s31;
	s1 =	sadd.s32 s1, s30  }
0xba: {  	s0 =	sor.u32 s3, s0;
	s1 =	sshll.u32 s1, $0x11  }
0xbb: {  	s0 =	sor.u32 s1, s0  }
0xbc: {  	s0 =	sadd.s32 $0x8F2B, s0  }
0xbd: {  	[sflag:s0] =	ssyncadd.remote.s32 $0x1  }
0xbe: {  	_ =	sfence.sel $0xFFFF  }
0xbf: {  	[dreg:$0x0] =	wrdreg $0xFFFFFFFF;
	(pc) =	sbr.abs _section_cstart, $3  }
0xc0: {  	[dreg:$0x1] =	wrdreg $0xFFFFFFFF  }
0xc1: {  	_ =	task.clear_ibuf [dreg:s7], $0x2FFFF;
	_ =	strace $0x9FFFFFFF  }
0xc2: {  	(tm) =	ssettm $0x7FFFFFFF  }
0xc3: {  	_ =	shalt  }
tec
execute0_lowered:
.L_overlay_start_1:
0x0: {  	(tag) =	ssettag $0x1  }
0x1: {  	s4 =	rddreg [dreg:$0x0];
	s1 =	srdreg.scid  }
0x2: {  	s0 =	stileid.u32;
	s2 =	rddreg [dreg:$0x1];
	s3 =	simm.s32 $0x0  }
0x3: {  	s12 =	simm.s32 $0x5;
	s13 =	simm.s32 $0x1900;
	s14 =	simm.s32 $0x2D00  }
0x4: {  	s15 =	simm.s32 $0x6D00;
	s16 =	simm.s32 $0xAD00;
	s17 =	simm.s32 $0xED00  }
0x5: {  	s18 =	simm.s32 $0x1;
	s5 =	sand.u32 $0x1, s1;
	s6 =	sshll.u32 s0, $0x1  }
0x6: {  	s19 =	simm.s32 $0x2;
	s20 =	simm.s32 $0x3;
	s7 =	sor.u32 s5, s6  }
0x7: {  	s21 =	simm.s32 $0x4;
	s22 =	simm.s32 $0x0;
	s6 =	smul.u32 $0x320, s7  }
0x8: {  	s1 =	rddreg [dreg:$0x2];
	s5 =	ssub.s32 $0x2, s5;
	s8 =	smul.u32 $0x280, s7  }
0x9: {  	[smem:$0x7FF] =	sst s3;
	s9 =	sshrl.u32 s5, $0x1;
	s10 =	smul.u32 $0x64000, s7  }
0xa: {  	v0 =	vlaneseq.u32;
	_ =	strace $0x80000047;
	s7 =	smul.u32 $0xC8, s7;
	s11 =	ssub.s32 s5, s9  }
0xb: {  	v1 =	vmul.u32 $0x200, v0;
	s6 =	sadd.s32 s6, s4;
	s8 =	sadd.s32 s8, s4;
	s11 =	smax.u32 s11, $0x1  }
0xc: {  	s4 =	sadd.s32 $0x800, s6;
	s5 =	sadd.s32 $0x6C00, s8;
	s6 =	sadd.s32 s2, s10  }
0xd: {  	v2 =	vor.u32 $0x2000, v1;
	s8 =	sadd.s32 $0x800, s6;
	s9 =	sadd.s32 $0x1000, s6;
	s10 =	sadd.s32 $0x1800, s6  }
.LBB2_1:
0xe: {  	[tilespmem:s3], [sflag:$0x5] =	stream.linear.gather [hbm4b:s4+s3], $0x1900, $0x38;
	[tilespmem:$0x12D00] =	vst v63  }
0xf: {  	_ =	swait.ge [sflag:s12], $0x1900  }
0x10: {  	[sflag:s12] =	ssyncset.done $0x0  }
0x11: {  	[sflag:s12] =	ssyncadd.s32 $0xFFFFE700  }
0x12: {  	[tilespmem:s13], [sflag:$0x5] =	stream.linear.gather [hbm4b:s5+s3], $0x1400, $0x38;
	[tilespmem:$0x12D00] =	vst v63  }
0x13: {  	_ =	swait.ge [sflag:s12], $0x1400  }
0x14: {  	[sflag:s12] =	ssyncset.done $0x0  }
0x15: {  	[sflag:s12] =	ssyncadd.s32 $0xFFFFEC00  }
0x16: {  	v3 =	vld [tilespmem:$0x0];
	_ =	sdelay $0x1  }
0x17: {  	v4 =	vadd.s32 $0x8, v0;
	v5 =	vadd.s32 $0x7, v0  }
0x18: {  	v6 =	vadd.s32 $0x6, v0;
	v10 =	vadd.s32 $0x4, v0;
	v11 =	vadd.s32 $0x5, v0  }
0x19: {  	v13 =	vadd.s32 $0x2, v0;
	v22 =	vor.u32 v1, v0;
	v8 =	vand.u32 $0x1FF, v4  }
0x1a: {  	v4 =	vadd.s32 $0x3, v0;
	v5 =	vand.u32 $0x1FF, v5;
	v3 =	vshll.u32 v3, $0x9  }
0x1b: {  	v12 =	vand.u32 $0x1FF, v6;
	v6 =	vadd.s32 $0x1, v0;
	v9 =	vor.u32 v3, v5  }
0x1c: {  	v16 =	vand.u32 $0x1FF, v13;
	v10 =	vand.u32 $0x1FF, v10;
	v14 =	vor.u32 v3, v12  }
0x1d: {  	v11 =	vand.u32 $0x1FF, v11;
	v15 =	vand.u32 $0x1FF, v6;
	v7 =	vor.u32 v3, v0  }
0x1e: {  	v6 =	vand.u32 $0x1FF, v4;
	v23 =	vor.u32 v1, v5;
	v17 =	vor.u32 v3, v15  }
0x1f: {  	v13 =	vadd.s32 $0x8, v8;
	v28 =	vor.u32 v1, v12;
	v19 =	vor.u32 v3, v10  }
0x20: {  	v30 =	vadd.s32 $0x3, v8;
	v25 =	vadd.s32 $0x4, v8;
	v18 =	vor.u32 v3, v16;
	v21 =	vld.idx.msk [tilespmem:v9+s13+$0x0], $0xffff  }
0x21: {  	v4 =	vor.u32 v1, v6;
	v26 =	vor.u32 v3, v11;
	v9 =	vor.u32 v3, v6;
	v27 =	vld.idx.msk [tilespmem:v14+s13+$0x0], $0xffff  }
0x22: {  	v6 =	vor.u32 v1, v10;
	v29 =	vld.idx.msk [tilespmem:v7+s13+$0x0], $0xffff;
	v7 =	vadd.s32 $0x7, v8;
	v10 =	vand.u32 $0x1FF, v13  }
0x23: {  	v13 =	vor.u32 v1, v15;
	v12 =	vld.idx.msk [tilespmem:v17+s13+$0x0], $0xffff;
	v15 =	vadd.s32 $0x6, v8;
	v14 =	vand.u32 $0x1FF, v7  }
0x24: {  	v7 =	vor.u32 v1, v11;
	v11 =	vor.u32 v1, v16;
	v16 =	vld.idx.msk [tilespmem:v19+s13+$0x0], $0xffff;
	v20 =	vor.u32 v3, v14  }
0x25: {  	v24 =	vadd.s32 $0x5, v8;
	v5 =	vor.u32 v3, v8;
	v17 =	vand.u32 $0x1FF, v15;
	v19 =	vld.idx.msk [tilespmem:v18+s13+$0x0], $0xffff;
	[tilespmem:v23+s14+$0x0] =	vst.idx.msk $0xffff, v21  }
0x26: {  	v15 =	vadd.s32 $0x1, v8;
	v9 =	vld.idx.msk [tilespmem:v9+s13+$0x0], $0xffff;
	v21 =	vadd.s32 $0x2, v8;
	v23 =	vor.u32 v3, v17;
	[tilespmem:v28+s14+$0x0] =	vst.idx.msk $0xffff, v27  }
0x27: {  	s23 =	simm.s32 $0x8;
	v18 =	vand.u32 $0x1FF, v15;
	[tilespmem:v22+s14+$0x0] =	vst.idx.msk $0xffff, v29;
	v22 =	vld.idx.msk [tilespmem:v26+s13+$0x0], $0xffff;
	v15 =	vand.u32 $0x1FF, v21;
	v21 =	vand.u32 $0x1FF, v30  }
.LBB2_2:
0x28: {  	s23 =	sadd.s32 $0x8, s23;
	v26 =	vor.u32 v3, v18;
	v27 =	vor.u32 v3, v15;
	v28 =	vor.u32 v1, v21;
	v29 =	vmovc v10  }
0x29: {  	v30 =	vor.u32 v1, v8;
	v8 =	vand.u32 $0x1FF, v25;
	v24 =	vand.u32 $0x1FF, v24;
	p0 =	slt.u32 s23, $0x1F8;
	v31 =	vld.idx.msk [tilespmem:v20+s13+$0x0], $0xffff;
	[tilespmem:v13+s14+$0x0] =	vst.idx.msk $0xffff, v12  }
0x2a: {  	v34 =	vor.u32 v1, v14;
	v25 =	vor.u32 v3, v8;
	v33 =	vor.u32 v3, v24;
	v32 =	vld.idx.msk [tilespmem:v5+s13+$0x0], $0xffff  }
0x2b: {  	v21 =	vor.u32 v3, v21;
	v5 =	vor.u32 v3, v10;
	v35 =	vld.idx.msk [tilespmem:v23+s13+$0x0], $0xffff;
	[tilespmem:v6+s14+$0x0] =	vst.idx.msk $0xffff, v16  }
0x2c: {  	v36 =	vor.u32 v1, v17;
	v10 =	vadd.s32 $0x8, v10;
	v6 =	vor.u32 v1, v8;
	[tilespmem:v11+s14+$0x0] =	vst.idx.msk $0xffff, v19  }
0x2d: {  	v17 =	vadd.s32 $0x7, v29;
	v13 =	vor.u32 v1, v18;
	v10 =	vand.u32 $0x1FF, v10;
	v12 =	vld.idx.msk [tilespmem:v26+s13+$0x0], $0xffff;
	[tilespmem:v7+s14+$0x0] =	vst.idx.msk $0xffff, v22  }
.Ltmp0:
0x2e: {  	v14 =	vand.u32 $0x1FF, v17;
	v22 =	vadd.s32 $0x3, v29;
	v7 =	vor.u32 v1, v24;
	[tilespmem:v4+s14+$0x0] =	vst.idx.msk $0xffff, v9;
	v4 =	vmovc v28;
	(pc) =	sbr.rel @p0 .LBB2_2-.Ltmp0, $4  }
0x2f: {  	v20 =	vor.u32 v3, v14;
	v8 =	vmovc v29;
	v11 =	vor.u32 v1, v15;
	v9 =	vadd.s32 $0x6, v29;
	v16 =	vld.idx.msk [tilespmem:v25+s13+$0x0], $0xffff  }
0x30: {  	v24 =	vadd.s32 $0x5, v8;
	v25 =	vadd.s32 $0x4, v8;
	v17 =	vand.u32 $0x1FF, v9;
	v9 =	vld.idx.msk [tilespmem:v21+s13+$0x0], $0xffff;
	[tilespmem:v34+s14+$0x0] =	vst.idx.msk $0xffff, v31  }
0x31: {  	v15 =	vadd.s32 $0x1, v8;
	v21 =	vadd.s32 $0x2, v8;
	v23 =	vor.u32 v3, v17;
	v19 =	vld.idx.msk [tilespmem:v27+s13+$0x0], $0xffff;
	[tilespmem:v36+s14+$0x0] =	vst.idx.msk $0xffff, v35  }
0x32: {  	v18 =	vand.u32 $0x1FF, v15;
	v15 =	vand.u32 $0x1FF, v21;
	v21 =	vand.u32 $0x1FF, v22;
	[tilespmem:v30+s14+$0x0] =	vst.idx.msk $0xffff, v32;
	v22 =	vld.idx.msk [tilespmem:v33+s13+$0x0], $0xffff  }
0x33: {  	_ =	sdelay $0x2  }
0x34: {  	v10 =	vor.u32 v3, v18;
	v25 =	vand.u32 $0x1FF, v25  }
0x35: {  	v26 =	vor.u32 v3, v15;
	v20 =	vld.idx.msk [tilespmem:v20+s13+$0x0], $0xffff;
	[tilespmem:v13+s14+$0x0] =	vst.idx.msk $0xffff, v12;
	v12 =	vor.u32 v1, v14  }
0x36: {  	v24 =	vand.u32 $0x1FF, v24;
	v27 =	vor.u32 v3, v25  }
0x37: {  	v14 =	vld.idx.msk [tilespmem:v23+s13+$0x0], $0xffff;
	v13 =	vor.u32 v3, v24;
	[tilespmem:v6+s14+$0x0] =	vst.idx.msk $0xffff, v16;
	v6 =	vor.u32 v1, v17  }
0x38: {  	v8 =	vor.u32 v1, v8;
	v5 =	vld.idx.msk [tilespmem:v5+s13+$0x0], $0xffff;
	v3 =	vor.u32 v3, v21;
	[tilespmem:v4+s14+$0x0] =	vst.idx.msk $0xffff, v9  }
0x39: {  	[tilespmem:v11+s14+$0x0] =	vst.idx.msk $0xffff, v19;
	v11 =	vor.u32 v1, v18;
	v10 =	vld.idx.msk [tilespmem:v10+s13+$0x0], $0xffff  }
0x3a: {  	v9 =	vor.u32 v1, v15;
	[tilespmem:v12+s14+$0x0] =	vst.idx.msk $0xffff, v20;
	v12 =	vld.idx.msk [tilespmem:v26+s13+$0x0], $0xffff  }
0x3b: {  	[tilespmem:v7+s14+$0x0] =	vst.idx.msk $0xffff, v22;
	v7 =	vor.u32 v1, v25;
	v4 =	vld.idx.msk [tilespmem:v27+s13+$0x0], $0xffff  }
0x3c: {  	v15 =	vor.u32 v1, v24;
	[tilespmem:v6+s14+$0x0] =	vst.idx.msk $0xffff, v14;
	v6 =	vld.idx.msk [tilespmem:v13+s13+$0x0], $0xffff  }
0x3d: {  	[tilespmem:v8+s14+$0x0] =	vst.idx.msk $0xffff, v5;
	v13 =	vor.u32 v1, v21;
	v3 =	vld.idx.msk [tilespmem:v3+s13+$0x0], $0xffff  }
0x3e: {  	[tilespmem:v11+s14+$0x0] =	vst.idx.msk $0xffff, v10  }
0x3f: {  	[tilespmem:v9+s14+$0x0] =	vst.idx.msk $0xffff, v12  }
0x40: {  	[tilespmem:v7+s14+$0x0] =	vst.idx.msk $0xffff, v4  }
0x41: {  	[tilespmem:v15+s14+$0x0] =	vst.idx.msk $0xffff, v6  }
0x42: {  	[tilespmem:v13+s14+$0x0] =	vst.idx.msk $0xffff, v3  }
0x43: {  	v3 =	vld [tilespmem:$0x10]  }
0x44: {  	v5 =	vlaneseq.u32  }
0x45: {  	v14 =	vadd.s32 $0x2, v5;
	v22 =	vor.u32 v2, v5  }
0x46: {  	v16 =	vand.u32 $0x1FF, v14;
	v9 =	vadd.s32 $0x6, v5;
	v11 =	vadd.s32 $0x4, v5  }
0x47: {  	v12 =	vadd.s32 $0x5, v5;
	v4 =	vadd.s32 $0x8, v5;
	v6 =	vadd.s32 $0x7, v5  }
0x48: {  	v9 =	vand.u32 $0x1FF, v9;
	v6 =	vand.u32 $0x1FF, v6;
	v3 =	vshll.u32 v3, $0x9  }
0x49: {  	v13 =	vadd.s32 $0x1, v5;
	v11 =	vand.u32 $0x1FF, v11;
	v10 =	vor.u32 v3, v6  }
0x4a: {  	v19 =	vand.u32 $0x1FF, v12;
	v8 =	vand.u32 $0x1FF, v4;
	v15 =	vor.u32 v3, v9  }
0x4b: {  	v4 =	vadd.s32 $0x3, v5;
	v13 =	vand.u32 $0x1FF, v13;
	v7 =	vor.u32 v3, v5  }
0x4c: {  	v29 =	vor.u32 v2, v9;
	v14 =	vand.u32 $0x1FF, v4;
	v17 =	vor.u32 v3, v13  }
0x4d: {  	v27 =	vor.u32 v2, v6;
	v31 =	vadd.s32 $0x3, v8;
	v21 =	vor.u32 v3, v11  }
0x4e: {  	v25 =	vadd.s32 $0x4, v8;
	v24 =	vadd.s32 $0x5, v8;
	v28 =	vor.u32 v3, v14;
	v23 =	vld.idx.msk [tilespmem:v10+s13+$0x0], $0xffff  }
0x4f: {  	v4 =	vor.u32 v2, v14;
	v18 =	vor.u32 v3, v16;
	v26 =	vor.u32 v3, v19;
	v15 =	vld.idx.msk [tilespmem:v15+s13+$0x0], $0xffff  }
0x50: {  	v5 =	vor.u32 v3, v8;
	v6 =	vor.u32 v2, v11;
	v30 =	vld.idx.msk [tilespmem:v7+s13+$0x0], $0xffff;
	v7 =	vadd.s32 $0x7, v8  }
0x51: {  	v13 =	vor.u32 v2, v13;
	v9 =	vadd.s32 $0x6, v8;
	v12 =	vld.idx.msk [tilespmem:v17+s13+$0x0], $0xffff;
	v14 =	vand.u32 $0x1FF, v7  }
0x52: {  	v11 =	vor.u32 v2, v16;
	v10 =	vadd.s32 $0x8, v8;
	v16 =	vld.idx.msk [tilespmem:v21+s13+$0x0], $0xffff;
	v20 =	vor.u32 v3, v14  }
0x53: {  	v17 =	vand.u32 $0x1FF, v9;
	v9 =	vld.idx.msk [tilespmem:v28+s13+$0x0], $0xffff;
	v21 =	vadd.s32 $0x1, v8;
	v7 =	vor.u32 v2, v19;
	[tilespmem:v27+s14+$0x0] =	vst.idx.msk $0xffff, v23  }
0x54: {  	v10 =	vand.u32 $0x1FF, v10;
	v19 =	vld.idx.msk [tilespmem:v18+s13+$0x0], $0xffff;
	v27 =	vadd.s32 $0x2, v8;
	v23 =	vor.u32 v3, v17;
	[tilespmem:v29+s14+$0x0] =	vst.idx.msk $0xffff, v15  }
0x55: {  	s23 =	simm.s32 $0x8;
	v18 =	vand.u32 $0x1FF, v21;
	v21 =	vand.u32 $0x1FF, v31;
	[tilespmem:v22+s14+$0x0] =	vst.idx.msk $0xffff, v30;
	v22 =	vld.idx.msk [tilespmem:v26+s13+$0x0], $0xffff;
	v15 =	vand.u32 $0x1FF, v27  }
.LBB2_4:
0x56: {  	s23 =	sadd.s32 $0x8, s23;
	v26 =	vor.u32 v3, v18;
	v27 =	vor.u32 v3, v15;
	v28 =	vor.u32 v2, v21;
	v29 =	vmovc v10  }
0x57: {  	v30 =	vor.u32 v2, v8;
	v8 =	vand.u32 $0x1FF, v25;
	v24 =	vand.u32 $0x1FF, v24;
	p0 =	slt.u32 s23, $0x1F8;
	v31 =	vld.idx.msk [tilespmem:v20+s13+$0x0], $0xffff;
	[tilespmem:v13+s14+$0x0] =	vst.idx.msk $0xffff, v12  }
0x58: {  	v34 =	vor.u32 v2, v14;
	v25 =	vor.u32 v3, v8;
	v33 =	vor.u32 v3, v24;
	v32 =	vld.idx.msk [tilespmem:v5+s13+$0x0], $0xffff  }
0x59: {  	v21 =	vor.u32 v3, v21;
	v5 =	vor.u32 v3, v10;
	v35 =	vld.idx.msk [tilespmem:v23+s13+$0x0], $0xffff;
	[tilespmem:v6+s14+$0x0] =	vst.idx.msk $0xffff, v16  }
0x5a: {  	v36 =	vor.u32 v2, v17;
	v10 =	vadd.s32 $0x8, v10;
	v6 =	vor.u32 v2, v8;
	[tilespmem:v11+s14+$0x0] =	vst.idx.msk $0xffff, v19  }
0x5b: {  	v17 =	vadd.s32 $0x7, v29;
	v13 =	vor.u32 v2, v18;
	v10 =	vand.u32 $0x1FF, v10;
	v12 =	vld.idx.msk [tilespmem:v26+s13+$0x0], $0xffff;
	[tilespmem:v7+s14+$0x0] =	vst.idx.msk $0xffff, v22  }
.Ltmp1:
0x5c: {  	v14 =	vand.u32 $0x1FF, v17;
	v22 =	vadd.s32 $0x3, v29;
	v7 =	vor.u32 v2, v24;
	[tilespmem:v4+s14+$0x0] =	vst.idx.msk $0xffff, v9;
	v4 =	vmovc v28;
	(pc) =	sbr.rel @p0 .LBB2_4-.Ltmp1, $4  }
0x5d: {  	v20 =	vor.u32 v3, v14;
	v8 =	vmovc v29;
	v11 =	vor.u32 v2, v15;
	v9 =	vadd.s32 $0x6, v29;
	v16 =	vld.idx.msk [tilespmem:v25+s13+$0x0], $0xffff  }
0x5e: {  	v24 =	vadd.s32 $0x5, v8;
	v25 =	vadd.s32 $0x4, v8;
	v17 =	vand.u32 $0x1FF, v9;
	v9 =	vld.idx.msk [tilespmem:v21+s13+$0x0], $0xffff;
	[tilespmem:v34+s14+$0x0] =	vst.idx.msk $0xffff, v31  }
0x5f: {  	v15 =	vadd.s32 $0x1, v8;
	v21 =	vadd.s32 $0x2, v8;
	v23 =	vor.u32 v3, v17;
	v19 =	vld.idx.msk [tilespmem:v27+s13+$0x0], $0xffff;
	[tilespmem:v36+s14+$0x0] =	vst.idx.msk $0xffff, v35  }
0x60: {  	v18 =	vand.u32 $0x1FF, v15;
	v15 =	vand.u32 $0x1FF, v21;
	v21 =	vand.u32 $0x1FF, v22;
	[tilespmem:v30+s14+$0x0] =	vst.idx.msk $0xffff, v32;
	v22 =	vld.idx.msk [tilespmem:v33+s13+$0x0], $0xffff  }
0x61: {  	_ =	sdelay $0x2  }
0x62: {  	v10 =	vor.u32 v3, v18;
	v25 =	vand.u32 $0x1FF, v25  }
0x63: {  	v26 =	vor.u32 v3, v15;
	v20 =	vld.idx.msk [tilespmem:v20+s13+$0x0], $0xffff;
	[tilespmem:v13+s14+$0x0] =	vst.idx.msk $0xffff, v12;
	v12 =	vor.u32 v2, v14  }
0x64: {  	v24 =	vand.u32 $0x1FF, v24;
	v27 =	vor.u32 v3, v25  }
0x65: {  	v14 =	vld.idx.msk [tilespmem:v23+s13+$0x0], $0xffff;
	v13 =	vor.u32 v3, v24;
	[tilespmem:v6+s14+$0x0] =	vst.idx.msk $0xffff, v16;
	v6 =	vor.u32 v2, v17  }
0x66: {  	v8 =	vor.u32 v2, v8;
	v5 =	vld.idx.msk [tilespmem:v5+s13+$0x0], $0xffff;
	v3 =	vor.u32 v3, v21;
	[tilespmem:v4+s14+$0x0] =	vst.idx.msk $0xffff, v9  }
0x67: {  	[tilespmem:v11+s14+$0x0] =	vst.idx.msk $0xffff, v19;
	v11 =	vor.u32 v2, v18;
	v10 =	vld.idx.msk [tilespmem:v10+s13+$0x0], $0xffff  }
0x68: {  	v9 =	vor.u32 v2, v15;
	[tilespmem:v12+s14+$0x0] =	vst.idx.msk $0xffff, v20;
	v12 =	vld.idx.msk [tilespmem:v26+s13+$0x0], $0xffff  }
0x69: {  	[tilespmem:v7+s14+$0x0] =	vst.idx.msk $0xffff, v22;
	v7 =	vor.u32 v2, v25;
	v4 =	vld.idx.msk [tilespmem:v27+s13+$0x0], $0xffff  }
0x6a: {  	v15 =	vor.u32 v2, v24;
	[tilespmem:v6+s14+$0x0] =	vst.idx.msk $0xffff, v14;
	v6 =	vld.idx.msk [tilespmem:v13+s13+$0x0], $0xffff  }
0x6b: {  	[tilespmem:v8+s14+$0x0] =	vst.idx.msk $0xffff, v5;
	v13 =	vor.u32 v2, v21;
	v3 =	vld.idx.msk [tilespmem:v3+s13+$0x0], $0xffff  }
0x6c: {  	[tilespmem:v11+s14+$0x0] =	vst.idx.msk $0xffff, v10  }
0x6d: {  	[tilespmem:v9+s14+$0x0] =	vst.idx.msk $0xffff, v12  }
0x6e: {  	[tilespmem:v7+s14+$0x0] =	vst.idx.msk $0xffff, v4  }
0x6f: {  	[tilespmem:v15+s14+$0x0] =	vst.idx.msk $0xffff, v6  }
0x70: {  	[tilespmem:v13+s14+$0x0] =	vst.idx.msk $0xffff, v3  }
0x71: {  	[hbm4b:s6+s3] =	stream.linear.scatter [tilespmem:s14], [sflag:$0x1], $0x4000, $0x38;
	[tilespmem:$0x12D00] =	vst v63  }
0x72: {  	v3 =	vld [tilespmem:$0x20]  }
0x73: {  	v5 =	vlaneseq.u32  }
0x74: {  	v14 =	vadd.s32 $0x2, v5;
	v22 =	vor.u32 v1, v5  }
0x75: {  	v16 =	vand.u32 $0x1FF, v14;
	v9 =	vadd.s32 $0x6, v5;
	v11 =	vadd.s32 $0x4, v5  }
0x76: {  	v12 =	vadd.s32 $0x5, v5;
	v4 =	vadd.s32 $0x8, v5;
	v6 =	vadd.s32 $0x7, v5  }
0x77: {  	v9 =	vand.u32 $0x1FF, v9;
	v6 =	vand.u32 $0x1FF, v6;
	v3 =	vshll.u32 v3, $0x9  }
0x78: {  	v13 =	vadd.s32 $0x1, v5;
	v11 =	vand.u32 $0x1FF, v11;
	v10 =	vor.u32 v3, v6  }
0x79: {  	v19 =	vand.u32 $0x1FF, v12;
	v8 =	vand.u32 $0x1FF, v4;
	v15 =	vor.u32 v3, v9  }
0x7a: {  	v4 =	vadd.s32 $0x3, v5;
	v13 =	vand.u32 $0x1FF, v13;
	v7 =	vor.u32 v3, v5  }
0x7b: {  	v29 =	vor.u32 v1, v9;
	v14 =	vand.u32 $0x1FF, v4;
	v17 =	vor.u32 v3, v13  }
0x7c: {  	v27 =	vor.u32 v1, v6;
	v31 =	vadd.s32 $0x3, v8;
	v21 =	vor.u32 v3, v11  }
0x7d: {  	v25 =	vadd.s32 $0x4, v8;
	v24 =	vadd.s32 $0x5, v8;
	v28 =	vor.u32 v3, v14;
	v23 =	vld.idx.msk [tilespmem:v10+s13+$0x0], $0xffff  }
0x7e: {  	v4 =	vor.u32 v1, v14;
	v18 =	vor.u32 v3, v16;
	v26 =	vor.u32 v3, v19;
	v15 =	vld.idx.msk [tilespmem:v15+s13+$0x0], $0xffff  }
0x7f: {  	v5 =	vor.u32 v3, v8;
	v6 =	vor.u32 v1, v11;
	v30 =	vld.idx.msk [tilespmem:v7+s13+$0x0], $0xffff;
	v7 =	vadd.s32 $0x7, v8  }
0x80: {  	v13 =	vor.u32 v1, v13;
	v9 =	vadd.s32 $0x6, v8;
	v12 =	vld.idx.msk [tilespmem:v17+s13+$0x0], $0xffff;
	v14 =	vand.u32 $0x1FF, v7  }
0x81: {  	v11 =	vor.u32 v1, v16;
	v10 =	vadd.s32 $0x8, v8;
	v16 =	vld.idx.msk [tilespmem:v21+s13+$0x0], $0xffff;
	v20 =	vor.u32 v3, v14  }
0x82: {  	v17 =	vand.u32 $0x1FF, v9;
	v9 =	vld.idx.msk [tilespmem:v28+s13+$0x0], $0xffff;
	v21 =	vadd.s32 $0x1, v8;
	v7 =	vor.u32 v1, v19;
	[tilespmem:v27+s15+$0x0] =	vst.idx.msk $0xffff, v23  }
0x83: {  	v10 =	vand.u32 $0x1FF, v10;
	v19 =	vld.idx.msk [tilespmem:v18+s13+$0x0], $0xffff;
	v27 =	vadd.s32 $0x2, v8;
	v23 =	vor.u32 v3, v17;
	[tilespmem:v29+s15+$0x0] =	vst.idx.msk $0xffff, v15  }
0x84: {  	s23 =	simm.s32 $0x8;
	v18 =	vand.u32 $0x1FF, v21;
	v21 =	vand.u32 $0x1FF, v31;
	[tilespmem:v22+s15+$0x0] =	vst.idx.msk $0xffff, v30;
	v22 =	vld.idx.msk [tilespmem:v26+s13+$0x0], $0xffff;
	v15 =	vand.u32 $0x1FF, v27  }
.LBB2_6:
0x85: {  	s23 =	sadd.s32 $0x8, s23;
	v26 =	vor.u32 v3, v18;
	v27 =	vor.u32 v3, v15;
	v28 =	vor.u32 v1, v21;
	v29 =	vmovc v10  }
0x86: {  	v30 =	vor.u32 v1, v8;
	v8 =	vand.u32 $0x1FF, v25;
	v24 =	vand.u32 $0x1FF, v24;
	p0 =	slt.u32 s23, $0x1F8;
	v31 =	vld.idx.msk [tilespmem:v20+s13+$0x0], $0xffff;
	[tilespmem:v13+s15+$0x0] =	vst.idx.msk $0xffff, v12  }
0x87: {  	v34 =	vor.u32 v1, v14;
	v25 =	vor.u32 v3, v8;
	v33 =	vor.u32 v3, v24;
	v32 =	vld.idx.msk [tilespmem:v5+s13+$0x0], $0xffff  }
0x88: {  	v21 =	vor.u32 v3, v21;
	v5 =	vor.u32 v3, v10;
	v35 =	vld.idx.msk [tilespmem:v23+s13+$0x0], $0xffff;
	[tilespmem:v6+s15+$0x0] =	vst.idx.msk $0xffff, v16  }
0x89: {  	v36 =	vor.u32 v1, v17;
	v10 =	vadd.s32 $0x8, v10;
	v6 =	vor.u32 v1, v8;
	[tilespmem:v11+s15+$0x0] =	vst.idx.msk $0xffff, v19  }
0x8a: {  	v17 =	vadd.s32 $0x7, v29;
	v13 =	vor.u32 v1, v18;
	v10 =	vand.u32 $0x1FF, v10;
	v12 =	vld.idx.msk [tilespmem:v26+s13+$0x0], $0xffff;
	[tilespmem:v7+s15+$0x0] =	vst.idx.msk $0xffff, v22  }
.Ltmp2:
0x8b: {  	v14 =	vand.u32 $0x1FF, v17;
	v22 =	vadd.s32 $0x3, v29;
	v7 =	vor.u32 v1, v24;
	[tilespmem:v4+s15+$0x0] =	vst.idx.msk $0xffff, v9;
	v4 =	vmovc v28;
	(pc) =	sbr.rel @p0 .LBB2_6-.Ltmp2, $4  }
0x8c: {  	v20 =	vor.u32 v3, v14;
	v8 =	vmovc v29;
	v11 =	vor.u32 v1, v15;
	v9 =	vadd.s32 $0x6, v29;
	v16 =	vld.idx.msk [tilespmem:v25+s13+$0x0], $0xffff  }
0x8d: {  	v24 =	vadd.s32 $0x5, v8;
	v25 =	vadd.s32 $0x4, v8;
	v17 =	vand.u32 $0x1FF, v9;
	v9 =	vld.idx.msk [tilespmem:v21+s13+$0x0], $0xffff;
	[tilespmem:v34+s15+$0x0] =	vst.idx.msk $0xffff, v31  }
0x8e: {  	v15 =	vadd.s32 $0x1, v8;
	v21 =	vadd.s32 $0x2, v8;
	v23 =	vor.u32 v3, v17;
	v19 =	vld.idx.msk [tilespmem:v27+s13+$0x0], $0xffff;
	[tilespmem:v36+s15+$0x0] =	vst.idx.msk $0xffff, v35  }
0x8f: {  	v18 =	vand.u32 $0x1FF, v15;
	v15 =	vand.u32 $0x1FF, v21;
	v21 =	vand.u32 $0x1FF, v22;
	[tilespmem:v30+s15+$0x0] =	vst.idx.msk $0xffff, v32;
	v22 =	vld.idx.msk [tilespmem:v33+s13+$0x0], $0xffff  }
0x90: {  	_ =	sdelay $0x2  }
0x91: {  	v10 =	vor.u32 v3, v18;
	v25 =	vand.u32 $0x1FF, v25  }
0x92: {  	v26 =	vor.u32 v3, v15;
	v20 =	vld.idx.msk [tilespmem:v20+s13+$0x0], $0xffff;
	[tilespmem:v13+s15+$0x0] =	vst.idx.msk $0xffff, v12;
	v12 =	vor.u32 v1, v14  }
0x93: {  	v24 =	vand.u32 $0x1FF, v24;
	v27 =	vor.u32 v3, v25  }
0x94: {  	v14 =	vld.idx.msk [tilespmem:v23+s13+$0x0], $0xffff;
	v13 =	vor.u32 v3, v24;
	[tilespmem:v6+s15+$0x0] =	vst.idx.msk $0xffff, v16;
	v6 =	vor.u32 v1, v17  }
0x95: {  	v8 =	vor.u32 v1, v8;
	v5 =	vld.idx.msk [tilespmem:v5+s13+$0x0], $0xffff;
	v3 =	vor.u32 v3, v21;
	[tilespmem:v4+s15+$0x0] =	vst.idx.msk $0xffff, v9  }
0x96: {  	[tilespmem:v11+s15+$0x0] =	vst.idx.msk $0xffff, v19;
	v11 =	vor.u32 v1, v18;
	v10 =	vld.idx.msk [tilespmem:v10+s13+$0x0], $0xffff  }
0x97: {  	v9 =	vor.u32 v1, v15;
	[tilespmem:v12+s15+$0x0] =	vst.idx.msk $0xffff, v20;
	v12 =	vld.idx.msk [tilespmem:v26+s13+$0x0], $0xffff  }
0x98: {  	[tilespmem:v7+s15+$0x0] =	vst.idx.msk $0xffff, v22;
	v7 =	vor.u32 v1, v25;
	v4 =	vld.idx.msk [tilespmem:v27+s13+$0x0], $0xffff  }
0x99: {  	v15 =	vor.u32 v1, v24;
	[tilespmem:v6+s15+$0x0] =	vst.idx.msk $0xffff, v14;
	v6 =	vld.idx.msk [tilespmem:v13+s13+$0x0], $0xffff  }
0x9a: {  	[tilespmem:v8+s15+$0x0] =	vst.idx.msk $0xffff, v5;
	v13 =	vor.u32 v1, v21;
	v3 =	vld.idx.msk [tilespmem:v3+s13+$0x0], $0xffff  }
0x9b: {  	[tilespmem:v11+s15+$0x0] =	vst.idx.msk $0xffff, v10  }
0x9c: {  	[tilespmem:v9+s15+$0x0] =	vst.idx.msk $0xffff, v12  }
0x9d: {  	[tilespmem:v7+s15+$0x0] =	vst.idx.msk $0xffff, v4  }
0x9e: {  	[tilespmem:v15+s15+$0x0] =	vst.idx.msk $0xffff, v6  }
0x9f: {  	[tilespmem:v13+s15+$0x0] =	vst.idx.msk $0xffff, v3  }
0xa0: {  	v3 =	vld [tilespmem:$0x30]  }
0xa1: {  	v5 =	vlaneseq.u32  }
0xa2: {  	v14 =	vadd.s32 $0x2, v5;
	v22 =	vor.u32 v2, v5  }
0xa3: {  	v16 =	vand.u32 $0x1FF, v14;
	v9 =	vadd.s32 $0x6, v5;
	v11 =	vadd.s32 $0x4, v5  }
0xa4: {  	v12 =	vadd.s32 $0x5, v5;
	v4 =	vadd.s32 $0x8, v5;
	v6 =	vadd.s32 $0x7, v5  }
0xa5: {  	v9 =	vand.u32 $0x1FF, v9;
	v6 =	vand.u32 $0x1FF, v6;
	v3 =	vshll.u32 v3, $0x9  }
0xa6: {  	v13 =	vadd.s32 $0x1, v5;
	v11 =	vand.u32 $0x1FF, v11;
	v10 =	vor.u32 v3, v6  }
0xa7: {  	v19 =	vand.u32 $0x1FF, v12;
	v8 =	vand.u32 $0x1FF, v4;
	v15 =	vor.u32 v3, v9  }
0xa8: {  	v4 =	vadd.s32 $0x3, v5;
	v13 =	vand.u32 $0x1FF, v13;
	v7 =	vor.u32 v3, v5  }
0xa9: {  	v29 =	vor.u32 v2, v9;
	v14 =	vand.u32 $0x1FF, v4;
	v17 =	vor.u32 v3, v13  }
0xaa: {  	v27 =	vor.u32 v2, v6;
	v31 =	vadd.s32 $0x3, v8;
	v21 =	vor.u32 v3, v11  }
0xab: {  	v25 =	vadd.s32 $0x4, v8;
	v24 =	vadd.s32 $0x5, v8;
	v28 =	vor.u32 v3, v14;
	v23 =	vld.idx.msk [tilespmem:v10+s13+$0x0], $0xffff  }
0xac: {  	v4 =	vor.u32 v2, v14;
	v18 =	vor.u32 v3, v16;
	v26 =	vor.u32 v3, v19;
	v15 =	vld.idx.msk [tilespmem:v15+s13+$0x0], $0xffff  }
0xad: {  	v5 =	vor.u32 v3, v8;
	v6 =	vor.u32 v2, v11;
	v30 =	vld.idx.msk [tilespmem:v7+s13+$0x0], $0xffff;
	v7 =	vadd.s32 $0x7, v8  }
0xae: {  	v13 =	vor.u32 v2, v13;
	v9 =	vadd.s32 $0x6, v8;
	v12 =	vld.idx.msk [tilespmem:v17+s13+$0x0], $0xffff;
	v14 =	vand.u32 $0x1FF, v7  }
0xaf: {  	v11 =	vor.u32 v2, v16;
	v10 =	vadd.s32 $0x8, v8;
	v16 =	vld.idx.msk [tilespmem:v21+s13+$0x0], $0xffff;
	v20 =	vor.u32 v3, v14  }
0xb0: {  	v17 =	vand.u32 $0x1FF, v9;
	v9 =	vld.idx.msk [tilespmem:v28+s13+$0x0], $0xffff;
	v21 =	vadd.s32 $0x1, v8;
	v7 =	vor.u32 v2, v19;
	[tilespmem:v27+s15+$0x0] =	vst.idx.msk $0xffff, v23  }
0xb1: {  	v10 =	vand.u32 $0x1FF, v10;
	v19 =	vld.idx.msk [tilespmem:v18+s13+$0x0], $0xffff;
	v27 =	vadd.s32 $0x2, v8;
	v23 =	vor.u32 v3, v17;
	[tilespmem:v29+s15+$0x0] =	vst.idx.msk $0xffff, v15  }
0xb2: {  	s23 =	simm.s32 $0x8;
	v18 =	vand.u32 $0x1FF, v21;
	v21 =	vand.u32 $0x1FF, v31;
	[tilespmem:v22+s15+$0x0] =	vst.idx.msk $0xffff, v30;
	v22 =	vld.idx.msk [tilespmem:v26+s13+$0x0], $0xffff;
	v15 =	vand.u32 $0x1FF, v27  }
.LBB2_8:
0xb3: {  	s23 =	sadd.s32 $0x8, s23;
	v26 =	vor.u32 v3, v18;
	v27 =	vor.u32 v3, v15;
	v28 =	vor.u32 v2, v21;
	v29 =	vmovc v10  }
0xb4: {  	v30 =	vor.u32 v2, v8;
	v8 =	vand.u32 $0x1FF, v25;
	v24 =	vand.u32 $0x1FF, v24;
	p0 =	slt.u32 s23, $0x1F8;
	v31 =	vld.idx.msk [tilespmem:v20+s13+$0x0], $0xffff;
	[tilespmem:v13+s15+$0x0] =	vst.idx.msk $0xffff, v12  }
0xb5: {  	v34 =	vor.u32 v2, v14;
	v25 =	vor.u32 v3, v8;
	v33 =	vor.u32 v3, v24;
	v32 =	vld.idx.msk [tilespmem:v5+s13+$0x0], $0xffff  }
0xb6: {  	v21 =	vor.u32 v3, v21;
	v5 =	vor.u32 v3, v10;
	v35 =	vld.idx.msk [tilespmem:v23+s13+$0x0], $0xffff;
	[tilespmem:v6+s15+$0x0] =	vst.idx.msk $0xffff, v16  }
0xb7: {  	v36 =	vor.u32 v2, v17;
	v10 =	vadd.s32 $0x8, v10;
	v6 =	vor.u32 v2, v8;
	[tilespmem:v11+s15+$0x0] =	vst.idx.msk $0xffff, v19  }
0xb8: {  	v17 =	vadd.s32 $0x7, v29;
	v13 =	vor.u32 v2, v18;
	v10 =	vand.u32 $0x1FF, v10;
	v12 =	vld.idx.msk [tilespmem:v26+s13+$0x0], $0xffff;
	[tilespmem:v7+s15+$0x0] =	vst.idx.msk $0xffff, v22  }
.Ltmp3:
0xb9: {  	v14 =	vand.u32 $0x1FF, v17;
	v22 =	vadd.s32 $0x3, v29;
	v7 =	vor.u32 v2, v24;
	[tilespmem:v4+s15+$0x0] =	vst.idx.msk $0xffff, v9;
	v4 =	vmovc v28;
	(pc) =	sbr.rel @p0 .LBB2_8-.Ltmp3, $4  }
0xba: {  	v20 =	vor.u32 v3, v14;
	v8 =	vmovc v29;
	v11 =	vor.u32 v2, v15;
	v9 =	vadd.s32 $0x6, v29;
	v16 =	vld.idx.msk [tilespmem:v25+s13+$0x0], $0xffff  }
0xbb: {  	v24 =	vadd.s32 $0x5, v8;
	v25 =	vadd.s32 $0x4, v8;
	v17 =	vand.u32 $0x1FF, v9;
	v9 =	vld.idx.msk [tilespmem:v21+s13+$0x0], $0xffff;
	[tilespmem:v34+s15+$0x0] =	vst.idx.msk $0xffff, v31  }
0xbc: {  	v15 =	vadd.s32 $0x1, v8;
	v21 =	vadd.s32 $0x2, v8;
	v23 =	vor.u32 v3, v17;
	v19 =	vld.idx.msk [tilespmem:v27+s13+$0x0], $0xffff;
	[tilespmem:v36+s15+$0x0] =	vst.idx.msk $0xffff, v35  }
0xbd: {  	v18 =	vand.u32 $0x1FF, v15;
	v15 =	vand.u32 $0x1FF, v21;
	v21 =	vand.u32 $0x1FF, v22;
	[tilespmem:v30+s15+$0x0] =	vst.idx.msk $0xffff, v32;
	v22 =	vld.idx.msk [tilespmem:v33+s13+$0x0], $0xffff  }
0xbe: {  	_ =	sdelay $0x2  }
0xbf: {  	v10 =	vor.u32 v3, v18;
	v25 =	vand.u32 $0x1FF, v25  }
0xc0: {  	v26 =	vor.u32 v3, v15;
	v20 =	vld.idx.msk [tilespmem:v20+s13+$0x0], $0xffff;
	[tilespmem:v13+s15+$0x0] =	vst.idx.msk $0xffff, v12;
	v12 =	vor.u32 v2, v14  }
0xc1: {  	v24 =	vand.u32 $0x1FF, v24;
	v27 =	vor.u32 v3, v25  }
0xc2: {  	v14 =	vld.idx.msk [tilespmem:v23+s13+$0x0], $0xffff;
	v13 =	vor.u32 v3, v24;
	[tilespmem:v6+s15+$0x0] =	vst.idx.msk $0xffff, v16;
	v6 =	vor.u32 v2, v17  }
0xc3: {  	v8 =	vor.u32 v2, v8;
	v5 =	vld.idx.msk [tilespmem:v5+s13+$0x0], $0xffff;
	v3 =	vor.u32 v3, v21;
	[tilespmem:v4+s15+$0x0] =	vst.idx.msk $0xffff, v9  }
0xc4: {  	[tilespmem:v11+s15+$0x0] =	vst.idx.msk $0xffff, v19;
	v11 =	vor.u32 v2, v18;
	v10 =	vld.idx.msk [tilespmem:v10+s13+$0x0], $0xffff  }
0xc5: {  	v9 =	vor.u32 v2, v15;
	[tilespmem:v12+s15+$0x0] =	vst.idx.msk $0xffff, v20;
	v12 =	vld.idx.msk [tilespmem:v26+s13+$0x0], $0xffff  }
0xc6: {  	[tilespmem:v7+s15+$0x0] =	vst.idx.msk $0xffff, v22;
	v7 =	vor.u32 v2, v25;
	v4 =	vld.idx.msk [tilespmem:v27+s13+$0x0], $0xffff  }
0xc7: {  	v15 =	vor.u32 v2, v24;
	[tilespmem:v6+s15+$0x0] =	vst.idx.msk $0xffff, v14;
	v6 =	vld.idx.msk [tilespmem:v13+s13+$0x0], $0xffff  }
0xc8: {  	[tilespmem:v8+s15+$0x0] =	vst.idx.msk $0xffff, v5;
	v13 =	vor.u32 v2, v21;
	v3 =	vld.idx.msk [tilespmem:v3+s13+$0x0], $0xffff  }
0xc9: {  	[tilespmem:v11+s15+$0x0] =	vst.idx.msk $0xffff, v10  }
0xca: {  	[tilespmem:v9+s15+$0x0] =	vst.idx.msk $0xffff, v12  }
0xcb: {  	[tilespmem:v7+s15+$0x0] =	vst.idx.msk $0xffff, v4  }
0xcc: {  	[tilespmem:v15+s15+$0x0] =	vst.idx.msk $0xffff, v6  }
0xcd: {  	[tilespmem:v13+s15+$0x0] =	vst.idx.msk $0xffff, v3  }
0xce: {  	[hbm4b:s8+s3] =	stream.linear.scatter [tilespmem:s15], [sflag:$0x2], $0x4000, $0x38;
	[tilespmem:$0x12D00] =	vst v63  }
0xcf: {  	v3 =	vld [tilespmem:$0x40]  }
0xd0: {  	v5 =	vlaneseq.u32  }
0xd1: {  	v14 =	vadd.s32 $0x2, v5;
	v22 =	vor.u32 v1, v5  }
0xd2: {  	v16 =	vand.u32 $0x1FF, v14;
	v9 =	vadd.s32 $0x6, v5;
	v11 =	vadd.s32 $0x4, v5  }
0xd3: {  	v12 =	vadd.s32 $0x5, v5;
	v4 =	vadd.s32 $0x8, v5;
	v6 =	vadd.s32 $0x7, v5  }
0xd4: {  	v9 =	vand.u32 $0x1FF, v9;
	v6 =	vand.u32 $0x1FF, v6;
	v3 =	vshll.u32 v3, $0x9  }
0xd5: {  	v13 =	vadd.s32 $0x1, v5;
	v11 =	vand.u32 $0x1FF, v11;
	v10 =	vor.u32 v3, v6  }
0xd6: {  	v19 =	vand.u32 $0x1FF, v12;
	v8 =	vand.u32 $0x1FF, v4;
	v15 =	vor.u32 v3, v9  }
0xd7: {  	v4 =	vadd.s32 $0x3, v5;
	v13 =	vand.u32 $0x1FF, v13;
	v7 =	vor.u32 v3, v5  }
0xd8: {  	v29 =	vor.u32 v1, v9;
	v14 =	vand.u32 $0x1FF, v4;
	v17 =	vor.u32 v3, v13  }
0xd9: {  	v27 =	vor.u32 v1, v6;
	v31 =	vadd.s32 $0x3, v8;
	v21 =	vor.u32 v3, v11  }
0xda: {  	v25 =	vadd.s32 $0x4, v8;
	v24 =	vadd.s32 $0x5, v8;
	v28 =	vor.u32 v3, v14;
	v23 =	vld.idx.msk [tilespmem:v10+s13+$0x0], $0xffff  }
0xdb: {  	v4 =	vor.u32 v1, v14;
	v18 =	vor.u32 v3, v16;
	v26 =	vor.u32 v3, v19;
	v15 =	vld.idx.msk [tilespmem:v15+s13+$0x0], $0xffff  }
0xdc: {  	v5 =	vor.u32 v3, v8;
	v6 =	vor.u32 v1, v11;
	v30 =	vld.idx.msk [tilespmem:v7+s13+$0x0], $0xffff;
	v7 =	vadd.s32 $0x7, v8  }
0xdd: {  	v13 =	vor.u32 v1, v13;
	v9 =	vadd.s32 $0x6, v8;
	v12 =	vld.idx.msk [tilespmem:v17+s13+$0x0], $0xffff;
	v14 =	vand.u32 $0x1FF, v7  }
0xde: {  	v11 =	vor.u32 v1, v16;
	v10 =	vadd.s32 $0x8, v8;
	v16 =	vld.idx.msk [tilespmem:v21+s13+$0x0], $0xffff;
	v20 =	vor.u32 v3, v14  }
0xdf: {  	v17 =	vand.u32 $0x1FF, v9;
	v9 =	vld.idx.msk [tilespmem:v28+s13+$0x0], $0xffff;
	v21 =	vadd.s32 $0x1, v8;
	v7 =	vor.u32 v1, v19;
	[tilespmem:v27+s16+$0x0] =	vst.idx.msk $0xffff, v23  }
0xe0: {  	v10 =	vand.u32 $0x1FF, v10;
	v19 =	vld.idx.msk [tilespmem:v18+s13+$0x0], $0xffff;
	v27 =	vadd.s32 $0x2, v8;
	v23 =	vor.u32 v3, v17;
	[tilespmem:v29+s16+$0x0] =	vst.idx.msk $0xffff, v15  }
0xe1: {  	s23 =	simm.s32 $0x8;
	v18 =	vand.u32 $0x1FF, v21;
	v21 =	vand.u32 $0x1FF, v31;
	[tilespmem:v22+s16+$0x0] =	vst.idx.msk $0xffff, v30;
	v22 =	vld.idx.msk [tilespmem:v26+s13+$0x0], $0xffff;
	v15 =	vand.u32 $0x1FF, v27  }
.LBB2_10:
0xe2: {  	s23 =	sadd.s32 $0x8, s23;
	v26 =	vor.u32 v3, v18;
	v27 =	vor.u32 v3, v15;
	v28 =	vor.u32 v1, v21;
	v29 =	vmovc v10  }
0xe3: {  	v30 =	vor.u32 v1, v8;
	v8 =	vand.u32 $0x1FF, v25;
	v24 =	vand.u32 $0x1FF, v24;
	p0 =	slt.u32 s23, $0x1F8;
	v31 =	vld.idx.msk [tilespmem:v20+s13+$0x0], $0xffff;
	[tilespmem:v13+s16+$0x0] =	vst.idx.msk $0xffff, v12  }
0xe4: {  	v34 =	vor.u32 v1, v14;
	v25 =	vor.u32 v3, v8;
	v33 =	vor.u32 v3, v24;
	v32 =	vld.idx.msk [tilespmem:v5+s13+$0x0], $0xffff  }
0xe5: {  	v21 =	vor.u32 v3, v21;
	v5 =	vor.u32 v3, v10;
	v35 =	vld.idx.msk [tilespmem:v23+s13+$0x0], $0xffff;
	[tilespmem:v6+s16+$0x0] =	vst.idx.msk $0xffff, v16  }
0xe6: {  	v36 =	vor.u32 v1, v17;
	v10 =	vadd.s32 $0x8, v10;
	v6 =	vor.u32 v1, v8;
	[tilespmem:v11+s16+$0x0] =	vst.idx.msk $0xffff, v19  }
0xe7: {  	v17 =	vadd.s32 $0x7, v29;
	v13 =	vor.u32 v1, v18;
	v10 =	vand.u32 $0x1FF, v10;
	v12 =	vld.idx.msk [tilespmem:v26+s13+$0x0], $0xffff;
	[tilespmem:v7+s16+$0x0] =	vst.idx.msk $0xffff, v22  }
.Ltmp4:
0xe8: {  	v14 =	vand.u32 $0x1FF, v17;
	v22 =	vadd.s32 $0x3, v29;
	v7 =	vor.u32 v1, v24;
	[tilespmem:v4+s16+$0x0] =	vst.idx.msk $0xffff, v9;
	v4 =	vmovc v28;
	(pc) =	sbr.rel @p0 .LBB2_10-.Ltmp4, $4  }
0xe9: {  	v20 =	vor.u32 v3, v14;
	v8 =	vmovc v29;
	v11 =	vor.u32 v1, v15;
	v9 =	vadd.s32 $0x6, v29;
	v16 =	vld.idx.msk [tilespmem:v25+s13+$0x0], $0xffff  }
0xea: {  	v24 =	vadd.s32 $0x5, v8;
	v25 =	vadd.s32 $0x4, v8;
	v17 =	vand.u32 $0x1FF, v9;
	v9 =	vld.idx.msk [tilespmem:v21+s13+$0x0], $0xffff;
	[tilespmem:v34+s16+$0x0] =	vst.idx.msk $0xffff, v31  }
0xeb: {  	v15 =	vadd.s32 $0x1, v8;
	v21 =	vadd.s32 $0x2, v8;
	v23 =	vor.u32 v3, v17;
	v19 =	vld.idx.msk [tilespmem:v27+s13+$0x0], $0xffff;
	[tilespmem:v36+s16+$0x0] =	vst.idx.msk $0xffff, v35  }
0xec: {  	v18 =	vand.u32 $0x1FF, v15;
	v15 =	vand.u32 $0x1FF, v21;
	v21 =	vand.u32 $0x1FF, v22;
	[tilespmem:v30+s16+$0x0] =	vst.idx.msk $0xffff, v32;
	v22 =	vld.idx.msk [tilespmem:v33+s13+$0x0], $0xffff  }
0xed: {  	_ =	sdelay $0x2  }
0xee: {  	v10 =	vor.u32 v3, v18;
	v25 =	vand.u32 $0x1FF, v25  }
0xef: {  	v26 =	vor.u32 v3, v15;
	v20 =	vld.idx.msk [tilespmem:v20+s13+$0x0], $0xffff;
	[tilespmem:v13+s16+$0x0] =	vst.idx.msk $0xffff, v12;
	v12 =	vor.u32 v1, v14  }
0xf0: {  	v24 =	vand.u32 $0x1FF, v24;
	v27 =	vor.u32 v3, v25  }
0xf1: {  	v14 =	vld.idx.msk [tilespmem:v23+s13+$0x0], $0xffff;
	v13 =	vor.u32 v3, v24;
	[tilespmem:v6+s16+$0x0] =	vst.idx.msk $0xffff, v16;
	v6 =	vor.u32 v1, v17  }
0xf2: {  	v8 =	vor.u32 v1, v8;
	v5 =	vld.idx.msk [tilespmem:v5+s13+$0x0], $0xffff;
	v3 =	vor.u32 v3, v21;
	[tilespmem:v4+s16+$0x0] =	vst.idx.msk $0xffff, v9  }
0xf3: {  	[tilespmem:v11+s16+$0x0] =	vst.idx.msk $0xffff, v19;
	v11 =	vor.u32 v1, v18;
	v10 =	vld.idx.msk [tilespmem:v10+s13+$0x0], $0xffff  }
0xf4: {  	v9 =	vor.u32 v1, v15;
	[tilespmem:v12+s16+$0x0] =	vst.idx.msk $0xffff, v20;
	v12 =	vld.idx.msk [tilespmem:v26+s13+$0x0], $0xffff  }
0xf5: {  	[tilespmem:v7+s16+$0x0] =	vst.idx.msk $0xffff, v22;
	v7 =	vor.u32 v1, v25;
	v4 =	vld.idx.msk [tilespmem:v27+s13+$0x0], $0xffff  }
0xf6: {  	v15 =	vor.u32 v1, v24;
	[tilespmem:v6+s16+$0x0] =	vst.idx.msk $0xffff, v14;
	v6 =	vld.idx.msk [tilespmem:v13+s13+$0x0], $0xffff  }
0xf7: {  	[tilespmem:v8+s16+$0x0] =	vst.idx.msk $0xffff, v5;
	v13 =	vor.u32 v1, v21;
	v3 =	vld.idx.msk [tilespmem:v3+s13+$0x0], $0xffff  }
0xf8: {  	[tilespmem:v11+s16+$0x0] =	vst.idx.msk $0xffff, v10  }
0xf9: {  	[tilespmem:v9+s16+$0x0] =	vst.idx.msk $0xffff, v12  }
0xfa: {  	[tilespmem:v7+s16+$0x0] =	vst.idx.msk $0xffff, v4  }
0xfb: {  	[tilespmem:v15+s16+$0x0] =	vst.idx.msk $0xffff, v6  }
0xfc: {  	[tilespmem:v13+s16+$0x0] =	vst.idx.msk $0xffff, v3  }
0xfd: {  	v3 =	vld [tilespmem:$0x50]  }
0xfe: {  	v5 =	vlaneseq.u32  }
0xff: {  	v14 =	vadd.s32 $0x2, v5;
	v22 =	vor.u32 v2, v5  }
0x100: {  	v16 =	vand.u32 $0x1FF, v14;
	v9 =	vadd.s32 $0x6, v5;
	v11 =	vadd.s32 $0x4, v5  }
0x101: {  	v12 =	vadd.s32 $0x5, v5;
	v4 =	vadd.s32 $0x8, v5;
	v6 =	vadd.s32 $0x7, v5  }
0x102: {  	v9 =	vand.u32 $0x1FF, v9;
	v6 =	vand.u32 $0x1FF, v6;
	v3 =	vshll.u32 v3, $0x9  }
0x103: {  	v13 =	vadd.s32 $0x1, v5;
	v11 =	vand.u32 $0x1FF, v11;
	v10 =	vor.u32 v3, v6  }
0x104: {  	v19 =	vand.u32 $0x1FF, v12;
	v8 =	vand.u32 $0x1FF, v4;
	v15 =	vor.u32 v3, v9  }
0x105: {  	v4 =	vadd.s32 $0x3, v5;
	v13 =	vand.u32 $0x1FF, v13;
	v7 =	vor.u32 v3, v5  }
0x106: {  	v29 =	vor.u32 v2, v9;
	v14 =	vand.u32 $0x1FF, v4;
	v17 =	vor.u32 v3, v13  }
0x107: {  	v27 =	vor.u32 v2, v6;
	v31 =	vadd.s32 $0x3, v8;
	v21 =	vor.u32 v3, v11  }
0x108: {  	v25 =	vadd.s32 $0x4, v8;
	v24 =	vadd.s32 $0x5, v8;
	v28 =	vor.u32 v3, v14;
	v23 =	vld.idx.msk [tilespmem:v10+s13+$0x0], $0xffff  }
0x109: {  	v4 =	vor.u32 v2, v14;
	v18 =	vor.u32 v3, v16;
	v26 =	vor.u32 v3, v19;
	v15 =	vld.idx.msk [tilespmem:v15+s13+$0x0], $0xffff  }
0x10a: {  	v5 =	vor.u32 v3, v8;
	v6 =	vor.u32 v2, v11;
	v30 =	vld.idx.msk [tilespmem:v7+s13+$0x0], $0xffff;
	v7 =	vadd.s32 $0x7, v8  }
0x10b: {  	v13 =	vor.u32 v2, v13;
	v9 =	vadd.s32 $0x6, v8;
	v12 =	vld.idx.msk [tilespmem:v17+s13+$0x0], $0xffff;
	v14 =	vand.u32 $0x1FF, v7  }
0x10c: {  	v11 =	vor.u32 v2, v16;
	v10 =	vadd.s32 $0x8, v8;
	v16 =	vld.idx.msk [tilespmem:v21+s13+$0x0], $0xffff;
	v20 =	vor.u32 v3, v14  }
0x10d: {  	v17 =	vand.u32 $0x1FF, v9;
	v9 =	vld.idx.msk [tilespmem:v28+s13+$0x0], $0xffff;
	v21 =	vadd.s32 $0x1, v8;
	v7 =	vor.u32 v2, v19;
	[tilespmem:v27+s16+$0x0] =	vst.idx.msk $0xffff, v23  }
0x10e: {  	v10 =	vand.u32 $0x1FF, v10;
	v19 =	vld.idx.msk [tilespmem:v18+s13+$0x0], $0xffff;
	v27 =	vadd.s32 $0x2, v8;
	v23 =	vor.u32 v3, v17;
	[tilespmem:v29+s16+$0x0] =	vst.idx.msk $0xffff, v15  }
0x10f: {  	s23 =	simm.s32 $0x8;
	v18 =	vand.u32 $0x1FF, v21;
	v21 =	vand.u32 $0x1FF, v31;
	[tilespmem:v22+s16+$0x0] =	vst.idx.msk $0xffff, v30;
	v22 =	vld.idx.msk [tilespmem:v26+s13+$0x0], $0xffff;
	v15 =	vand.u32 $0x1FF, v27  }
.LBB2_12:
0x110: {  	s23 =	sadd.s32 $0x8, s23;
	v26 =	vor.u32 v3, v18;
	v27 =	vor.u32 v3, v15;
	v28 =	vor.u32 v2, v21;
	v29 =	vmovc v10  }
0x111: {  	v30 =	vor.u32 v2, v8;
	v8 =	vand.u32 $0x1FF, v25;
	v24 =	vand.u32 $0x1FF, v24;
	p0 =	slt.u32 s23, $0x1F8;
	v31 =	vld.idx.msk [tilespmem:v20+s13+$0x0], $0xffff;
	[tilespmem:v13+s16+$0x0] =	vst.idx.msk $0xffff, v12  }
0x112: {  	v34 =	vor.u32 v2, v14;
	v25 =	vor.u32 v3, v8;
	v33 =	vor.u32 v3, v24;
	v32 =	vld.idx.msk [tilespmem:v5+s13+$0x0], $0xffff  }
0x113: {  	v21 =	vor.u32 v3, v21;
	v5 =	vor.u32 v3, v10;
	v35 =	vld.idx.msk [tilespmem:v23+s13+$0x0], $0xffff;
	[tilespmem:v6+s16+$0x0] =	vst.idx.msk $0xffff, v16  }
0x114: {  	v36 =	vor.u32 v2, v17;
	v10 =	vadd.s32 $0x8, v10;
	v6 =	vor.u32 v2, v8;
	[tilespmem:v11+s16+$0x0] =	vst.idx.msk $0xffff, v19  }
0x115: {  	v17 =	vadd.s32 $0x7, v29;
	v13 =	vor.u32 v2, v18;
	v10 =	vand.u32 $0x1FF, v10;
	v12 =	vld.idx.msk [tilespmem:v26+s13+$0x0], $0xffff;
	[tilespmem:v7+s16+$0x0] =	vst.idx.msk $0xffff, v22  }
.Ltmp5:
0x116: {  	v14 =	vand.u32 $0x1FF, v17;
	v22 =	vadd.s32 $0x3, v29;
	v7 =	vor.u32 v2, v24;
	[tilespmem:v4+s16+$0x0] =	vst.idx.msk $0xffff, v9;
	v4 =	vmovc v28;
	(pc) =	sbr.rel @p0 .LBB2_12-.Ltmp5, $4  }
0x117: {  	v20 =	vor.u32 v3, v14;
	v8 =	vmovc v29;
	v11 =	vor.u32 v2, v15;
	v9 =	vadd.s32 $0x6, v29;
	v16 =	vld.idx.msk [tilespmem:v25+s13+$0x0], $0xffff  }
0x118: {  	v24 =	vadd.s32 $0x5, v8;
	v25 =	vadd.s32 $0x4, v8;
	v17 =	vand.u32 $0x1FF, v9;
	v9 =	vld.idx.msk [tilespmem:v21+s13+$0x0], $0xffff;
	[tilespmem:v34+s16+$0x0] =	vst.idx.msk $0xffff, v31  }
0x119: {  	v15 =	vadd.s32 $0x1, v8;
	v21 =	vadd.s32 $0x2, v8;
	v23 =	vor.u32 v3, v17;
	v19 =	vld.idx.msk [tilespmem:v27+s13+$0x0], $0xffff;
	[tilespmem:v36+s16+$0x0] =	vst.idx.msk $0xffff, v35  }
0x11a: {  	v18 =	vand.u32 $0x1FF, v15;
	v15 =	vand.u32 $0x1FF, v21;
	v21 =	vand.u32 $0x1FF, v22;
	[tilespmem:v30+s16+$0x0] =	vst.idx.msk $0xffff, v32;
	v22 =	vld.idx.msk [tilespmem:v33+s13+$0x0], $0xffff  }
0x11b: {  	_ =	sdelay $0x2  }
0x11c: {  	v10 =	vor.u32 v3, v18;
	v25 =	vand.u32 $0x1FF, v25  }
0x11d: {  	v26 =	vor.u32 v3, v15;
	v20 =	vld.idx.msk [tilespmem:v20+s13+$0x0], $0xffff;
	[tilespmem:v13+s16+$0x0] =	vst.idx.msk $0xffff, v12;
	v12 =	vor.u32 v2, v14  }
0x11e: {  	v24 =	vand.u32 $0x1FF, v24;
	v27 =	vor.u32 v3, v25  }
0x11f: {  	v14 =	vld.idx.msk [tilespmem:v23+s13+$0x0], $0xffff;
	v13 =	vor.u32 v3, v24;
	[tilespmem:v6+s16+$0x0] =	vst.idx.msk $0xffff, v16;
	v6 =	vor.u32 v2, v17  }
0x120: {  	v8 =	vor.u32 v2, v8;
	v5 =	vld.idx.msk [tilespmem:v5+s13+$0x0], $0xffff;
	v3 =	vor.u32 v3, v21;
	[tilespmem:v4+s16+$0x0] =	vst.idx.msk $0xffff, v9  }
0x121: {  	[tilespmem:v11+s16+$0x0] =	vst.idx.msk $0xffff, v19;
	v11 =	vor.u32 v2, v18;
	v10 =	vld.idx.msk [tilespmem:v10+s13+$0x0], $0xffff  }
0x122: {  	v9 =	vor.u32 v2, v15;
	[tilespmem:v12+s16+$0x0] =	vst.idx.msk $0xffff, v20;
	v12 =	vld.idx.msk [tilespmem:v26+s13+$0x0], $0xffff  }
0x123: {  	[tilespmem:v7+s16+$0x0] =	vst.idx.msk $0xffff, v22;
	v7 =	vor.u32 v2, v25;
	v4 =	vld.idx.msk [tilespmem:v27+s13+$0x0], $0xffff  }
0x124: {  	v15 =	vor.u32 v2, v24;
	[tilespmem:v6+s16+$0x0] =	vst.idx.msk $0xffff, v14;
	v6 =	vld.idx.msk [tilespmem:v13+s13+$0x0], $0xffff  }
0x125: {  	[tilespmem:v8+s16+$0x0] =	vst.idx.msk $0xffff, v5;
	v13 =	vor.u32 v2, v21;
	v3 =	vld.idx.msk [tilespmem:v3+s13+$0x0], $0xffff  }
0x126: {  	[tilespmem:v11+s16+$0x0] =	vst.idx.msk $0xffff, v10  }
0x127: {  	[tilespmem:v9+s16+$0x0] =	vst.idx.msk $0xffff, v12  }
0x128: {  	[tilespmem:v7+s16+$0x0] =	vst.idx.msk $0xffff, v4  }
0x129: {  	[tilespmem:v15+s16+$0x0] =	vst.idx.msk $0xffff, v6  }
0x12a: {  	[tilespmem:v13+s16+$0x0] =	vst.idx.msk $0xffff, v3  }
0x12b: {  	[hbm4b:s9+s3] =	stream.linear.scatter [tilespmem:s16], [sflag:$0x3], $0x4000, $0x38;
	[tilespmem:$0x12D00] =	vst v63  }
0x12c: {  	v3 =	vld [tilespmem:$0x60]  }
0x12d: {  	v5 =	vlaneseq.u32  }
0x12e: {  	v14 =	vadd.s32 $0x2, v5;
	v22 =	vor.u32 v1, v5  }
0x12f: {  	v16 =	vand.u32 $0x1FF, v14;
	v9 =	vadd.s32 $0x6, v5;
	v11 =	vadd.s32 $0x4, v5  }
0x130: {  	v12 =	vadd.s32 $0x5, v5;
	v4 =	vadd.s32 $0x8, v5;
	v6 =	vadd.s32 $0x7, v5  }
0x131: {  	v9 =	vand.u32 $0x1FF, v9;
	v6 =	vand.u32 $0x1FF, v6;
	v3 =	vshll.u32 v3, $0x9  }
0x132: {  	v13 =	vadd.s32 $0x1, v5;
	v11 =	vand.u32 $0x1FF, v11;
	v10 =	vor.u32 v3, v6  }
0x133: {  	v19 =	vand.u32 $0x1FF, v12;
	v8 =	vand.u32 $0x1FF, v4;
	v15 =	vor.u32 v3, v9  }
0x134: {  	v4 =	vadd.s32 $0x3, v5;
	v13 =	vand.u32 $0x1FF, v13;
	v7 =	vor.u32 v3, v5  }
0x135: {  	v29 =	vor.u32 v1, v9;
	v14 =	vand.u32 $0x1FF, v4;
	v17 =	vor.u32 v3, v13  }
0x136: {  	v27 =	vor.u32 v1, v6;
	v31 =	vadd.s32 $0x3, v8;
	v21 =	vor.u32 v3, v11  }
0x137: {  	v25 =	vadd.s32 $0x4, v8;
	v24 =	vadd.s32 $0x5, v8;
	v28 =	vor.u32 v3, v14;
	v23 =	vld.idx.msk [tilespmem:v10+s13+$0x0], $0xffff  }
0x138: {  	v4 =	vor.u32 v1, v14;
	v18 =	vor.u32 v3, v16;
	v26 =	vor.u32 v3, v19;
	v15 =	vld.idx.msk [tilespmem:v15+s13+$0x0], $0xffff  }
0x139: {  	v5 =	vor.u32 v3, v8;
	v6 =	vor.u32 v1, v11;
	v30 =	vld.idx.msk [tilespmem:v7+s13+$0x0], $0xffff;
	v7 =	vadd.s32 $0x7, v8  }
0x13a: {  	v13 =	vor.u32 v1, v13;
	v9 =	vadd.s32 $0x6, v8;
	v12 =	vld.idx.msk [tilespmem:v17+s13+$0x0], $0xffff;
	v14 =	vand.u32 $0x1FF, v7  }
0x13b: {  	v11 =	vor.u32 v1, v16;
	v10 =	vadd.s32 $0x8, v8;
	v16 =	vld.idx.msk [tilespmem:v21+s13+$0x0], $0xffff;
	v20 =	vor.u32 v3, v14  }
0x13c: {  	v17 =	vand.u32 $0x1FF, v9;
	v9 =	vld.idx.msk [tilespmem:v28+s13+$0x0], $0xffff;
	v21 =	vadd.s32 $0x1, v8;
	v7 =	vor.u32 v1, v19;
	[tilespmem:v27+s17+$0x0] =	vst.idx.msk $0xffff, v23  }
0x13d: {  	v10 =	vand.u32 $0x1FF, v10;
	v19 =	vld.idx.msk [tilespmem:v18+s13+$0x0], $0xffff;
	v27 =	vadd.s32 $0x2, v8;
	v23 =	vor.u32 v3, v17;
	[tilespmem:v29+s17+$0x0] =	vst.idx.msk $0xffff, v15  }
0x13e: {  	s23 =	simm.s32 $0x8;
	v18 =	vand.u32 $0x1FF, v21;
	v21 =	vand.u32 $0x1FF, v31;
	[tilespmem:v22+s17+$0x0] =	vst.idx.msk $0xffff, v30;
	v22 =	vld.idx.msk [tilespmem:v26+s13+$0x0], $0xffff;
	v15 =	vand.u32 $0x1FF, v27  }
.LBB2_14:
0x13f: {  	s23 =	sadd.s32 $0x8, s23;
	v26 =	vor.u32 v3, v18;
	v27 =	vor.u32 v3, v15;
	v28 =	vor.u32 v1, v21;
	v29 =	vmovc v10  }
0x140: {  	v30 =	vor.u32 v1, v8;
	v8 =	vand.u32 $0x1FF, v25;
	v24 =	vand.u32 $0x1FF, v24;
	p0 =	slt.u32 s23, $0x1F8;
	v31 =	vld.idx.msk [tilespmem:v20+s13+$0x0], $0xffff;
	[tilespmem:v13+s17+$0x0] =	vst.idx.msk $0xffff, v12  }
0x141: {  	v34 =	vor.u32 v1, v14;
	v25 =	vor.u32 v3, v8;
	v33 =	vor.u32 v3, v24;
	v32 =	vld.idx.msk [tilespmem:v5+s13+$0x0], $0xffff  }
0x142: {  	v21 =	vor.u32 v3, v21;
	v5 =	vor.u32 v3, v10;
	v35 =	vld.idx.msk [tilespmem:v23+s13+$0x0], $0xffff;
	[tilespmem:v6+s17+$0x0] =	vst.idx.msk $0xffff, v16  }
0x143: {  	v36 =	vor.u32 v1, v17;
	v10 =	vadd.s32 $0x8, v10;
	v6 =	vor.u32 v1, v8;
	[tilespmem:v11+s17+$0x0] =	vst.idx.msk $0xffff, v19  }
0x144: {  	v17 =	vadd.s32 $0x7, v29;
	v13 =	vor.u32 v1, v18;
	v10 =	vand.u32 $0x1FF, v10;
	v12 =	vld.idx.msk [tilespmem:v26+s13+$0x0], $0xffff;
	[tilespmem:v7+s17+$0x0] =	vst.idx.msk $0xffff, v22  }
.Ltmp6:
0x145: {  	v14 =	vand.u32 $0x1FF, v17;
	v22 =	vadd.s32 $0x3, v29;
	v7 =	vor.u32 v1, v24;
	[tilespmem:v4+s17+$0x0] =	vst.idx.msk $0xffff, v9;
	v4 =	vmovc v28;
	(pc) =	sbr.rel @p0 .LBB2_14-.Ltmp6, $4  }
0x146: {  	v20 =	vor.u32 v3, v14;
	v8 =	vmovc v29;
	v11 =	vor.u32 v1, v15;
	v9 =	vadd.s32 $0x6, v29;
	v16 =	vld.idx.msk [tilespmem:v25+s13+$0x0], $0xffff  }
0x147: {  	v24 =	vadd.s32 $0x5, v8;
	v25 =	vadd.s32 $0x4, v8;
	v17 =	vand.u32 $0x1FF, v9;
	v9 =	vld.idx.msk [tilespmem:v21+s13+$0x0], $0xffff;
	[tilespmem:v34+s17+$0x0] =	vst.idx.msk $0xffff, v31  }
0x148: {  	v15 =	vadd.s32 $0x1, v8;
	v21 =	vadd.s32 $0x2, v8;
	v23 =	vor.u32 v3, v17;
	v19 =	vld.idx.msk [tilespmem:v27+s13+$0x0], $0xffff;
	[tilespmem:v36+s17+$0x0] =	vst.idx.msk $0xffff, v35  }
0x149: {  	v18 =	vand.u32 $0x1FF, v15;
	v15 =	vand.u32 $0x1FF, v21;
	v21 =	vand.u32 $0x1FF, v22;
	[tilespmem:v30+s17+$0x0] =	vst.idx.msk $0xffff, v32;
	v22 =	vld.idx.msk [tilespmem:v33+s13+$0x0], $0xffff  }
0x14a: {  	_ =	sdelay $0x2  }
0x14b: {  	v10 =	vor.u32 v3, v18;
	v25 =	vand.u32 $0x1FF, v25  }
0x14c: {  	v26 =	vor.u32 v3, v15;
	v20 =	vld.idx.msk [tilespmem:v20+s13+$0x0], $0xffff;
	[tilespmem:v13+s17+$0x0] =	vst.idx.msk $0xffff, v12;
	v12 =	vor.u32 v1, v14  }
0x14d: {  	v24 =	vand.u32 $0x1FF, v24;
	v27 =	vor.u32 v3, v25  }
0x14e: {  	v14 =	vld.idx.msk [tilespmem:v23+s13+$0x0], $0xffff;
	v13 =	vor.u32 v3, v24;
	[tilespmem:v6+s17+$0x0] =	vst.idx.msk $0xffff, v16;
	v6 =	vor.u32 v1, v17  }
0x14f: {  	v8 =	vor.u32 v1, v8;
	v5 =	vld.idx.msk [tilespmem:v5+s13+$0x0], $0xffff;
	v3 =	vor.u32 v3, v21;
	[tilespmem:v4+s17+$0x0] =	vst.idx.msk $0xffff, v9  }
0x150: {  	[tilespmem:v11+s17+$0x0] =	vst.idx.msk $0xffff, v19;
	v11 =	vor.u32 v1, v18;
	v10 =	vld.idx.msk [tilespmem:v10+s13+$0x0], $0xffff  }
0x151: {  	v9 =	vor.u32 v1, v15;
	[tilespmem:v12+s17+$0x0] =	vst.idx.msk $0xffff, v20;
	v12 =	vld.idx.msk [tilespmem:v26+s13+$0x0], $0xffff  }
0x152: {  	[tilespmem:v7+s17+$0x0] =	vst.idx.msk $0xffff, v22;
	v7 =	vor.u32 v1, v25;
	v4 =	vld.idx.msk [tilespmem:v27+s13+$0x0], $0xffff  }
0x153: {  	v15 =	vor.u32 v1, v24;
	[tilespmem:v6+s17+$0x0] =	vst.idx.msk $0xffff, v14;
	v6 =	vld.idx.msk [tilespmem:v13+s13+$0x0], $0xffff  }
0x154: {  	[tilespmem:v8+s17+$0x0] =	vst.idx.msk $0xffff, v5;
	v13 =	vor.u32 v1, v21;
	v3 =	vld.idx.msk [tilespmem:v3+s13+$0x0], $0xffff  }
0x155: {  	[tilespmem:v11+s17+$0x0] =	vst.idx.msk $0xffff, v10  }
0x156: {  	[tilespmem:v9+s17+$0x0] =	vst.idx.msk $0xffff, v12  }
0x157: {  	[tilespmem:v7+s17+$0x0] =	vst.idx.msk $0xffff, v4  }
0x158: {  	[tilespmem:v15+s17+$0x0] =	vst.idx.msk $0xffff, v6  }
0x159: {  	[tilespmem:v13+s17+$0x0] =	vst.idx.msk $0xffff, v3  }
0x15a: {  	v3 =	vld [tilespmem:$0x70]  }
0x15b: {  	v5 =	vlaneseq.u32  }
0x15c: {  	v14 =	vadd.s32 $0x2, v5;
	v22 =	vor.u32 v2, v5  }
0x15d: {  	v16 =	vand.u32 $0x1FF, v14;
	v9 =	vadd.s32 $0x6, v5;
	v11 =	vadd.s32 $0x4, v5  }
0x15e: {  	v12 =	vadd.s32 $0x5, v5;
	v4 =	vadd.s32 $0x8, v5;
	v6 =	vadd.s32 $0x7, v5  }
0x15f: {  	v9 =	vand.u32 $0x1FF, v9;
	v6 =	vand.u32 $0x1FF, v6;
	v3 =	vshll.u32 v3, $0x9  }
0x160: {  	v13 =	vadd.s32 $0x1, v5;
	v11 =	vand.u32 $0x1FF, v11;
	v10 =	vor.u32 v3, v6  }
0x161: {  	v19 =	vand.u32 $0x1FF, v12;
	v8 =	vand.u32 $0x1FF, v4;
	v15 =	vor.u32 v3, v9  }
0x162: {  	v4 =	vadd.s32 $0x3, v5;
	v13 =	vand.u32 $0x1FF, v13;
	v7 =	vor.u32 v3, v5  }
0x163: {  	v29 =	vor.u32 v2, v9;
	v14 =	vand.u32 $0x1FF, v4;
	v17 =	vor.u32 v3, v13  }
0x164: {  	v27 =	vor.u32 v2, v6;
	v31 =	vadd.s32 $0x3, v8;
	v21 =	vor.u32 v3, v11  }
0x165: {  	v25 =	vadd.s32 $0x4, v8;
	v24 =	vadd.s32 $0x5, v8;
	v28 =	vor.u32 v3, v14;
	v23 =	vld.idx.msk [tilespmem:v10+s13+$0x0], $0xffff  }
0x166: {  	v4 =	vor.u32 v2, v14;
	v18 =	vor.u32 v3, v16;
	v26 =	vor.u32 v3, v19;
	v15 =	vld.idx.msk [tilespmem:v15+s13+$0x0], $0xffff  }
0x167: {  	v5 =	vor.u32 v3, v8;
	v6 =	vor.u32 v2, v11;
	v30 =	vld.idx.msk [tilespmem:v7+s13+$0x0], $0xffff;
	v7 =	vadd.s32 $0x7, v8  }
0x168: {  	v13 =	vor.u32 v2, v13;
	v9 =	vadd.s32 $0x6, v8;
	v12 =	vld.idx.msk [tilespmem:v17+s13+$0x0], $0xffff;
	v14 =	vand.u32 $0x1FF, v7  }
0x169: {  	v11 =	vor.u32 v2, v16;
	v10 =	vadd.s32 $0x8, v8;
	v16 =	vld.idx.msk [tilespmem:v21+s13+$0x0], $0xffff;
	v20 =	vor.u32 v3, v14  }
0x16a: {  	v17 =	vand.u32 $0x1FF, v9;
	v9 =	vld.idx.msk [tilespmem:v28+s13+$0x0], $0xffff;
	v21 =	vadd.s32 $0x1, v8;
	v7 =	vor.u32 v2, v19;
	[tilespmem:v27+s17+$0x0] =	vst.idx.msk $0xffff, v23  }
0x16b: {  	v10 =	vand.u32 $0x1FF, v10;
	v19 =	vld.idx.msk [tilespmem:v18+s13+$0x0], $0xffff;
	v27 =	vadd.s32 $0x2, v8;
	v23 =	vor.u32 v3, v17;
	[tilespmem:v29+s17+$0x0] =	vst.idx.msk $0xffff, v15  }
0x16c: {  	s23 =	simm.s32 $0x8;
	v18 =	vand.u32 $0x1FF, v21;
	v21 =	vand.u32 $0x1FF, v31;
	[tilespmem:v22+s17+$0x0] =	vst.idx.msk $0xffff, v30;
	v22 =	vld.idx.msk [tilespmem:v26+s13+$0x0], $0xffff;
	v15 =	vand.u32 $0x1FF, v27  }
.LBB2_16:
0x16d: {  	s23 =	sadd.s32 $0x8, s23;
	v26 =	vor.u32 v3, v18;
	v27 =	vor.u32 v3, v15;
	v28 =	vor.u32 v2, v21;
	v29 =	vmovc v10  }
0x16e: {  	v30 =	vor.u32 v2, v8;
	v8 =	vand.u32 $0x1FF, v25;
	v24 =	vand.u32 $0x1FF, v24;
	p0 =	slt.u32 s23, $0x1F8;
	v31 =	vld.idx.msk [tilespmem:v20+s13+$0x0], $0xffff;
	[tilespmem:v13+s17+$0x0] =	vst.idx.msk $0xffff, v12  }
0x16f: {  	v34 =	vor.u32 v2, v14;
	v25 =	vor.u32 v3, v8;
	v33 =	vor.u32 v3, v24;
	v32 =	vld.idx.msk [tilespmem:v5+s13+$0x0], $0xffff  }
0x170: {  	v21 =	vor.u32 v3, v21;
	v5 =	vor.u32 v3, v10;
	v35 =	vld.idx.msk [tilespmem:v23+s13+$0x0], $0xffff;
	[tilespmem:v6+s17+$0x0] =	vst.idx.msk $0xffff, v16  }
0x171: {  	v36 =	vor.u32 v2, v17;
	v10 =	vadd.s32 $0x8, v10;
	v6 =	vor.u32 v2, v8;
	[tilespmem:v11+s17+$0x0] =	vst.idx.msk $0xffff, v19  }
0x172: {  	v17 =	vadd.s32 $0x7, v29;
	v13 =	vor.u32 v2, v18;
	v10 =	vand.u32 $0x1FF, v10;
	v12 =	vld.idx.msk [tilespmem:v26+s13+$0x0], $0xffff;
	[tilespmem:v7+s17+$0x0] =	vst.idx.msk $0xffff, v22  }
.Ltmp7:
0x173: {  	v14 =	vand.u32 $0x1FF, v17;
	v22 =	vadd.s32 $0x3, v29;
	v7 =	vor.u32 v2, v24;
	[tilespmem:v4+s17+$0x0] =	vst.idx.msk $0xffff, v9;
	v4 =	vmovc v28;
	(pc) =	sbr.rel @p0 .LBB2_16-.Ltmp7, $4  }
0x174: {  	v20 =	vor.u32 v3, v14;
	v8 =	vmovc v29;
	v11 =	vor.u32 v2, v15;
	v9 =	vadd.s32 $0x6, v29;
	v16 =	vld.idx.msk [tilespmem:v25+s13+$0x0], $0xffff  }
0x175: {  	v24 =	vadd.s32 $0x5, v8;
	v25 =	vadd.s32 $0x4, v8;
	v17 =	vand.u32 $0x1FF, v9;
	v9 =	vld.idx.msk [tilespmem:v21+s13+$0x0], $0xffff;
	[tilespmem:v34+s17+$0x0] =	vst.idx.msk $0xffff, v31  }
0x176: {  	v15 =	vadd.s32 $0x1, v8;
	v21 =	vadd.s32 $0x2, v8;
	v23 =	vor.u32 v3, v17;
	v19 =	vld.idx.msk [tilespmem:v27+s13+$0x0], $0xffff;
	[tilespmem:v36+s17+$0x0] =	vst.idx.msk $0xffff, v35  }
0x177: {  	v18 =	vand.u32 $0x1FF, v15;
	v15 =	vand.u32 $0x1FF, v21;
	v21 =	vand.u32 $0x1FF, v22;
	[tilespmem:v30+s17+$0x0] =	vst.idx.msk $0xffff, v32;
	v22 =	vld.idx.msk [tilespmem:v33+s13+$0x0], $0xffff  }
0x178: {  	_ =	sdelay $0x1  }
0x179: {  	v10 =	vor.u32 v3, v18  }
0x17a: {  	v25 =	vand.u32 $0x1FF, v25;
	v26 =	vor.u32 v3, v15;
	v24 =	vand.u32 $0x1FF, v24  }
0x17b: {  	v20 =	vld.idx.msk [tilespmem:v20+s13+$0x0], $0xffff;
	[tilespmem:v13+s17+$0x0] =	vst.idx.msk $0xffff, v12;
	v52 =	vor.u32 v2, v14;
	v27 =	vor.u32 v3, v25  }
0x17c: {  	v54 =	vld.idx.msk [tilespmem:v23+s13+$0x0], $0xffff;
	v55 =	vor.u32 v2, v17;
	v53 =	vor.u32 v3, v24;
	[tilespmem:v6+s17+$0x0] =	vst.idx.msk $0xffff, v16  }
0x17d: {  	v8 =	vor.u32 v2, v8;
	v5 =	vld.idx.msk [tilespmem:v5+s13+$0x0], $0xffff;
	v3 =	vor.u32 v3, v21;
	[tilespmem:v4+s17+$0x0] =	vst.idx.msk $0xffff, v9  }
0x17e: {  	v56 =	vor.u32 v2, v18;
	[tilespmem:v11+s17+$0x0] =	vst.idx.msk $0xffff, v19;
	v10 =	vld.idx.msk [tilespmem:v10+s13+$0x0], $0xffff  }
0x17f: {  	v59 =	vor.u32 v2, v15;
	[tilespmem:v7+s17+$0x0] =	vst.idx.msk $0xffff, v22;
	v60 =	vld.idx.msk [tilespmem:v26+s13+$0x0], $0xffff  }
0x180: {  	v57 =	vor.u32 v2, v25;
	[tilespmem:v52+s17+$0x0] =	vst.idx.msk $0xffff, v20;
	v58 =	vld.idx.msk [tilespmem:v27+s13+$0x0], $0xffff  }
0x181: {  	v61 =	vor.u32 v2, v24;
	[tilespmem:v55+s17+$0x0] =	vst.idx.msk $0xffff, v54;
	v62 =	vld.idx.msk [tilespmem:v53+s13+$0x0], $0xffff  }
0x182: {  	v63 =	vor.u32 v2, v21;
	[tilespmem:v8+s17+$0x0] =	vst.idx.msk $0xffff, v5;
	v3 =	vld.idx.msk [tilespmem:v3+s13+$0x0], $0xffff  }
0x183: {  	[tilespmem:v56+s17+$0x0] =	vst.idx.msk $0xffff, v10  }
0x184: {  	[tilespmem:v59+s17+$0x0] =	vst.idx.msk $0xffff, v60  }
0x185: {  	[tilespmem:v57+s17+$0x0] =	vst.idx.msk $0xffff, v58  }
0x186: {  	[tilespmem:v61+s17+$0x0] =	vst.idx.msk $0xffff, v62  }
0x187: {  	s23 =	simm.s32 $0x1;
	[tilespmem:v63+s17+$0x0] =	vst.idx.msk $0xffff, v3  }
0x188: {  	[hbm4b:s10+s3] =	stream.linear.scatter [tilespmem:s17], [sflag:$0x4], $0x4000, $0x38;
	[tilespmem:$0x12D00] =	vst v63  }
.LBB2_18:
0x189: {  	_ =	swait.ge [sflag:s18], $0x4000  }
0x18a: {  	s24 =	sshll.u32 s23, $0x7;
	[sflag:s18] =	ssyncset.done $0x0  }
0x18b: {  	s24 =	sand.u32 $0x3FFFFF80, s24;
	[sflag:s18] =	ssyncadd.s32 $0xFFFFC000  }
0x18c: {  	v3 =	vld [tilespmem:s24+$0x0]  }
0x18d: {  	v5 =	vlaneseq.u32  }
0x18e: {  	v4 =	vadd.s32 $0x8, v5;
	v6 =	vadd.s32 $0x7, v5  }
0x18f: {  	v9 =	vadd.s32 $0x6, v5;
	v11 =	vadd.s32 $0x4, v5;
	v12 =	vadd.s32 $0x5, v5  }
0x190: {  	v13 =	vadd.s32 $0x1, v5;
	v14 =	vadd.s32 $0x2, v5;
	v22 =	vor.u32 v1, v5  }
0x191: {  	v8 =	vand.u32 $0x1FF, v4;
	v6 =	vand.u32 $0x1FF, v6;
	v3 =	vshll.u32 v3, $0x9  }
0x192: {  	v4 =	vadd.s32 $0x3, v5;
	v9 =	vand.u32 $0x1FF, v9;
	v10 =	vor.u32 v3, v6  }
0x193: {  	v13 =	vand.u32 $0x1FF, v13;
	v16 =	vand.u32 $0x1FF, v14;
	v15 =	vor.u32 v3, v9  }
0x194: {  	v11 =	vand.u32 $0x1FF, v11;
	v19 =	vand.u32 $0x1FF, v12;
	v7 =	vor.u32 v3, v5  }
0x195: {  	v14 =	vand.u32 $0x1FF, v4;
	v27 =	vor.u32 v1, v6;
	v17 =	vor.u32 v3, v13  }
0x196: {  	v29 =	vor.u32 v1, v9;
	v31 =	vadd.s32 $0x3, v8;
	v21 =	vor.u32 v3, v11  }
0x197: {  	v25 =	vadd.s32 $0x4, v8;
	v24 =	vadd.s32 $0x5, v8;
	v28 =	vor.u32 v3, v14;
	v23 =	vld.idx.msk [tilespmem:v10+s13+$0x0], $0xffff  }
0x198: {  	v4 =	vor.u32 v1, v14;
	v18 =	vor.u32 v3, v16;
	v26 =	vor.u32 v3, v19;
	v15 =	vld.idx.msk [tilespmem:v15+s13+$0x0], $0xffff  }
0x199: {  	v5 =	vor.u32 v3, v8;
	v6 =	vor.u32 v1, v11;
	v30 =	vld.idx.msk [tilespmem:v7+s13+$0x0], $0xffff;
	v7 =	vadd.s32 $0x7, v8  }
0x19a: {  	v13 =	vor.u32 v1, v13;
	v9 =	vadd.s32 $0x6, v8;
	v12 =	vld.idx.msk [tilespmem:v17+s13+$0x0], $0xffff;
	v14 =	vand.u32 $0x1FF, v7  }
0x19b: {  	v11 =	vor.u32 v1, v16;
	v10 =	vadd.s32 $0x8, v8;
	v16 =	vld.idx.msk [tilespmem:v21+s13+$0x0], $0xffff;
	v20 =	vor.u32 v3, v14  }
0x19c: {  	v17 =	vand.u32 $0x1FF, v9;
	v9 =	vld.idx.msk [tilespmem:v28+s13+$0x0], $0xffff;
	v21 =	vadd.s32 $0x1, v8;
	v7 =	vor.u32 v1, v19;
	[tilespmem:v27+s14+$0x0] =	vst.idx.msk $0xffff, v23  }
0x19d: {  	v10 =	vand.u32 $0x1FF, v10;
	v19 =	vld.idx.msk [tilespmem:v18+s13+$0x0], $0xffff;
	v27 =	vadd.s32 $0x2, v8;
	v23 =	vor.u32 v3, v17;
	[tilespmem:v29+s14+$0x0] =	vst.idx.msk $0xffff, v15  }
0x19e: {  	s25 =	simm.s32 $0x8;
	v18 =	vand.u32 $0x1FF, v21;
	v21 =	vand.u32 $0x1FF, v31;
	[tilespmem:v22+s14+$0x0] =	vst.idx.msk $0xffff, v30;
	v22 =	vld.idx.msk [tilespmem:v26+s13+$0x0], $0xffff;
	v15 =	vand.u32 $0x1FF, v27  }
.LBB2_19:
0x19f: {  	s25 =	sadd.s32 $0x8, s25;
	v26 =	vor.u32 v3, v18;
	v27 =	vor.u32 v3, v15;
	v28 =	vor.u32 v1, v21;
	v29 =	vmovc v10  }
0x1a0: {  	v30 =	vor.u32 v1, v8;
	v8 =	vand.u32 $0x1FF, v25;
	v24 =	vand.u32 $0x1FF, v24;
	p0 =	slt.u32 s25, $0x1F8;
	v31 =	vld.idx.msk [tilespmem:v20+s13+$0x0], $0xffff;
	[tilespmem:v13+s14+$0x0] =	vst.idx.msk $0xffff, v12  }
0x1a1: {  	v34 =	vor.u32 v1, v14;
	v25 =	vor.u32 v3, v8;
	v33 =	vor.u32 v3, v24;
	v32 =	vld.idx.msk [tilespmem:v5+s13+$0x0], $0xffff  }
0x1a2: {  	v21 =	vor.u32 v3, v21;
	v5 =	vor.u32 v3, v10;
	v35 =	vld.idx.msk [tilespmem:v23+s13+$0x0], $0xffff;
	[tilespmem:v6+s14+$0x0] =	vst.idx.msk $0xffff, v16  }
0x1a3: {  	v36 =	vor.u32 v1, v17;
	v10 =	vadd.s32 $0x8, v10;
	v6 =	vor.u32 v1, v8;
	[tilespmem:v11+s14+$0x0] =	vst.idx.msk $0xffff, v19  }
0x1a4: {  	v17 =	vadd.s32 $0x7, v29;
	v13 =	vor.u32 v1, v18;
	v10 =	vand.u32 $0x1FF, v10;
	v12 =	vld.idx.msk [tilespmem:v26+s13+$0x0], $0xffff;
	[tilespmem:v7+s14+$0x0] =	vst.idx.msk $0xffff, v22  }
.Ltmp8:
0x1a5: {  	v14 =	vand.u32 $0x1FF, v17;
	v22 =	vadd.s32 $0x3, v29;
	v7 =	vor.u32 v1, v24;
	[tilespmem:v4+s14+$0x0] =	vst.idx.msk $0xffff, v9;
	v4 =	vmovc v28;
	(pc) =	sbr.rel @p0 .LBB2_19-.Ltmp8, $4  }
0x1a6: {  	v20 =	vor.u32 v3, v14;
	v8 =	vmovc v29;
	v11 =	vor.u32 v1, v15;
	v9 =	vadd.s32 $0x6, v29;
	v16 =	vld.idx.msk [tilespmem:v25+s13+$0x0], $0xffff  }
0x1a7: {  	v24 =	vadd.s32 $0x5, v8;
	v25 =	vadd.s32 $0x4, v8;
	v17 =	vand.u32 $0x1FF, v9;
	v9 =	vld.idx.msk [tilespmem:v21+s13+$0x0], $0xffff;
	[tilespmem:v34+s14+$0x0] =	vst.idx.msk $0xffff, v31  }
0x1a8: {  	v15 =	vadd.s32 $0x1, v8;
	v21 =	vadd.s32 $0x2, v8;
	v23 =	vor.u32 v3, v17;
	v19 =	vld.idx.msk [tilespmem:v27+s13+$0x0], $0xffff;
	[tilespmem:v36+s14+$0x0] =	vst.idx.msk $0xffff, v35  }
0x1a9: {  	v18 =	vand.u32 $0x1FF, v15;
	v15 =	vand.u32 $0x1FF, v21;
	v21 =	vand.u32 $0x1FF, v22;
	[tilespmem:v30+s14+$0x0] =	vst.idx.msk $0xffff, v32;
	v22 =	vld.idx.msk [tilespmem:v33+s13+$0x0], $0xffff  }
0x1aa: {  	_ =	sdelay $0x2  }
0x1ab: {  	v10 =	vor.u32 v3, v18;
	v25 =	vand.u32 $0x1FF, v25  }
0x1ac: {  	v26 =	vor.u32 v3, v15;
	v20 =	vld.idx.msk [tilespmem:v20+s13+$0x0], $0xffff;
	[tilespmem:v13+s14+$0x0] =	vst.idx.msk $0xffff, v12;
	v12 =	vor.u32 v1, v14  }
0x1ad: {  	v24 =	vand.u32 $0x1FF, v24;
	v27 =	vor.u32 v3, v25  }
0x1ae: {  	v14 =	vld.idx.msk [tilespmem:v23+s13+$0x0], $0xffff;
	v13 =	vor.u32 v3, v24;
	[tilespmem:v6+s14+$0x0] =	vst.idx.msk $0xffff, v16;
	v6 =	vor.u32 v1, v17  }
0x1af: {  	v8 =	vor.u32 v1, v8;
	v5 =	vld.idx.msk [tilespmem:v5+s13+$0x0], $0xffff;
	v3 =	vor.u32 v3, v21;
	[tilespmem:v4+s14+$0x0] =	vst.idx.msk $0xffff, v9  }
0x1b0: {  	[tilespmem:v11+s14+$0x0] =	vst.idx.msk $0xffff, v19;
	v11 =	vor.u32 v1, v18;
	v10 =	vld.idx.msk [tilespmem:v10+s13+$0x0], $0xffff  }
0x1b1: {  	v9 =	vor.u32 v1, v15;
	[tilespmem:v12+s14+$0x0] =	vst.idx.msk $0xffff, v20;
	v12 =	vld.idx.msk [tilespmem:v26+s13+$0x0], $0xffff  }
0x1b2: {  	[tilespmem:v7+s14+$0x0] =	vst.idx.msk $0xffff, v22;
	v7 =	vor.u32 v1, v25;
	v4 =	vld.idx.msk [tilespmem:v27+s13+$0x0], $0xffff  }
0x1b3: {  	v15 =	vor.u32 v1, v24;
	[tilespmem:v6+s14+$0x0] =	vst.idx.msk $0xffff, v14;
	v6 =	vld.idx.msk [tilespmem:v13+s13+$0x0], $0xffff  }
0x1b4: {  	[tilespmem:v8+s14+$0x0] =	vst.idx.msk $0xffff, v5;
	v13 =	vor.u32 v1, v21;
	v3 =	vld.idx.msk [tilespmem:v3+s13+$0x0], $0xffff  }
0x1b5: {  	[tilespmem:v11+s14+$0x0] =	vst.idx.msk $0xffff, v10  }
0x1b6: {  	[tilespmem:v9+s14+$0x0] =	vst.idx.msk $0xffff, v12  }
0x1b7: {  	[tilespmem:v7+s14+$0x0] =	vst.idx.msk $0xffff, v4  }
0x1b8: {  	[tilespmem:v15+s14+$0x0] =	vst.idx.msk $0xffff, v6  }
0x1b9: {  	[tilespmem:v13+s14+$0x0] =	vst.idx.msk $0xffff, v3  }
0x1ba: {  	v3 =	vld [tilespmem:s24+$0x10]  }
0x1bb: {  	v5 =	vlaneseq.u32  }
0x1bc: {  	v14 =	vadd.s32 $0x2, v5;
	v22 =	vor.u32 v2, v5  }
0x1bd: {  	v16 =	vand.u32 $0x1FF, v14;
	v9 =	vadd.s32 $0x6, v5;
	v11 =	vadd.s32 $0x4, v5  }
0x1be: {  	v12 =	vadd.s32 $0x5, v5;
	v4 =	vadd.s32 $0x8, v5;
	v6 =	vadd.s32 $0x7, v5  }
0x1bf: {  	v9 =	vand.u32 $0x1FF, v9;
	v6 =	vand.u32 $0x1FF, v6;
	v3 =	vshll.u32 v3, $0x9  }
0x1c0: {  	v13 =	vadd.s32 $0x1, v5;
	v11 =	vand.u32 $0x1FF, v11;
	v10 =	vor.u32 v3, v6  }
0x1c1: {  	v19 =	vand.u32 $0x1FF, v12;
	v8 =	vand.u32 $0x1FF, v4;
	v15 =	vor.u32 v3, v9  }
0x1c2: {  	v4 =	vadd.s32 $0x3, v5;
	v13 =	vand.u32 $0x1FF, v13;
	v7 =	vor.u32 v3, v5  }
0x1c3: {  	v29 =	vor.u32 v2, v9;
	v14 =	vand.u32 $0x1FF, v4;
	v17 =	vor.u32 v3, v13  }
0x1c4: {  	v27 =	vor.u32 v2, v6;
	v31 =	vadd.s32 $0x3, v8;
	v21 =	vor.u32 v3, v11  }
0x1c5: {  	v25 =	vadd.s32 $0x4, v8;
	v24 =	vadd.s32 $0x5, v8;
	v28 =	vor.u32 v3, v14;
	v23 =	vld.idx.msk [tilespmem:v10+s13+$0x0], $0xffff  }
0x1c6: {  	v4 =	vor.u32 v2, v14;
	v18 =	vor.u32 v3, v16;
	v26 =	vor.u32 v3, v19;
	v15 =	vld.idx.msk [tilespmem:v15+s13+$0x0], $0xffff  }
0x1c7: {  	v5 =	vor.u32 v3, v8;
	v6 =	vor.u32 v2, v11;
	v30 =	vld.idx.msk [tilespmem:v7+s13+$0x0], $0xffff;
	v7 =	vadd.s32 $0x7, v8  }
0x1c8: {  	v13 =	vor.u32 v2, v13;
	v9 =	vadd.s32 $0x6, v8;
	v12 =	vld.idx.msk [tilespmem:v17+s13+$0x0], $0xffff;
	v14 =	vand.u32 $0x1FF, v7  }
0x1c9: {  	v11 =	vor.u32 v2, v16;
	v10 =	vadd.s32 $0x8, v8;
	v16 =	vld.idx.msk [tilespmem:v21+s13+$0x0], $0xffff;
	v20 =	vor.u32 v3, v14  }
0x1ca: {  	v17 =	vand.u32 $0x1FF, v9;
	v9 =	vld.idx.msk [tilespmem:v28+s13+$0x0], $0xffff;
	v21 =	vadd.s32 $0x1, v8;
	v7 =	vor.u32 v2, v19;
	[tilespmem:v27+s14+$0x0] =	vst.idx.msk $0xffff, v23  }
0x1cb: {  	v10 =	vand.u32 $0x1FF, v10;
	v19 =	vld.idx.msk [tilespmem:v18+s13+$0x0], $0xffff;
	v27 =	vadd.s32 $0x2, v8;
	v23 =	vor.u32 v3, v17;
	[tilespmem:v29+s14+$0x0] =	vst.idx.msk $0xffff, v15  }
0x1cc: {  	s24 =	simm.s32 $0x8;
	v18 =	vand.u32 $0x1FF, v21;
	v21 =	vand.u32 $0x1FF, v31;
	[tilespmem:v22+s14+$0x0] =	vst.idx.msk $0xffff, v30;
	v22 =	vld.idx.msk [tilespmem:v26+s13+$0x0], $0xffff;
	v15 =	vand.u32 $0x1FF, v27  }
.LBB2_21:
0x1cd: {  	s24 =	sadd.s32 $0x8, s24;
	v26 =	vor.u32 v3, v18;
	v27 =	vor.u32 v3, v15;
	v28 =	vor.u32 v2, v21;
	v29 =	vmovc v10  }
0x1ce: {  	v30 =	vor.u32 v2, v8;
	v8 =	vand.u32 $0x1FF, v25;
	v24 =	vand.u32 $0x1FF, v24;
	p0 =	slt.u32 s24, $0x1F8;
	v31 =	vld.idx.msk [tilespmem:v20+s13+$0x0], $0xffff;
	[tilespmem:v13+s14+$0x0] =	vst.idx.msk $0xffff, v12  }
0x1cf: {  	v34 =	vor.u32 v2, v14;
	v25 =	vor.u32 v3, v8;
	v33 =	vor.u32 v3, v24;
	v32 =	vld.idx.msk [tilespmem:v5+s13+$0x0], $0xffff  }
0x1d0: {  	v21 =	vor.u32 v3, v21;
	v5 =	vor.u32 v3, v10;
	v35 =	vld.idx.msk [tilespmem:v23+s13+$0x0], $0xffff;
	[tilespmem:v6+s14+$0x0] =	vst.idx.msk $0xffff, v16  }
0x1d1: {  	v36 =	vor.u32 v2, v17;
	v10 =	vadd.s32 $0x8, v10;
	v6 =	vor.u32 v2, v8;
	[tilespmem:v11+s14+$0x0] =	vst.idx.msk $0xffff, v19  }
0x1d2: {  	v17 =	vadd.s32 $0x7, v29;
	v13 =	vor.u32 v2, v18;
	v10 =	vand.u32 $0x1FF, v10;
	v12 =	vld.idx.msk [tilespmem:v26+s13+$0x0], $0xffff;
	[tilespmem:v7+s14+$0x0] =	vst.idx.msk $0xffff, v22  }
.Ltmp9:
0x1d3: {  	v14 =	vand.u32 $0x1FF, v17;
	v22 =	vadd.s32 $0x3, v29;
	v7 =	vor.u32 v2, v24;
	[tilespmem:v4+s14+$0x0] =	vst.idx.msk $0xffff, v9;
	v4 =	vmovc v28;
	(pc) =	sbr.rel @p0 .LBB2_21-.Ltmp9, $4  }
0x1d4: {  	v20 =	vor.u32 v3, v14;
	v8 =	vmovc v29;
	v11 =	vor.u32 v2, v15;
	v9 =	vadd.s32 $0x6, v29;
	v16 =	vld.idx.msk [tilespmem:v25+s13+$0x0], $0xffff  }
0x1d5: {  	v24 =	vadd.s32 $0x5, v8;
	v25 =	vadd.s32 $0x4, v8;
	v17 =	vand.u32 $0x1FF, v9;
	v9 =	vld.idx.msk [tilespmem:v21+s13+$0x0], $0xffff;
	[tilespmem:v34+s14+$0x0] =	vst.idx.msk $0xffff, v31  }
0x1d6: {  	v15 =	vadd.s32 $0x1, v8;
	v21 =	vadd.s32 $0x2, v8;
	v23 =	vor.u32 v3, v17;
	v19 =	vld.idx.msk [tilespmem:v27+s13+$0x0], $0xffff;
	[tilespmem:v36+s14+$0x0] =	vst.idx.msk $0xffff, v35  }
0x1d7: {  	v18 =	vand.u32 $0x1FF, v15;
	v15 =	vand.u32 $0x1FF, v21;
	v21 =	vand.u32 $0x1FF, v22;
	[tilespmem:v30+s14+$0x0] =	vst.idx.msk $0xffff, v32;
	v22 =	vld.idx.msk [tilespmem:v33+s13+$0x0], $0xffff  }
0x1d8: {  	_ =	sdelay $0x2  }
0x1d9: {  	v10 =	vor.u32 v3, v18;
	v25 =	vand.u32 $0x1FF, v25  }
0x1da: {  	v26 =	vor.u32 v3, v15;
	v20 =	vld.idx.msk [tilespmem:v20+s13+$0x0], $0xffff;
	[tilespmem:v13+s14+$0x0] =	vst.idx.msk $0xffff, v12;
	v12 =	vor.u32 v2, v14  }
0x1db: {  	v24 =	vand.u32 $0x1FF, v24;
	v27 =	vor.u32 v3, v25  }
0x1dc: {  	v14 =	vld.idx.msk [tilespmem:v23+s13+$0x0], $0xffff;
	v13 =	vor.u32 v3, v24;
	[tilespmem:v6+s14+$0x0] =	vst.idx.msk $0xffff, v16;
	v6 =	vor.u32 v2, v17  }
0x1dd: {  	v8 =	vor.u32 v2, v8;
	v5 =	vld.idx.msk [tilespmem:v5+s13+$0x0], $0xffff;
	v3 =	vor.u32 v3, v21;
	[tilespmem:v4+s14+$0x0] =	vst.idx.msk $0xffff, v9  }
0x1de: {  	[tilespmem:v11+s14+$0x0] =	vst.idx.msk $0xffff, v19;
	v11 =	vor.u32 v2, v18;
	v10 =	vld.idx.msk [tilespmem:v10+s13+$0x0], $0xffff  }
0x1df: {  	v9 =	vor.u32 v2, v15;
	[tilespmem:v12+s14+$0x0] =	vst.idx.msk $0xffff, v20;
	v12 =	vld.idx.msk [tilespmem:v26+s13+$0x0], $0xffff  }
0x1e0: {  	[tilespmem:v7+s14+$0x0] =	vst.idx.msk $0xffff, v22;
	v7 =	vor.u32 v2, v25;
	v4 =	vld.idx.msk [tilespmem:v27+s13+$0x0], $0xffff  }
0x1e1: {  	v15 =	vor.u32 v2, v24;
	[tilespmem:v6+s14+$0x0] =	vst.idx.msk $0xffff, v14;
	v6 =	vld.idx.msk [tilespmem:v13+s13+$0x0], $0xffff  }
0x1e2: {  	[tilespmem:v8+s14+$0x0] =	vst.idx.msk $0xffff, v5;
	v13 =	vor.u32 v2, v21;
	v3 =	vld.idx.msk [tilespmem:v3+s13+$0x0], $0xffff  }
0x1e3: {  	s24 =	sshll.u32 s23, $0x2;
	[tilespmem:v11+s14+$0x0] =	vst.idx.msk $0xffff, v10  }
0x1e4: {  	s25 =	sadd.s32 s7, s24;
	[tilespmem:v9+s14+$0x0] =	vst.idx.msk $0xffff, v12  }
0x1e5: {  	s25 =	sshll.u32 s25, $0xB;
	[tilespmem:v7+s14+$0x0] =	vst.idx.msk $0xffff, v4  }
0x1e6: {  	s25 =	sand.u32 $0x1FFFE000, s25;
	[tilespmem:v15+s14+$0x0] =	vst.idx.msk $0xffff, v6  }
0x1e7: {  	s25 =	sadd.s32 s2, s25;
	[tilespmem:v13+s14+$0x0] =	vst.idx.msk $0xffff, v3  }
0x1e8: {  	[hbm4b:s25+s3] =	stream.linear.scatter [tilespmem:s14], [sflag:$0x1], $0x4000, $0x38;
	[tilespmem:$0x12D00] =	vst v63  }
0x1e9: {  	_ =	swait.ge [sflag:s19], $0x4000  }
0x1ea: {  	s25 =	sor.u32 $0x1, s24;
	[sflag:s19] =	ssyncset.done $0x0  }
0x1eb: {  	s26 =	sshll.u32 s25, $0x5;
	[sflag:s19] =	ssyncadd.s32 $0xFFFFC000  }
0x1ec: {  	v3 =	vld [tilespmem:s26+$0x0]  }
0x1ed: {  	v5 =	vlaneseq.u32  }
0x1ee: {  	v14 =	vadd.s32 $0x2, v5;
	v22 =	vor.u32 v1, v5  }
0x1ef: {  	v16 =	vand.u32 $0x1FF, v14;
	v9 =	vadd.s32 $0x6, v5;
	v11 =	vadd.s32 $0x4, v5  }
0x1f0: {  	v12 =	vadd.s32 $0x5, v5;
	v4 =	vadd.s32 $0x8, v5;
	v6 =	vadd.s32 $0x7, v5  }
0x1f1: {  	v9 =	vand.u32 $0x1FF, v9;
	v6 =	vand.u32 $0x1FF, v6;
	v3 =	vshll.u32 v3, $0x9  }
0x1f2: {  	v13 =	vadd.s32 $0x1, v5;
	v11 =	vand.u32 $0x1FF, v11;
	v10 =	vor.u32 v3, v6  }
0x1f3: {  	v19 =	vand.u32 $0x1FF, v12;
	v8 =	vand.u32 $0x1FF, v4;
	v15 =	vor.u32 v3, v9  }
0x1f4: {  	v4 =	vadd.s32 $0x3, v5;
	v13 =	vand.u32 $0x1FF, v13;
	v7 =	vor.u32 v3, v5  }
0x1f5: {  	v29 =	vor.u32 v1, v9;
	v14 =	vand.u32 $0x1FF, v4;
	v17 =	vor.u32 v3, v13  }
0x1f6: {  	v27 =	vor.u32 v1, v6;
	v31 =	vadd.s32 $0x3, v8;
	v21 =	vor.u32 v3, v11  }
0x1f7: {  	v25 =	vadd.s32 $0x4, v8;
	v24 =	vadd.s32 $0x5, v8;
	v28 =	vor.u32 v3, v14;
	v23 =	vld.idx.msk [tilespmem:v10+s13+$0x0], $0xffff  }
0x1f8: {  	v4 =	vor.u32 v1, v14;
	v18 =	vor.u32 v3, v16;
	v26 =	vor.u32 v3, v19;
	v15 =	vld.idx.msk [tilespmem:v15+s13+$0x0], $0xffff  }
0x1f9: {  	v5 =	vor.u32 v3, v8;
	v6 =	vor.u32 v1, v11;
	v30 =	vld.idx.msk [tilespmem:v7+s13+$0x0], $0xffff;
	v7 =	vadd.s32 $0x7, v8  }
0x1fa: {  	v13 =	vor.u32 v1, v13;
	v9 =	vadd.s32 $0x6, v8;
	v12 =	vld.idx.msk [tilespmem:v17+s13+$0x0], $0xffff;
	v14 =	vand.u32 $0x1FF, v7  }
0x1fb: {  	v11 =	vor.u32 v1, v16;
	v10 =	vadd.s32 $0x8, v8;
	v16 =	vld.idx.msk [tilespmem:v21+s13+$0x0], $0xffff;
	v20 =	vor.u32 v3, v14  }
0x1fc: {  	v17 =	vand.u32 $0x1FF, v9;
	v9 =	vld.idx.msk [tilespmem:v28+s13+$0x0], $0xffff;
	v21 =	vadd.s32 $0x1, v8;
	v7 =	vor.u32 v1, v19;
	[tilespmem:v27+s15+$0x0] =	vst.idx.msk $0xffff, v23  }
0x1fd: {  	v10 =	vand.u32 $0x1FF, v10;
	v19 =	vld.idx.msk [tilespmem:v18+s13+$0x0], $0xffff;
	v27 =	vadd.s32 $0x2, v8;
	v23 =	vor.u32 v3, v17;
	[tilespmem:v29+s15+$0x0] =	vst.idx.msk $0xffff, v15  }
0x1fe: {  	s28 =	simm.s32 $0x8;
	v18 =	vand.u32 $0x1FF, v21;
	v21 =	vand.u32 $0x1FF, v31;
	[tilespmem:v22+s15+$0x0] =	vst.idx.msk $0xffff, v30;
	v22 =	vld.idx.msk [tilespmem:v26+s13+$0x0], $0xffff;
	v15 =	vand.u32 $0x1FF, v27  }
.LBB2_23:
0x1ff: {  	s28 =	sadd.s32 $0x8, s28;
	v26 =	vor.u32 v3, v18;
	v27 =	vor.u32 v3, v15;
	v28 =	vor.u32 v1, v21;
	v29 =	vmovc v10  }
0x200: {  	v30 =	vor.u32 v1, v8;
	v8 =	vand.u32 $0x1FF, v25;
	v24 =	vand.u32 $0x1FF, v24;
	p0 =	slt.u32 s28, $0x1F8;
	v31 =	vld.idx.msk [tilespmem:v20+s13+$0x0], $0xffff;
	[tilespmem:v13+s15+$0x0] =	vst.idx.msk $0xffff, v12  }
0x201: {  	v34 =	vor.u32 v1, v14;
	v25 =	vor.u32 v3, v8;
	v33 =	vor.u32 v3, v24;
	v32 =	vld.idx.msk [tilespmem:v5+s13+$0x0], $0xffff  }
0x202: {  	v21 =	vor.u32 v3, v21;
	v5 =	vor.u32 v3, v10;
	v35 =	vld.idx.msk [tilespmem:v23+s13+$0x0], $0xffff;
	[tilespmem:v6+s15+$0x0] =	vst.idx.msk $0xffff, v16  }
0x203: {  	v36 =	vor.u32 v1, v17;
	v10 =	vadd.s32 $0x8, v10;
	v6 =	vor.u32 v1, v8;
	[tilespmem:v11+s15+$0x0] =	vst.idx.msk $0xffff, v19  }
0x204: {  	v17 =	vadd.s32 $0x7, v29;
	v13 =	vor.u32 v1, v18;
	v10 =	vand.u32 $0x1FF, v10;
	v12 =	vld.idx.msk [tilespmem:v26+s13+$0x0], $0xffff;
	[tilespmem:v7+s15+$0x0] =	vst.idx.msk $0xffff, v22  }
.Ltmp10:
0x205: {  	v14 =	vand.u32 $0x1FF, v17;
	v22 =	vadd.s32 $0x3, v29;
	v7 =	vor.u32 v1, v24;
	[tilespmem:v4+s15+$0x0] =	vst.idx.msk $0xffff, v9;
	v4 =	vmovc v28;
	(pc) =	sbr.rel @p0 .LBB2_23-.Ltmp10, $4  }
0x206: {  	v20 =	vor.u32 v3, v14;
	v8 =	vmovc v29;
	v11 =	vor.u32 v1, v15;
	v9 =	vadd.s32 $0x6, v29;
	v16 =	vld.idx.msk [tilespmem:v25+s13+$0x0], $0xffff  }
0x207: {  	v24 =	vadd.s32 $0x5, v8;
	v25 =	vadd.s32 $0x4, v8;
	v17 =	vand.u32 $0x1FF, v9;
	v9 =	vld.idx.msk [tilespmem:v21+s13+$0x0], $0xffff;
	[tilespmem:v34+s15+$0x0] =	vst.idx.msk $0xffff, v31  }
0x208: {  	v15 =	vadd.s32 $0x1, v8;
	v21 =	vadd.s32 $0x2, v8;
	v23 =	vor.u32 v3, v17;
	v19 =	vld.idx.msk [tilespmem:v27+s13+$0x0], $0xffff;
	[tilespmem:v36+s15+$0x0] =	vst.idx.msk $0xffff, v35  }
0x209: {  	v18 =	vand.u32 $0x1FF, v15;
	v15 =	vand.u32 $0x1FF, v21;
	v21 =	vand.u32 $0x1FF, v22;
	[tilespmem:v30+s15+$0x0] =	vst.idx.msk $0xffff, v32;
	v22 =	vld.idx.msk [tilespmem:v33+s13+$0x0], $0xffff  }
0x20a: {  	_ =	sdelay $0x2  }
0x20b: {  	v10 =	vor.u32 v3, v18;
	v25 =	vand.u32 $0x1FF, v25  }
0x20c: {  	v26 =	vor.u32 v3, v15;
	v20 =	vld.idx.msk [tilespmem:v20+s13+$0x0], $0xffff;
	[tilespmem:v13+s15+$0x0] =	vst.idx.msk $0xffff, v12;
	v12 =	vor.u32 v1, v14  }
0x20d: {  	v24 =	vand.u32 $0x1FF, v24;
	v27 =	vor.u32 v3, v25  }
0x20e: {  	v14 =	vld.idx.msk [tilespmem:v23+s13+$0x0], $0xffff;
	v13 =	vor.u32 v3, v24;
	[tilespmem:v6+s15+$0x0] =	vst.idx.msk $0xffff, v16;
	v6 =	vor.u32 v1, v17  }
0x20f: {  	v8 =	vor.u32 v1, v8;
	v5 =	vld.idx.msk [tilespmem:v5+s13+$0x0], $0xffff;
	v3 =	vor.u32 v3, v21;
	[tilespmem:v4+s15+$0x0] =	vst.idx.msk $0xffff, v9  }
0x210: {  	[tilespmem:v11+s15+$0x0] =	vst.idx.msk $0xffff, v19;
	v11 =	vor.u32 v1, v18;
	v10 =	vld.idx.msk [tilespmem:v10+s13+$0x0], $0xffff  }
0x211: {  	v9 =	vor.u32 v1, v15;
	[tilespmem:v12+s15+$0x0] =	vst.idx.msk $0xffff, v20;
	v12 =	vld.idx.msk [tilespmem:v26+s13+$0x0], $0xffff  }
0x212: {  	[tilespmem:v7+s15+$0x0] =	vst.idx.msk $0xffff, v22;
	v7 =	vor.u32 v1, v25;
	v4 =	vld.idx.msk [tilespmem:v27+s13+$0x0], $0xffff  }
0x213: {  	v15 =	vor.u32 v1, v24;
	[tilespmem:v6+s15+$0x0] =	vst.idx.msk $0xffff, v14;
	v6 =	vld.idx.msk [tilespmem:v13+s13+$0x0], $0xffff  }
0x214: {  	[tilespmem:v8+s15+$0x0] =	vst.idx.msk $0xffff, v5;
	v13 =	vor.u32 v1, v21;
	v3 =	vld.idx.msk [tilespmem:v3+s13+$0x0], $0xffff  }
0x215: {  	[tilespmem:v11+s15+$0x0] =	vst.idx.msk $0xffff, v10  }
0x216: {  	[tilespmem:v9+s15+$0x0] =	vst.idx.msk $0xffff, v12  }
0x217: {  	[tilespmem:v7+s15+$0x0] =	vst.idx.msk $0xffff, v4  }
0x218: {  	[tilespmem:v15+s15+$0x0] =	vst.idx.msk $0xffff, v6  }
0x219: {  	s26 =	sor.u32 $0x30, s26;
	[tilespmem:v13+s15+$0x0] =	vst.idx.msk $0xffff, v3  }
0x21a: {  	v3 =	vld [tilespmem:s26+$0x0]  }
0x21b: {  	v5 =	vlaneseq.u32  }
0x21c: {  	v14 =	vadd.s32 $0x2, v5;
	v22 =	vor.u32 v2, v5  }
0x21d: {  	v16 =	vand.u32 $0x1FF, v14;
	v9 =	vadd.s32 $0x6, v5;
	v11 =	vadd.s32 $0x4, v5  }
0x21e: {  	v12 =	vadd.s32 $0x5, v5;
	v4 =	vadd.s32 $0x8, v5;
	v6 =	vadd.s32 $0x7, v5  }
0x21f: {  	v9 =	vand.u32 $0x1FF, v9;
	v6 =	vand.u32 $0x1FF, v6;
	v3 =	vshll.u32 v3, $0x9  }
0x220: {  	v13 =	vadd.s32 $0x1, v5;
	v11 =	vand.u32 $0x1FF, v11;
	v10 =	vor.u32 v3, v6  }
0x221: {  	v19 =	vand.u32 $0x1FF, v12;
	v8 =	vand.u32 $0x1FF, v4;
	v15 =	vor.u32 v3, v9  }
0x222: {  	v4 =	vadd.s32 $0x3, v5;
	v13 =	vand.u32 $0x1FF, v13;
	v7 =	vor.u32 v3, v5  }
0x223: {  	v29 =	vor.u32 v2, v9;
	v14 =	vand.u32 $0x1FF, v4;
	v17 =	vor.u32 v3, v13  }
0x224: {  	v27 =	vor.u32 v2, v6;
	v31 =	vadd.s32 $0x3, v8;
	v21 =	vor.u32 v3, v11  }
0x225: {  	v25 =	vadd.s32 $0x4, v8;
	v24 =	vadd.s32 $0x5, v8;
	v28 =	vor.u32 v3, v14;
	v23 =	vld.idx.msk [tilespmem:v10+s13+$0x0], $0xffff  }
0x226: {  	v4 =	vor.u32 v2, v14;
	v18 =	vor.u32 v3, v16;
	v26 =	vor.u32 v3, v19;
	v15 =	vld.idx.msk [tilespmem:v15+s13+$0x0], $0xffff  }
0x227: {  	v5 =	vor.u32 v3, v8;
	v6 =	vor.u32 v2, v11;
	v30 =	vld.idx.msk [tilespmem:v7+s13+$0x0], $0xffff;
	v7 =	vadd.s32 $0x7, v8  }
0x228: {  	v13 =	vor.u32 v2, v13;
	v9 =	vadd.s32 $0x6, v8;
	v12 =	vld.idx.msk [tilespmem:v17+s13+$0x0], $0xffff;
	v14 =	vand.u32 $0x1FF, v7  }
0x229: {  	v11 =	vor.u32 v2, v16;
	v10 =	vadd.s32 $0x8, v8;
	v16 =	vld.idx.msk [tilespmem:v21+s13+$0x0], $0xffff;
	v20 =	vor.u32 v3, v14  }
0x22a: {  	v17 =	vand.u32 $0x1FF, v9;
	v9 =	vld.idx.msk [tilespmem:v28+s13+$0x0], $0xffff;
	v21 =	vadd.s32 $0x1, v8;
	v7 =	vor.u32 v2, v19;
	[tilespmem:v27+s15+$0x0] =	vst.idx.msk $0xffff, v23  }
0x22b: {  	v10 =	vand.u32 $0x1FF, v10;
	v19 =	vld.idx.msk [tilespmem:v18+s13+$0x0], $0xffff;
	v27 =	vadd.s32 $0x2, v8;
	v23 =	vor.u32 v3, v17;
	[tilespmem:v29+s15+$0x0] =	vst.idx.msk $0xffff, v15  }
0x22c: {  	s26 =	simm.s32 $0x8;
	v18 =	vand.u32 $0x1FF, v21;
	v21 =	vand.u32 $0x1FF, v31;
	[tilespmem:v22+s15+$0x0] =	vst.idx.msk $0xffff, v30;
	v22 =	vld.idx.msk [tilespmem:v26+s13+$0x0], $0xffff;
	v15 =	vand.u32 $0x1FF, v27  }
.LBB2_25:
0x22d: {  	s26 =	sadd.s32 $0x8, s26;
	v26 =	vor.u32 v3, v18;
	v27 =	vor.u32 v3, v15;
	v28 =	vor.u32 v2, v21;
	v29 =	vmovc v10  }
0x22e: {  	v30 =	vor.u32 v2, v8;
	v8 =	vand.u32 $0x1FF, v25;
	v24 =	vand.u32 $0x1FF, v24;
	p0 =	slt.u32 s26, $0x1F8;
	v31 =	vld.idx.msk [tilespmem:v20+s13+$0x0], $0xffff;
	[tilespmem:v13+s15+$0x0] =	vst.idx.msk $0xffff, v12  }
0x22f: {  	v34 =	vor.u32 v2, v14;
	v25 =	vor.u32 v3, v8;
	v33 =	vor.u32 v3, v24;
	v32 =	vld.idx.msk [tilespmem:v5+s13+$0x0], $0xffff  }
0x230: {  	v21 =	vor.u32 v3, v21;
	v5 =	vor.u32 v3, v10;
	v35 =	vld.idx.msk [tilespmem:v23+s13+$0x0], $0xffff;
	[tilespmem:v6+s15+$0x0] =	vst.idx.msk $0xffff, v16  }
0x231: {  	v36 =	vor.u32 v2, v17;
	v10 =	vadd.s32 $0x8, v10;
	v6 =	vor.u32 v2, v8;
	[tilespmem:v11+s15+$0x0] =	vst.idx.msk $0xffff, v19  }
0x232: {  	v17 =	vadd.s32 $0x7, v29;
	v13 =	vor.u32 v2, v18;
	v10 =	vand.u32 $0x1FF, v10;
	v12 =	vld.idx.msk [tilespmem:v26+s13+$0x0], $0xffff;
	[tilespmem:v7+s15+$0x0] =	vst.idx.msk $0xffff, v22  }
.Ltmp11:
0x233: {  	v14 =	vand.u32 $0x1FF, v17;
	v22 =	vadd.s32 $0x3, v29;
	v7 =	vor.u32 v2, v24;
	[tilespmem:v4+s15+$0x0] =	vst.idx.msk $0xffff, v9;
	v4 =	vmovc v28;
	(pc) =	sbr.rel @p0 .LBB2_25-.Ltmp11, $4  }
0x234: {  	v20 =	vor.u32 v3, v14;
	v8 =	vmovc v29;
	v11 =	vor.u32 v2, v15;
	v9 =	vadd.s32 $0x6, v29;
	v16 =	vld.idx.msk [tilespmem:v25+s13+$0x0], $0xffff  }
0x235: {  	v24 =	vadd.s32 $0x5, v8;
	v25 =	vadd.s32 $0x4, v8;
	v17 =	vand.u32 $0x1FF, v9;
	v9 =	vld.idx.msk [tilespmem:v21+s13+$0x0], $0xffff;
	[tilespmem:v34+s15+$0x0] =	vst.idx.msk $0xffff, v31  }
0x236: {  	v15 =	vadd.s32 $0x1, v8;
	v21 =	vadd.s32 $0x2, v8;
	v23 =	vor.u32 v3, v17;
	v19 =	vld.idx.msk [tilespmem:v27+s13+$0x0], $0xffff;
	[tilespmem:v36+s15+$0x0] =	vst.idx.msk $0xffff, v35  }
0x237: {  	v18 =	vand.u32 $0x1FF, v15;
	v15 =	vand.u32 $0x1FF, v21;
	v21 =	vand.u32 $0x1FF, v22;
	[tilespmem:v30+s15+$0x0] =	vst.idx.msk $0xffff, v32;
	v22 =	vld.idx.msk [tilespmem:v33+s13+$0x0], $0xffff  }
0x238: {  	_ =	sdelay $0x2  }
0x239: {  	v10 =	vor.u32 v3, v18;
	v25 =	vand.u32 $0x1FF, v25  }
0x23a: {  	v26 =	vor.u32 v3, v15;
	v20 =	vld.idx.msk [tilespmem:v20+s13+$0x0], $0xffff;
	[tilespmem:v13+s15+$0x0] =	vst.idx.msk $0xffff, v12;
	v12 =	vor.u32 v2, v14  }
0x23b: {  	v24 =	vand.u32 $0x1FF, v24;
	v27 =	vor.u32 v3, v25  }
0x23c: {  	v14 =	vld.idx.msk [tilespmem:v23+s13+$0x0], $0xffff;
	v13 =	vor.u32 v3, v24;
	[tilespmem:v6+s15+$0x0] =	vst.idx.msk $0xffff, v16;
	v6 =	vor.u32 v2, v17  }
0x23d: {  	v8 =	vor.u32 v2, v8;
	v5 =	vld.idx.msk [tilespmem:v5+s13+$0x0], $0xffff;
	v3 =	vor.u32 v3, v21;
	[tilespmem:v4+s15+$0x0] =	vst.idx.msk $0xffff, v9  }
0x23e: {  	[tilespmem:v11+s15+$0x0] =	vst.idx.msk $0xffff, v19;
	v11 =	vor.u32 v2, v18;
	v10 =	vld.idx.msk [tilespmem:v10+s13+$0x0], $0xffff  }
0x23f: {  	v9 =	vor.u32 v2, v15;
	[tilespmem:v12+s15+$0x0] =	vst.idx.msk $0xffff, v20;
	v12 =	vld.idx.msk [tilespmem:v26+s13+$0x0], $0xffff  }
0x240: {  	[tilespmem:v7+s15+$0x0] =	vst.idx.msk $0xffff, v22;
	v7 =	vor.u32 v2, v25;
	v4 =	vld.idx.msk [tilespmem:v27+s13+$0x0], $0xffff  }
0x241: {  	v15 =	vor.u32 v2, v24;
	[tilespmem:v6+s15+$0x0] =	vst.idx.msk $0xffff, v14;
	v6 =	vld.idx.msk [tilespmem:v13+s13+$0x0], $0xffff  }
0x242: {  	[tilespmem:v8+s15+$0x0] =	vst.idx.msk $0xffff, v5;
	v13 =	vor.u32 v2, v21;
	v3 =	vld.idx.msk [tilespmem:v3+s13+$0x0], $0xffff  }
0x243: {  	[tilespmem:v11+s15+$0x0] =	vst.idx.msk $0xffff, v10  }
0x244: {  	s25 =	sadd.s32 s7, s25;
	[tilespmem:v9+s15+$0x0] =	vst.idx.msk $0xffff, v12  }
0x245: {  	s25 =	sshll.u32 s25, $0xB;
	[tilespmem:v7+s15+$0x0] =	vst.idx.msk $0xffff, v4  }
0x246: {  	s25 =	sand.u32 $0x1FFFE800, s25;
	[tilespmem:v15+s15+$0x0] =	vst.idx.msk $0xffff, v6  }
0x247: {  	s25 =	sadd.s32 s2, s25;
	[tilespmem:v13+s15+$0x0] =	vst.idx.msk $0xffff, v3  }
0x248: {  	[hbm4b:s25+s3] =	stream.linear.scatter [tilespmem:s15], [sflag:$0x2], $0x4000, $0x38;
	[tilespmem:$0x12D00] =	vst v63  }
0x249: {  	_ =	swait.ge [sflag:s20], $0x4000  }
0x24a: {  	s25 =	sor.u32 $0x2, s24;
	[sflag:s20] =	ssyncset.done $0x0  }
0x24b: {  	s26 =	sshll.u32 s25, $0x5;
	[sflag:s20] =	ssyncadd.s32 $0xFFFFC000  }
0x24c: {  	v3 =	vld [tilespmem:s26+$0x0]  }
0x24d: {  	v5 =	vlaneseq.u32  }
0x24e: {  	v14 =	vadd.s32 $0x2, v5;
	v22 =	vor.u32 v1, v5  }
0x24f: {  	v16 =	vand.u32 $0x1FF, v14;
	v9 =	vadd.s32 $0x6, v5;
	v11 =	vadd.s32 $0x4, v5  }
0x250: {  	v12 =	vadd.s32 $0x5, v5;
	v4 =	vadd.s32 $0x8, v5;
	v6 =	vadd.s32 $0x7, v5  }
0x251: {  	v9 =	vand.u32 $0x1FF, v9;
	v6 =	vand.u32 $0x1FF, v6;
	v3 =	vshll.u32 v3, $0x9  }
0x252: {  	v13 =	vadd.s32 $0x1, v5;
	v11 =	vand.u32 $0x1FF, v11;
	v10 =	vor.u32 v3, v6  }
0x253: {  	v19 =	vand.u32 $0x1FF, v12;
	v8 =	vand.u32 $0x1FF, v4;
	v15 =	vor.u32 v3, v9  }
0x254: {  	v4 =	vadd.s32 $0x3, v5;
	v13 =	vand.u32 $0x1FF, v13;
	v7 =	vor.u32 v3, v5  }
0x255: {  	v29 =	vor.u32 v1, v9;
	v14 =	vand.u32 $0x1FF, v4;
	v17 =	vor.u32 v3, v13  }
0x256: {  	v27 =	vor.u32 v1, v6;
	v31 =	vadd.s32 $0x3, v8;
	v21 =	vor.u32 v3, v11  }
0x257: {  	v25 =	vadd.s32 $0x4, v8;
	v24 =	vadd.s32 $0x5, v8;
	v28 =	vor.u32 v3, v14;
	v23 =	vld.idx.msk [tilespmem:v10+s13+$0x0], $0xffff  }
0x258: {  	v4 =	vor.u32 v1, v14;
	v18 =	vor.u32 v3, v16;
	v26 =	vor.u32 v3, v19;
	v15 =	vld.idx.msk [tilespmem:v15+s13+$0x0], $0xffff  }
0x259: {  	v5 =	vor.u32 v3, v8;
	v6 =	vor.u32 v1, v11;
	v30 =	vld.idx.msk [tilespmem:v7+s13+$0x0], $0xffff;
	v7 =	vadd.s32 $0x7, v8  }
0x25a: {  	v13 =	vor.u32 v1, v13;
	v9 =	vadd.s32 $0x6, v8;
	v12 =	vld.idx.msk [tilespmem:v17+s13+$0x0], $0xffff;
	v14 =	vand.u32 $0x1FF, v7  }
0x25b: {  	v11 =	vor.u32 v1, v16;
	v10 =	vadd.s32 $0x8, v8;
	v16 =	vld.idx.msk [tilespmem:v21+s13+$0x0], $0xffff;
	v20 =	vor.u32 v3, v14  }
0x25c: {  	v17 =	vand.u32 $0x1FF, v9;
	v9 =	vld.idx.msk [tilespmem:v28+s13+$0x0], $0xffff;
	v21 =	vadd.s32 $0x1, v8;
	v7 =	vor.u32 v1, v19;
	[tilespmem:v27+s16+$0x0] =	vst.idx.msk $0xffff, v23  }
0x25d: {  	v10 =	vand.u32 $0x1FF, v10;
	v19 =	vld.idx.msk [tilespmem:v18+s13+$0x0], $0xffff;
	v27 =	vadd.s32 $0x2, v8;
	v23 =	vor.u32 v3, v17;
	[tilespmem:v29+s16+$0x0] =	vst.idx.msk $0xffff, v15  }
0x25e: {  	s28 =	simm.s32 $0x8;
	v18 =	vand.u32 $0x1FF, v21;
	v21 =	vand.u32 $0x1FF, v31;
	[tilespmem:v22+s16+$0x0] =	vst.idx.msk $0xffff, v30;
	v22 =	vld.idx.msk [tilespmem:v26+s13+$0x0], $0xffff;
	v15 =	vand.u32 $0x1FF, v27  }
.LBB2_27:
0x25f: {  	s28 =	sadd.s32 $0x8, s28;
	v26 =	vor.u32 v3, v18;
	v27 =	vor.u32 v3, v15;
	v28 =	vor.u32 v1, v21;
	v29 =	vmovc v10  }
0x260: {  	v30 =	vor.u32 v1, v8;
	v8 =	vand.u32 $0x1FF, v25;
	v24 =	vand.u32 $0x1FF, v24;
	p0 =	slt.u32 s28, $0x1F8;
	v31 =	vld.idx.msk [tilespmem:v20+s13+$0x0], $0xffff;
	[tilespmem:v13+s16+$0x0] =	vst.idx.msk $0xffff, v12  }
0x261: {  	v34 =	vor.u32 v1, v14;
	v25 =	vor.u32 v3, v8;
	v33 =	vor.u32 v3, v24;
	v32 =	vld.idx.msk [tilespmem:v5+s13+$0x0], $0xffff  }
0x262: {  	v21 =	vor.u32 v3, v21;
	v5 =	vor.u32 v3, v10;
	v35 =	vld.idx.msk [tilespmem:v23+s13+$0x0], $0xffff;
	[tilespmem:v6+s16+$0x0] =	vst.idx.msk $0xffff, v16  }
0x263: {  	v36 =	vor.u32 v1, v17;
	v10 =	vadd.s32 $0x8, v10;
	v6 =	vor.u32 v1, v8;
	[tilespmem:v11+s16+$0x0] =	vst.idx.msk $0xffff, v19  }
0x264: {  	v17 =	vadd.s32 $0x7, v29;
	v13 =	vor.u32 v1, v18;
	v10 =	vand.u32 $0x1FF, v10;
	v12 =	vld.idx.msk [tilespmem:v26+s13+$0x0], $0xffff;
	[tilespmem:v7+s16+$0x0] =	vst.idx.msk $0xffff, v22  }
.Ltmp12:
0x265: {  	v14 =	vand.u32 $0x1FF, v17;
	v22 =	vadd.s32 $0x3, v29;
	v7 =	vor.u32 v1, v24;
	[tilespmem:v4+s16+$0x0] =	vst.idx.msk $0xffff, v9;
	v4 =	vmovc v28;
	(pc) =	sbr.rel @p0 .LBB2_27-.Ltmp12, $4  }
0x266: {  	v20 =	vor.u32 v3, v14;
	v8 =	vmovc v29;
	v11 =	vor.u32 v1, v15;
	v9 =	vadd.s32 $0x6, v29;
	v16 =	vld.idx.msk [tilespmem:v25+s13+$0x0], $0xffff  }
0x267: {  	v24 =	vadd.s32 $0x5, v8;
	v25 =	vadd.s32 $0x4, v8;
	v17 =	vand.u32 $0x1FF, v9;
	v9 =	vld.idx.msk [tilespmem:v21+s13+$0x0], $0xffff;
	[tilespmem:v34+s16+$0x0] =	vst.idx.msk $0xffff, v31  }
0x268: {  	v15 =	vadd.s32 $0x1, v8;
	v21 =	vadd.s32 $0x2, v8;
	v23 =	vor.u32 v3, v17;
	v19 =	vld.idx.msk [tilespmem:v27+s13+$0x0], $0xffff;
	[tilespmem:v36+s16+$0x0] =	vst.idx.msk $0xffff, v35  }
0x269: {  	v18 =	vand.u32 $0x1FF, v15;
	v15 =	vand.u32 $0x1FF, v21;
	v21 =	vand.u32 $0x1FF, v22;
	[tilespmem:v30+s16+$0x0] =	vst.idx.msk $0xffff, v32;
	v22 =	vld.idx.msk [tilespmem:v33+s13+$0x0], $0xffff  }
0x26a: {  	_ =	sdelay $0x2  }
0x26b: {  	v10 =	vor.u32 v3, v18;
	v25 =	vand.u32 $0x1FF, v25  }
0x26c: {  	v26 =	vor.u32 v3, v15;
	v20 =	vld.idx.msk [tilespmem:v20+s13+$0x0], $0xffff;
	[tilespmem:v13+s16+$0x0] =	vst.idx.msk $0xffff, v12;
	v12 =	vor.u32 v1, v14  }
0x26d: {  	v24 =	vand.u32 $0x1FF, v24;
	v27 =	vor.u32 v3, v25  }
0x26e: {  	v14 =	vld.idx.msk [tilespmem:v23+s13+$0x0], $0xffff;
	v13 =	vor.u32 v3, v24;
	[tilespmem:v6+s16+$0x0] =	vst.idx.msk $0xffff, v16;
	v6 =	vor.u32 v1, v17  }
0x26f: {  	v8 =	vor.u32 v1, v8;
	v5 =	vld.idx.msk [tilespmem:v5+s13+$0x0], $0xffff;
	v3 =	vor.u32 v3, v21;
	[tilespmem:v4+s16+$0x0] =	vst.idx.msk $0xffff, v9  }
0x270: {  	[tilespmem:v11+s16+$0x0] =	vst.idx.msk $0xffff, v19;
	v11 =	vor.u32 v1, v18;
	v10 =	vld.idx.msk [tilespmem:v10+s13+$0x0], $0xffff  }
0x271: {  	v9 =	vor.u32 v1, v15;
	[tilespmem:v12+s16+$0x0] =	vst.idx.msk $0xffff, v20;
	v12 =	vld.idx.msk [tilespmem:v26+s13+$0x0], $0xffff  }
0x272: {  	[tilespmem:v7+s16+$0x0] =	vst.idx.msk $0xffff, v22;
	v7 =	vor.u32 v1, v25;
	v4 =	vld.idx.msk [tilespmem:v27+s13+$0x0], $0xffff  }
0x273: {  	v15 =	vor.u32 v1, v24;
	[tilespmem:v6+s16+$0x0] =	vst.idx.msk $0xffff, v14;
	v6 =	vld.idx.msk [tilespmem:v13+s13+$0x0], $0xffff  }
0x274: {  	[tilespmem:v8+s16+$0x0] =	vst.idx.msk $0xffff, v5;
	v13 =	vor.u32 v1, v21;
	v3 =	vld.idx.msk [tilespmem:v3+s13+$0x0], $0xffff  }
0x275: {  	[tilespmem:v11+s16+$0x0] =	vst.idx.msk $0xffff, v10  }
0x276: {  	[tilespmem:v9+s16+$0x0] =	vst.idx.msk $0xffff, v12  }
0x277: {  	[tilespmem:v7+s16+$0x0] =	vst.idx.msk $0xffff, v4  }
0x278: {  	[tilespmem:v15+s16+$0x0] =	vst.idx.msk $0xffff, v6  }
0x279: {  	s26 =	sor.u32 $0x50, s26;
	[tilespmem:v13+s16+$0x0] =	vst.idx.msk $0xffff, v3  }
0x27a: {  	v3 =	vld [tilespmem:s26+$0x0]  }
0x27b: {  	v5 =	vlaneseq.u32  }
0x27c: {  	v14 =	vadd.s32 $0x2, v5;
	v22 =	vor.u32 v2, v5  }
0x27d: {  	v16 =	vand.u32 $0x1FF, v14;
	v9 =	vadd.s32 $0x6, v5;
	v11 =	vadd.s32 $0x4, v5  }
0x27e: {  	v12 =	vadd.s32 $0x5, v5;
	v4 =	vadd.s32 $0x8, v5;
	v6 =	vadd.s32 $0x7, v5  }
0x27f: {  	v9 =	vand.u32 $0x1FF, v9;
	v6 =	vand.u32 $0x1FF, v6;
	v3 =	vshll.u32 v3, $0x9  }
0x280: {  	v13 =	vadd.s32 $0x1, v5;
	v11 =	vand.u32 $0x1FF, v11;
	v10 =	vor.u32 v3, v6  }
0x281: {  	v19 =	vand.u32 $0x1FF, v12;
	v8 =	vand.u32 $0x1FF, v4;
	v15 =	vor.u32 v3, v9  }
0x282: {  	v4 =	vadd.s32 $0x3, v5;
	v13 =	vand.u32 $0x1FF, v13;
	v7 =	vor.u32 v3, v5  }
0x283: {  	v29 =	vor.u32 v2, v9;
	v14 =	vand.u32 $0x1FF, v4;
	v17 =	vor.u32 v3, v13  }
0x284: {  	v27 =	vor.u32 v2, v6;
	v31 =	vadd.s32 $0x3, v8;
	v21 =	vor.u32 v3, v11  }
0x285: {  	v25 =	vadd.s32 $0x4, v8;
	v24 =	vadd.s32 $0x5, v8;
	v28 =	vor.u32 v3, v14;
	v23 =	vld.idx.msk [tilespmem:v10+s13+$0x0], $0xffff  }
0x286: {  	v4 =	vor.u32 v2, v14;
	v18 =	vor.u32 v3, v16;
	v26 =	vor.u32 v3, v19;
	v15 =	vld.idx.msk [tilespmem:v15+s13+$0x0], $0xffff  }
0x287: {  	v5 =	vor.u32 v3, v8;
	v6 =	vor.u32 v2, v11;
	v30 =	vld.idx.msk [tilespmem:v7+s13+$0x0], $0xffff;
	v7 =	vadd.s32 $0x7, v8  }
0x288: {  	v13 =	vor.u32 v2, v13;
	v9 =	vadd.s32 $0x6, v8;
	v12 =	vld.idx.msk [tilespmem:v17+s13+$0x0], $0xffff;
	v14 =	vand.u32 $0x1FF, v7  }
0x289: {  	v11 =	vor.u32 v2, v16;
	v10 =	vadd.s32 $0x8, v8;
	v16 =	vld.idx.msk [tilespmem:v21+s13+$0x0], $0xffff;
	v20 =	vor.u32 v3, v14  }
0x28a: {  	v17 =	vand.u32 $0x1FF, v9;
	v9 =	vld.idx.msk [tilespmem:v28+s13+$0x0], $0xffff;
	v21 =	vadd.s32 $0x1, v8;
	v7 =	vor.u32 v2, v19;
	[tilespmem:v27+s16+$0x0] =	vst.idx.msk $0xffff, v23  }
0x28b: {  	v10 =	vand.u32 $0x1FF, v10;
	v19 =	vld.idx.msk [tilespmem:v18+s13+$0x0], $0xffff;
	v27 =	vadd.s32 $0x2, v8;
	v23 =	vor.u32 v3, v17;
	[tilespmem:v29+s16+$0x0] =	vst.idx.msk $0xffff, v15  }
0x28c: {  	s26 =	simm.s32 $0x8;
	v18 =	vand.u32 $0x1FF, v21;
	v21 =	vand.u32 $0x1FF, v31;
	[tilespmem:v22+s16+$0x0] =	vst.idx.msk $0xffff, v30;
	v22 =	vld.idx.msk [tilespmem:v26+s13+$0x0], $0xffff;
	v15 =	vand.u32 $0x1FF, v27  }
.LBB2_29:
0x28d: {  	s26 =	sadd.s32 $0x8, s26;
	v26 =	vor.u32 v3, v18;
	v27 =	vor.u32 v3, v15;
	v28 =	vor.u32 v2, v21;
	v29 =	vmovc v10  }
0x28e: {  	v30 =	vor.u32 v2, v8;
	v8 =	vand.u32 $0x1FF, v25;
	v24 =	vand.u32 $0x1FF, v24;
	p0 =	slt.u32 s26, $0x1F8;
	v31 =	vld.idx.msk [tilespmem:v20+s13+$0x0], $0xffff;
	[tilespmem:v13+s16+$0x0] =	vst.idx.msk $0xffff, v12  }
0x28f: {  	v34 =	vor.u32 v2, v14;
	v25 =	vor.u32 v3, v8;
	v33 =	vor.u32 v3, v24;
	v32 =	vld.idx.msk [tilespmem:v5+s13+$0x0], $0xffff  }
0x290: {  	v21 =	vor.u32 v3, v21;
	v5 =	vor.u32 v3, v10;
	v35 =	vld.idx.msk [tilespmem:v23+s13+$0x0], $0xffff;
	[tilespmem:v6+s16+$0x0] =	vst.idx.msk $0xffff, v16  }
0x291: {  	v36 =	vor.u32 v2, v17;
	v10 =	vadd.s32 $0x8, v10;
	v6 =	vor.u32 v2, v8;
	[tilespmem:v11+s16+$0x0] =	vst.idx.msk $0xffff, v19  }
0x292: {  	v17 =	vadd.s32 $0x7, v29;
	v13 =	vor.u32 v2, v18;
	v10 =	vand.u32 $0x1FF, v10;
	v12 =	vld.idx.msk [tilespmem:v26+s13+$0x0], $0xffff;
	[tilespmem:v7+s16+$0x0] =	vst.idx.msk $0xffff, v22  }
.Ltmp13:
0x293: {  	v14 =	vand.u32 $0x1FF, v17;
	v22 =	vadd.s32 $0x3, v29;
	v7 =	vor.u32 v2, v24;
	[tilespmem:v4+s16+$0x0] =	vst.idx.msk $0xffff, v9;
	v4 =	vmovc v28;
	(pc) =	sbr.rel @p0 .LBB2_29-.Ltmp13, $4  }
0x294: {  	v20 =	vor.u32 v3, v14;
	v8 =	vmovc v29;
	v11 =	vor.u32 v2, v15;
	v9 =	vadd.s32 $0x6, v29;
	v16 =	vld.idx.msk [tilespmem:v25+s13+$0x0], $0xffff  }
0x295: {  	v24 =	vadd.s32 $0x5, v8;
	v25 =	vadd.s32 $0x4, v8;
	v17 =	vand.u32 $0x1FF, v9;
	v9 =	vld.idx.msk [tilespmem:v21+s13+$0x0], $0xffff;
	[tilespmem:v34+s16+$0x0] =	vst.idx.msk $0xffff, v31  }
0x296: {  	v15 =	vadd.s32 $0x1, v8;
	v21 =	vadd.s32 $0x2, v8;
	v23 =	vor.u32 v3, v17;
	v19 =	vld.idx.msk [tilespmem:v27+s13+$0x0], $0xffff;
	[tilespmem:v36+s16+$0x0] =	vst.idx.msk $0xffff, v35  }
0x297: {  	v18 =	vand.u32 $0x1FF, v15;
	v15 =	vand.u32 $0x1FF, v21;
	v21 =	vand.u32 $0x1FF, v22;
	[tilespmem:v30+s16+$0x0] =	vst.idx.msk $0xffff, v32;
	v22 =	vld.idx.msk [tilespmem:v33+s13+$0x0], $0xffff  }
0x298: {  	_ =	sdelay $0x2  }
0x299: {  	v10 =	vor.u32 v3, v18;
	v25 =	vand.u32 $0x1FF, v25  }
0x29a: {  	v26 =	vor.u32 v3, v15;
	v20 =	vld.idx.msk [tilespmem:v20+s13+$0x0], $0xffff;
	[tilespmem:v13+s16+$0x0] =	vst.idx.msk $0xffff, v12;
	v12 =	vor.u32 v2, v14  }
0x29b: {  	v24 =	vand.u32 $0x1FF, v24;
	v27 =	vor.u32 v3, v25  }
0x29c: {  	v14 =	vld.idx.msk [tilespmem:v23+s13+$0x0], $0xffff;
	v13 =	vor.u32 v3, v24;
	[tilespmem:v6+s16+$0x0] =	vst.idx.msk $0xffff, v16;
	v6 =	vor.u32 v2, v17  }
0x29d: {  	v8 =	vor.u32 v2, v8;
	v5 =	vld.idx.msk [tilespmem:v5+s13+$0x0], $0xffff;
	v3 =	vor.u32 v3, v21;
	[tilespmem:v4+s16+$0x0] =	vst.idx.msk $0xffff, v9  }
0x29e: {  	[tilespmem:v11+s16+$0x0] =	vst.idx.msk $0xffff, v19;
	v11 =	vor.u32 v2, v18;
	v10 =	vld.idx.msk [tilespmem:v10+s13+$0x0], $0xffff  }
0x29f: {  	v9 =	vor.u32 v2, v15;
	[tilespmem:v12+s16+$0x0] =	vst.idx.msk $0xffff, v20;
	v12 =	vld.idx.msk [tilespmem:v26+s13+$0x0], $0xffff  }
0x2a0: {  	[tilespmem:v7+s16+$0x0] =	vst.idx.msk $0xffff, v22;
	v7 =	vor.u32 v2, v25;
	v4 =	vld.idx.msk [tilespmem:v27+s13+$0x0], $0xffff  }
0x2a1: {  	v15 =	vor.u32 v2, v24;
	[tilespmem:v6+s16+$0x0] =	vst.idx.msk $0xffff, v14;
	v6 =	vld.idx.msk [tilespmem:v13+s13+$0x0], $0xffff  }
0x2a2: {  	[tilespmem:v8+s16+$0x0] =	vst.idx.msk $0xffff, v5;
	v13 =	vor.u32 v2, v21;
	v3 =	vld.idx.msk [tilespmem:v3+s13+$0x0], $0xffff  }
0x2a3: {  	[tilespmem:v11+s16+$0x0] =	vst.idx.msk $0xffff, v10  }
0x2a4: {  	s25 =	sadd.s32 s7, s25;
	[tilespmem:v9+s16+$0x0] =	vst.idx.msk $0xffff, v12  }
0x2a5: {  	s25 =	sshll.u32 s25, $0xB;
	[tilespmem:v7+s16+$0x0] =	vst.idx.msk $0xffff, v4  }
0x2a6: {  	s25 =	sand.u32 $0x1FFFF000, s25;
	[tilespmem:v15+s16+$0x0] =	vst.idx.msk $0xffff, v6  }
0x2a7: {  	s25 =	sadd.s32 s2, s25;
	[tilespmem:v13+s16+$0x0] =	vst.idx.msk $0xffff, v3  }
0x2a8: {  	[hbm4b:s25+s3] =	stream.linear.scatter [tilespmem:s16], [sflag:$0x3], $0x4000, $0x38;
	[tilespmem:$0x12D00] =	vst v63  }
0x2a9: {  	_ =	swait.ge [sflag:s21], $0x4000  }
0x2aa: {  	s24 =	sor.u32 $0x3, s24;
	[sflag:s21] =	ssyncset.done $0x0  }
0x2ab: {  	s25 =	sshll.u32 s24, $0x5;
	[sflag:s21] =	ssyncadd.s32 $0xFFFFC000  }
0x2ac: {  	v3 =	vld [tilespmem:s25+$0x0]  }
0x2ad: {  	v5 =	vlaneseq.u32  }
0x2ae: {  	v14 =	vadd.s32 $0x2, v5;
	v22 =	vor.u32 v1, v5  }
0x2af: {  	v16 =	vand.u32 $0x1FF, v14;
	v9 =	vadd.s32 $0x6, v5;
	v11 =	vadd.s32 $0x4, v5  }
0x2b0: {  	v12 =	vadd.s32 $0x5, v5;
	v4 =	vadd.s32 $0x8, v5;
	v6 =	vadd.s32 $0x7, v5  }
0x2b1: {  	v9 =	vand.u32 $0x1FF, v9;
	v6 =	vand.u32 $0x1FF, v6;
	v3 =	vshll.u32 v3, $0x9  }
0x2b2: {  	v13 =	vadd.s32 $0x1, v5;
	v11 =	vand.u32 $0x1FF, v11;
	v10 =	vor.u32 v3, v6  }
0x2b3: {  	v19 =	vand.u32 $0x1FF, v12;
	v8 =	vand.u32 $0x1FF, v4;
	v15 =	vor.u32 v3, v9  }
0x2b4: {  	v4 =	vadd.s32 $0x3, v5;
	v13 =	vand.u32 $0x1FF, v13;
	v7 =	vor.u32 v3, v5  }
0x2b5: {  	v29 =	vor.u32 v1, v9;
	v14 =	vand.u32 $0x1FF, v4;
	v17 =	vor.u32 v3, v13  }
0x2b6: {  	v27 =	vor.u32 v1, v6;
	v31 =	vadd.s32 $0x3, v8;
	v21 =	vor.u32 v3, v11  }
0x2b7: {  	v25 =	vadd.s32 $0x4, v8;
	v24 =	vadd.s32 $0x5, v8;
	v28 =	vor.u32 v3, v14;
	v23 =	vld.idx.msk [tilespmem:v10+s13+$0x0], $0xffff  }
0x2b8: {  	v4 =	vor.u32 v1, v14;
	v18 =	vor.u32 v3, v16;
	v26 =	vor.u32 v3, v19;
	v15 =	vld.idx.msk [tilespmem:v15+s13+$0x0], $0xffff  }
0x2b9: {  	v5 =	vor.u32 v3, v8;
	v6 =	vor.u32 v1, v11;
	v30 =	vld.idx.msk [tilespmem:v7+s13+$0x0], $0xffff;
	v7 =	vadd.s32 $0x7, v8  }
0x2ba: {  	v13 =	vor.u32 v1, v13;
	v9 =	vadd.s32 $0x6, v8;
	v12 =	vld.idx.msk [tilespmem:v17+s13+$0x0], $0xffff;
	v14 =	vand.u32 $0x1FF, v7  }
0x2bb: {  	v11 =	vor.u32 v1, v16;
	v10 =	vadd.s32 $0x8, v8;
	v16 =	vld.idx.msk [tilespmem:v21+s13+$0x0], $0xffff;
	v20 =	vor.u32 v3, v14  }
0x2bc: {  	v17 =	vand.u32 $0x1FF, v9;
	v9 =	vld.idx.msk [tilespmem:v28+s13+$0x0], $0xffff;
	v21 =	vadd.s32 $0x1, v8;
	v7 =	vor.u32 v1, v19;
	[tilespmem:v27+s17+$0x0] =	vst.idx.msk $0xffff, v23  }
0x2bd: {  	v10 =	vand.u32 $0x1FF, v10;
	v19 =	vld.idx.msk [tilespmem:v18+s13+$0x0], $0xffff;
	v27 =	vadd.s32 $0x2, v8;
	v23 =	vor.u32 v3, v17;
	[tilespmem:v29+s17+$0x0] =	vst.idx.msk $0xffff, v15  }
0x2be: {  	s26 =	simm.s32 $0x8;
	v18 =	vand.u32 $0x1FF, v21;
	v21 =	vand.u32 $0x1FF, v31;
	[tilespmem:v22+s17+$0x0] =	vst.idx.msk $0xffff, v30;
	v22 =	vld.idx.msk [tilespmem:v26+s13+$0x0], $0xffff;
	v15 =	vand.u32 $0x1FF, v27  }
.LBB2_31:
0x2bf: {  	s26 =	sadd.s32 $0x8, s26;
	v26 =	vor.u32 v3, v18;
	v27 =	vor.u32 v3, v15;
	v28 =	vor.u32 v1, v21;
	v29 =	vmovc v10  }
0x2c0: {  	v30 =	vor.u32 v1, v8;
	v8 =	vand.u32 $0x1FF, v25;
	v24 =	vand.u32 $0x1FF, v24;
	p0 =	slt.u32 s26, $0x1F8;
	v31 =	vld.idx.msk [tilespmem:v20+s13+$0x0], $0xffff;
	[tilespmem:v13+s17+$0x0] =	vst.idx.msk $0xffff, v12  }
0x2c1: {  	v34 =	vor.u32 v1, v14;
	v25 =	vor.u32 v3, v8;
	v33 =	vor.u32 v3, v24;
	v32 =	vld.idx.msk [tilespmem:v5+s13+$0x0], $0xffff  }
0x2c2: {  	v21 =	vor.u32 v3, v21;
	v5 =	vor.u32 v3, v10;
	v35 =	vld.idx.msk [tilespmem:v23+s13+$0x0], $0xffff;
	[tilespmem:v6+s17+$0x0] =	vst.idx.msk $0xffff, v16  }
0x2c3: {  	v36 =	vor.u32 v1, v17;
	v10 =	vadd.s32 $0x8, v10;
	v6 =	vor.u32 v1, v8;
	[tilespmem:v11+s17+$0x0] =	vst.idx.msk $0xffff, v19  }
0x2c4: {  	v17 =	vadd.s32 $0x7, v29;
	v13 =	vor.u32 v1, v18;
	v10 =	vand.u32 $0x1FF, v10;
	v12 =	vld.idx.msk [tilespmem:v26+s13+$0x0], $0xffff;
	[tilespmem:v7+s17+$0x0] =	vst.idx.msk $0xffff, v22  }
.Ltmp14:
0x2c5: {  	v14 =	vand.u32 $0x1FF, v17;
	v22 =	vadd.s32 $0x3, v29;
	v7 =	vor.u32 v1, v24;
	[tilespmem:v4+s17+$0x0] =	vst.idx.msk $0xffff, v9;
	v4 =	vmovc v28;
	(pc) =	sbr.rel @p0 .LBB2_31-.Ltmp14, $4  }
0x2c6: {  	v20 =	vor.u32 v3, v14;
	v8 =	vmovc v29;
	v11 =	vor.u32 v1, v15;
	v9 =	vadd.s32 $0x6, v29;
	v16 =	vld.idx.msk [tilespmem:v25+s13+$0x0], $0xffff  }
0x2c7: {  	v24 =	vadd.s32 $0x5, v8;
	v25 =	vadd.s32 $0x4, v8;
	v17 =	vand.u32 $0x1FF, v9;
	v9 =	vld.idx.msk [tilespmem:v21+s13+$0x0], $0xffff;
	[tilespmem:v34+s17+$0x0] =	vst.idx.msk $0xffff, v31  }
0x2c8: {  	v15 =	vadd.s32 $0x1, v8;
	v21 =	vadd.s32 $0x2, v8;
	v23 =	vor.u32 v3, v17;
	v19 =	vld.idx.msk [tilespmem:v27+s13+$0x0], $0xffff;
	[tilespmem:v36+s17+$0x0] =	vst.idx.msk $0xffff, v35  }
0x2c9: {  	v18 =	vand.u32 $0x1FF, v15;
	v15 =	vand.u32 $0x1FF, v21;
	v21 =	vand.u32 $0x1FF, v22;
	[tilespmem:v30+s17+$0x0] =	vst.idx.msk $0xffff, v32;
	v22 =	vld.idx.msk [tilespmem:v33+s13+$0x0], $0xffff  }
0x2ca: {  	_ =	sdelay $0x2  }
0x2cb: {  	v10 =	vor.u32 v3, v18;
	v25 =	vand.u32 $0x1FF, v25  }
0x2cc: {  	v26 =	vor.u32 v3, v15;
	v20 =	vld.idx.msk [tilespmem:v20+s13+$0x0], $0xffff;
	[tilespmem:v13+s17+$0x0] =	vst.idx.msk $0xffff, v12;
	v12 =	vor.u32 v1, v14  }
0x2cd: {  	v24 =	vand.u32 $0x1FF, v24;
	v27 =	vor.u32 v3, v25  }
0x2ce: {  	v14 =	vld.idx.msk [tilespmem:v23+s13+$0x0], $0xffff;
	v13 =	vor.u32 v3, v24;
	[tilespmem:v6+s17+$0x0] =	vst.idx.msk $0xffff, v16;
	v6 =	vor.u32 v1, v17  }
0x2cf: {  	v8 =	vor.u32 v1, v8;
	v5 =	vld.idx.msk [tilespmem:v5+s13+$0x0], $0xffff;
	v3 =	vor.u32 v3, v21;
	[tilespmem:v4+s17+$0x0] =	vst.idx.msk $0xffff, v9  }
0x2d0: {  	[tilespmem:v11+s17+$0x0] =	vst.idx.msk $0xffff, v19;
	v11 =	vor.u32 v1, v18;
	v10 =	vld.idx.msk [tilespmem:v10+s13+$0x0], $0xffff  }
0x2d1: {  	v9 =	vor.u32 v1, v15;
	[tilespmem:v12+s17+$0x0] =	vst.idx.msk $0xffff, v20;
	v12 =	vld.idx.msk [tilespmem:v26+s13+$0x0], $0xffff  }
0x2d2: {  	[tilespmem:v7+s17+$0x0] =	vst.idx.msk $0xffff, v22;
	v7 =	vor.u32 v1, v25;
	v4 =	vld.idx.msk [tilespmem:v27+s13+$0x0], $0xffff  }
0x2d3: {  	v15 =	vor.u32 v1, v24;
	[tilespmem:v6+s17+$0x0] =	vst.idx.msk $0xffff, v14;
	v6 =	vld.idx.msk [tilespmem:v13+s13+$0x0], $0xffff  }
0x2d4: {  	[tilespmem:v8+s17+$0x0] =	vst.idx.msk $0xffff, v5;
	v13 =	vor.u32 v1, v21;
	v3 =	vld.idx.msk [tilespmem:v3+s13+$0x0], $0xffff  }
0x2d5: {  	[tilespmem:v11+s17+$0x0] =	vst.idx.msk $0xffff, v10  }
0x2d6: {  	[tilespmem:v9+s17+$0x0] =	vst.idx.msk $0xffff, v12  }
0x2d7: {  	[tilespmem:v7+s17+$0x0] =	vst.idx.msk $0xffff, v4  }
0x2d8: {  	[tilespmem:v15+s17+$0x0] =	vst.idx.msk $0xffff, v6  }
0x2d9: {  	s25 =	sor.u32 $0x70, s25;
	[tilespmem:v13+s17+$0x0] =	vst.idx.msk $0xffff, v3  }
0x2da: {  	v3 =	vld [tilespmem:s25+$0x0]  }
0x2db: {  	v5 =	vlaneseq.u32  }
0x2dc: {  	v14 =	vadd.s32 $0x2, v5;
	v22 =	vor.u32 v2, v5  }
0x2dd: {  	v16 =	vand.u32 $0x1FF, v14;
	v9 =	vadd.s32 $0x6, v5;
	v11 =	vadd.s32 $0x4, v5  }
0x2de: {  	v12 =	vadd.s32 $0x5, v5;
	v4 =	vadd.s32 $0x8, v5;
	v6 =	vadd.s32 $0x7, v5  }
0x2df: {  	v9 =	vand.u32 $0x1FF, v9;
	v6 =	vand.u32 $0x1FF, v6;
	v3 =	vshll.u32 v3, $0x9  }
0x2e0: {  	v13 =	vadd.s32 $0x1, v5;
	v11 =	vand.u32 $0x1FF, v11;
	v10 =	vor.u32 v3, v6  }
0x2e1: {  	v19 =	vand.u32 $0x1FF, v12;
	v8 =	vand.u32 $0x1FF, v4;
	v15 =	vor.u32 v3, v9  }
0x2e2: {  	v4 =	vadd.s32 $0x3, v5;
	v13 =	vand.u32 $0x1FF, v13;
	v7 =	vor.u32 v3, v5  }
0x2e3: {  	v29 =	vor.u32 v2, v9;
	v14 =	vand.u32 $0x1FF, v4;
	v17 =	vor.u32 v3, v13  }
0x2e4: {  	v27 =	vor.u32 v2, v6;
	v31 =	vadd.s32 $0x3, v8;
	v21 =	vor.u32 v3, v11  }
0x2e5: {  	v25 =	vadd.s32 $0x4, v8;
	v24 =	vadd.s32 $0x5, v8;
	v28 =	vor.u32 v3, v14;
	v23 =	vld.idx.msk [tilespmem:v10+s13+$0x0], $0xffff  }
0x2e6: {  	v4 =	vor.u32 v2, v14;
	v18 =	vor.u32 v3, v16;
	v26 =	vor.u32 v3, v19;
	v15 =	vld.idx.msk [tilespmem:v15+s13+$0x0], $0xffff  }
0x2e7: {  	v5 =	vor.u32 v3, v8;
	v6 =	vor.u32 v2, v11;
	v30 =	vld.idx.msk [tilespmem:v7+s13+$0x0], $0xffff;
	v7 =	vadd.s32 $0x7, v8  }
0x2e8: {  	v13 =	vor.u32 v2, v13;
	v9 =	vadd.s32 $0x6, v8;
	v12 =	vld.idx.msk [tilespmem:v17+s13+$0x0], $0xffff;
	v14 =	vand.u32 $0x1FF, v7  }
0x2e9: {  	v11 =	vor.u32 v2, v16;
	v10 =	vadd.s32 $0x8, v8;
	v16 =	vld.idx.msk [tilespmem:v21+s13+$0x0], $0xffff;
	v20 =	vor.u32 v3, v14  }
0x2ea: {  	v17 =	vand.u32 $0x1FF, v9;
	v9 =	vld.idx.msk [tilespmem:v28+s13+$0x0], $0xffff;
	v21 =	vadd.s32 $0x1, v8;
	v7 =	vor.u32 v2, v19;
	[tilespmem:v27+s17+$0x0] =	vst.idx.msk $0xffff, v23  }
0x2eb: {  	v10 =	vand.u32 $0x1FF, v10;
	v19 =	vld.idx.msk [tilespmem:v18+s13+$0x0], $0xffff;
	v27 =	vadd.s32 $0x2, v8;
	v23 =	vor.u32 v3, v17;
	[tilespmem:v29+s17+$0x0] =	vst.idx.msk $0xffff, v15  }
0x2ec: {  	s25 =	simm.s32 $0x8;
	v18 =	vand.u32 $0x1FF, v21;
	v21 =	vand.u32 $0x1FF, v31;
	[tilespmem:v22+s17+$0x0] =	vst.idx.msk $0xffff, v30;
	v22 =	vld.idx.msk [tilespmem:v26+s13+$0x0], $0xffff;
	v15 =	vand.u32 $0x1FF, v27  }
.LBB2_33:
0x2ed: {  	s25 =	sadd.s32 $0x8, s25;
	v26 =	vor.u32 v3, v18;
	v27 =	vor.u32 v3, v15;
	v28 =	vor.u32 v2, v21;
	v29 =	vmovc v10  }
0x2ee: {  	v30 =	vor.u32 v2, v8;
	v8 =	vand.u32 $0x1FF, v25;
	v24 =	vand.u32 $0x1FF, v24;
	p0 =	slt.u32 s25, $0x1F8;
	v31 =	vld.idx.msk [tilespmem:v20+s13+$0x0], $0xffff;
	[tilespmem:v13+s17+$0x0] =	vst.idx.msk $0xffff, v12  }
0x2ef: {  	v34 =	vor.u32 v2, v14;
	v25 =	vor.u32 v3, v8;
	v33 =	vor.u32 v3, v24;
	v32 =	vld.idx.msk [tilespmem:v5+s13+$0x0], $0xffff  }
0x2f0: {  	v21 =	vor.u32 v3, v21;
	v5 =	vor.u32 v3, v10;
	v35 =	vld.idx.msk [tilespmem:v23+s13+$0x0], $0xffff;
	[tilespmem:v6+s17+$0x0] =	vst.idx.msk $0xffff, v16  }
0x2f1: {  	v36 =	vor.u32 v2, v17;
	v10 =	vadd.s32 $0x8, v10;
	v6 =	vor.u32 v2, v8;
	[tilespmem:v11+s17+$0x0] =	vst.idx.msk $0xffff, v19  }
0x2f2: {  	v17 =	vadd.s32 $0x7, v29;
	v13 =	vor.u32 v2, v18;
	v10 =	vand.u32 $0x1FF, v10;
	v12 =	vld.idx.msk [tilespmem:v26+s13+$0x0], $0xffff;
	[tilespmem:v7+s17+$0x0] =	vst.idx.msk $0xffff, v22  }
.Ltmp15:
0x2f3: {  	v14 =	vand.u32 $0x1FF, v17;
	v22 =	vadd.s32 $0x3, v29;
	v7 =	vor.u32 v2, v24;
	[tilespmem:v4+s17+$0x0] =	vst.idx.msk $0xffff, v9;
	v4 =	vmovc v28;
	(pc) =	sbr.rel @p0 .LBB2_33-.Ltmp15, $4  }
0x2f4: {  	v20 =	vor.u32 v3, v14;
	v8 =	vmovc v29;
	v11 =	vor.u32 v2, v15;
	v9 =	vadd.s32 $0x6, v29;
	v16 =	vld.idx.msk [tilespmem:v25+s13+$0x0], $0xffff  }
0x2f5: {  	v24 =	vadd.s32 $0x5, v8;
	v25 =	vadd.s32 $0x4, v8;
	v17 =	vand.u32 $0x1FF, v9;
	v9 =	vld.idx.msk [tilespmem:v21+s13+$0x0], $0xffff;
	[tilespmem:v34+s17+$0x0] =	vst.idx.msk $0xffff, v31  }
0x2f6: {  	v15 =	vadd.s32 $0x1, v8;
	v21 =	vadd.s32 $0x2, v8;
	v23 =	vor.u32 v3, v17;
	v19 =	vld.idx.msk [tilespmem:v27+s13+$0x0], $0xffff;
	[tilespmem:v36+s17+$0x0] =	vst.idx.msk $0xffff, v35  }
0x2f7: {  	v18 =	vand.u32 $0x1FF, v15;
	v15 =	vand.u32 $0x1FF, v21;
	v21 =	vand.u32 $0x1FF, v22;
	[tilespmem:v30+s17+$0x0] =	vst.idx.msk $0xffff, v32;
	v22 =	vld.idx.msk [tilespmem:v33+s13+$0x0], $0xffff  }
0x2f8: {  	_ =	sdelay $0x1  }
0x2f9: {  	v10 =	vor.u32 v3, v18  }
0x2fa: {  	v25 =	vand.u32 $0x1FF, v25;
	v26 =	vor.u32 v3, v15;
	v24 =	vand.u32 $0x1FF, v24  }
0x2fb: {  	v20 =	vld.idx.msk [tilespmem:v20+s13+$0x0], $0xffff;
	[tilespmem:v13+s17+$0x0] =	vst.idx.msk $0xffff, v12;
	v52 =	vor.u32 v2, v14;
	v27 =	vor.u32 v3, v25  }
0x2fc: {  	v54 =	vld.idx.msk [tilespmem:v23+s13+$0x0], $0xffff;
	v55 =	vor.u32 v2, v17;
	v53 =	vor.u32 v3, v24;
	[tilespmem:v6+s17+$0x0] =	vst.idx.msk $0xffff, v16  }
0x2fd: {  	v8 =	vor.u32 v2, v8;
	v5 =	vld.idx.msk [tilespmem:v5+s13+$0x0], $0xffff;
	v3 =	vor.u32 v3, v21;
	[tilespmem:v4+s17+$0x0] =	vst.idx.msk $0xffff, v9  }
0x2fe: {  	v56 =	vor.u32 v2, v18;
	[tilespmem:v11+s17+$0x0] =	vst.idx.msk $0xffff, v19;
	v10 =	vld.idx.msk [tilespmem:v10+s13+$0x0], $0xffff  }
0x2ff: {  	v59 =	vor.u32 v2, v15;
	[tilespmem:v7+s17+$0x0] =	vst.idx.msk $0xffff, v22;
	v60 =	vld.idx.msk [tilespmem:v26+s13+$0x0], $0xffff  }
0x300: {  	v57 =	vor.u32 v2, v25;
	[tilespmem:v52+s17+$0x0] =	vst.idx.msk $0xffff, v20;
	v58 =	vld.idx.msk [tilespmem:v27+s13+$0x0], $0xffff  }
0x301: {  	v61 =	vor.u32 v2, v24;
	[tilespmem:v55+s17+$0x0] =	vst.idx.msk $0xffff, v54;
	v62 =	vld.idx.msk [tilespmem:v53+s13+$0x0], $0xffff  }
0x302: {  	v63 =	vor.u32 v2, v21;
	s23 =	sadd.s32 $0x1, s23;
	[tilespmem:v8+s17+$0x0] =	vst.idx.msk $0xffff, v5;
	v3 =	vld.idx.msk [tilespmem:v3+s13+$0x0], $0xffff  }
0x303: {  	p0 =	sne.s32 s23, $0x32;
	[tilespmem:v56+s17+$0x0] =	vst.idx.msk $0xffff, v10  }
.Ltmp16:
0x304: {  	s24 =	sadd.s32 s7, s24;
	[tilespmem:v59+s17+$0x0] =	vst.idx.msk $0xffff, v60;
	(pc) =	sbr.rel @p0 .LBB2_18-.Ltmp16, $4  }
0x305: {  	s24 =	sshll.u32 s24, $0xB;
	[tilespmem:v57+s17+$0x0] =	vst.idx.msk $0xffff, v58  }
0x306: {  	s24 =	sand.u32 $0x1FFFF800, s24;
	[tilespmem:v61+s17+$0x0] =	vst.idx.msk $0xffff, v62  }
0x307: {  	s24 =	sadd.s32 s2, s24;
	[tilespmem:v63+s17+$0x0] =	vst.idx.msk $0xffff, v3  }
0x308: {  	[hbm4b:s24+s3] =	stream.linear.scatter [tilespmem:s17], [sflag:$0x4], $0x4000, $0x38;
	[tilespmem:$0x12D00] =	vst v63  }
0x309: {  	_ =	swait.ge [sflag:s18], $0x4000  }
0x30a: {  	[sflag:s18] =	ssyncset.done $0x0  }
0x30b: {  	[sflag:s18] =	ssyncadd.s32 $0xFFFFC000  }
0x30c: {  	_ =	swait.ge [sflag:s19], $0x4000  }
0x30d: {  	[sflag:s19] =	ssyncset.done $0x0  }
0x30e: {  	s22 =	sadd.s32 $0x1, s22;
	[sflag:s19] =	ssyncadd.s32 $0xFFFFC000  }
0x30f: {  	p0 =	sne.s32 s22, s11;
	_ =	swait.ge [sflag:s20], $0x4000  }
.Ltmp17:
0x310: {  	[sflag:s20] =	ssyncset.done $0x0;
	(pc) =	sbr.rel @p0 .LBB2_1-.Ltmp17, $4  }
0x311: {  	[sflag:s20] =	ssyncadd.s32 $0xFFFFC000  }
0x312: {  	_ =	swait.ge [sflag:s21], $0x4000  }
0x313: {  	[sflag:s21] =	ssyncset.done $0x0  }
0x314: {  	[sflag:s21] =	ssyncadd.s32 $0xFFFFC000  }
0x315: {  	_ =	sfence.sel $0x180000  }
0x316: {  	[bflag:$0x0] =	sbarrier.arrive $0xFFFF  }
0x317: {  	p0 =	sne.s32 s0, $0x0;
	_ =	strace $0x90000047  }
0x318: {  	s0 =	sadd.s32 @!p0 $0x100000, s1;
	[bflag:$0x2] =	sbarrier.arrive $0xFFFF  }
0x319: {  	[sflag:s0] =	ssyncadd.tile.s32 @!p0 $0x1;
	_ =	shalt  }
.Lfunc_end2:
_tile_overlayer_lowered:
.L_overlay_start_2:
0x31a: {  	(tag) =	ssettag $0x2  }
0x31b: {  	s0 =	rddreg [dreg:$0x0];
	s2 =	stileid.u32  }
0x31c: {  	s1 =	rddreg [dreg:$0x1];
	p0 =	sne.s32 s2, $0x0  }
0x31d: {  	s3 =	rddreg [dreg:$0x2];
	[bflag:$0x3] =	sbarrier.arrive $0xFFFF;
	s2 =	simm.s32 @!p0 $0x1C05  }
0x31e: {  	[timem:s3], [sflag:s2] =	dma.local @!p0 [hbm:s0], s1  }
0x31f: {  	s0 =	simm.s32 @!p0 $0x5  }
0x320: {  	_ =	swait.ge @!p0 [sflag:s0], s1  }
0x321: {  	s1 =	ssub.s32 @!p0 $0x0, s1;
	[sflag:s0] =	ssyncset.done @!p0 $0x0  }
0x322: {  	[sflag:s0] =	ssyncadd.s32 @!p0 s1  }
0x323: {  	[bflag:$0x3] =	sbarrier.arrive $0xFFFF  }
0x324: {  	_ =	shalt  }

// kernel: sparse-core-data-format-call.cloned.1.call-start
scs
called_computation_lowered:
.L_overlay_start_0:
0x0: {  	s2 =	sld [smem:$0x3FD9]  }
0x1: {  	s3 =	sld [smem:$0x3FFE];
	_ =	sdelay $0x1  }
0x2: {  	s1 =	srdreg.scid  }
0x3: {  	s0 =	sand.u32 $0x1, s1  }
0x4: {  	s18 =	sshll.u32 s0, $0xA;
	s2 =	sadd.s32 s3, s2  }
0x5: {  	s2 =	sadd.s32 s2, s18  }
0x6: {  	[smem:$0x3FC6] =	sst s2  }
0x7: {  	_ = 	snop  }
0x8: {  	s2 =	sld [smem:$0x3FD0];
	(tm) =	ssettm $0x1  }
0x9: {  	s19 =	sld [smem:$0x3FFB];
	_ =	sdelay $0x3  }
0xa: {  	_ =	strace s19  }
0xb: {  	s3 =	sld [smem:$0x3FFC];
	_ =	sdelay $0x3  }
0xc: {  	_ =	strace s3  }
0xd: {  	s3 =	sld [smem:$0x3FFD];
	_ =	sdelay $0x3  }
0xe: {  	_ =	strace s3  }
0xf: {  	_ =	strace $0x8FFFFFFF  }
0x10: {  	s20 =	sld [smem:$0x3FDB];
	_ =	sdelay $0x1  }
0x11: {  	s4 =	simm.s32 $_scs_section_size  }
0x12: {  	s5 =	simm.s32 $_size__tile_overlayer_lowered;
	s6 =	simm.s32 $_tile_overlayer_lowered  }
0x13: {  	s23 =	simm.s32 $0x1BFF;
	s22 =	sshll.u32 s6, $0x1;
	s3 =	sadd.s32 s4, s20  }
0x14: {  	s7 =	simm.s32 $0x0;
	s21 =	sshll.u32 s5, $0x1;
	s5 =	sadd.s32 s22, s3  }
0x15: {  	[timem:s7], [sflag:s23] =	dma.local [hbm:s5], s21  }
0x16: {  	_ =	swait.ge [sflag:s23], s21  }
0x17: {  	s4 =	ssub.s32 $0x0, s21;
	[sflag:s23] =	ssyncset.done $0x0  }
0x18: {  	[sflag:s23] =	ssyncadd.s32 s4;
	_ =	sdelay $0x1  }
0x19: {  	s24 =	simm.s32 $0x1B8B  }
0x1a: {  	_ =	swait.ge [sflag:s24], $0x1  }
0x1b: {  	[sflag:s24] =	ssyncset.done $0x0  }
0x1c: {  	s26 =	simm.s32 $0x1B8E;
	s25 =	sld [smem:$0x3FFE];
	[sflag:s24] =	ssyncadd.s32 $0xFFFFFFFF  }
0x1d: {  	s27 =	simm.s32 $execute0_lowered;
	[smem:$0x3FD2] =	sst s26  }
0x1e: {  	s5 =	sshll.u32 s27, $0x1;
	_ =	strace $0x80000049;
	[dreg:$0x1] =	wrdreg $0xFFFFFFFF  }
0x1f: {  	s28 =	simm.s32 $_size_execute0_lowered;
	s3 =	sadd.s32 s3, s5;
	[dreg:$0x0] =	wrdreg $0x0  }
0x20: {  	s5 =	sshll.u32 s28, $0x1;
	[dreg:$0x2] =	wrdreg s3  }
0x21: {  	[dreg:$0x3] =	wrdreg s5  }
0x22: {  	[dreg:$0x4] =	wrdreg $0xC0  }
0x23: {  	_ =	task [dreg:s7], $0x5FFFF  }
0x24: {  	[dreg:$0x1] =	wrdreg $0xFFFFFFFF  }
0x25: {  	[dreg:$0x0] =	wrdreg $0x60  }
0x26: {  	[dreg:$0x2] =	wrdreg s25  }
0x27: {  	[dreg:$0x3] =	wrdreg s2  }
0x28: {  	[dreg:$0x4] =	wrdreg $0x9  }
0x29: {  	_ =	task.clear_ibuf [dreg:s7], $0x5FFFF;
	_ =	strace $0x90000049  }
0x2a: {  	s29 =	simm.s32 $0x9;
	_ =	strace $0x8000004B  }
0x2b: {  	_ =	swait.ge [sflag:s29], $0x1  }
0x2c: {  	[sflag:s29] =	ssyncadd.s32 $0xFFFFFFFF  }
0x2d: {  	_ =	strace $0x9000004B  }
0x2e: {  	_ =	sfence  }
0x2f: {  	s30 =	sld [smem:$0x0];
	_ =	sdelay $0x2  }
0x30: {  	s31 =	sshll.u32 s1, $0xD;
	s1 =	sshrl.u32 s1, $0x2  }
0x31: {  	s3 =	sand.u32 $0x4000, s31;
	s1 =	sadd.s32 s1, s30  }
0x32: {  	s0 =	sor.u32 s3, s0;
	s1 =	sshll.u32 s1, $0x11  }
0x33: {  	s0 =	sor.u32 s1, s0  }
0x34: {  	s0 =	sadd.s32 $0x8F2B, s0  }
0x35: {  	[sflag:s0] =	ssyncadd.remote.s32 $0x1  }
0x36: {  	_ =	sfence.sel $0xFFFF  }
0x37: {  	[dreg:$0x0] =	wrdreg $0xFFFFFFFF;
	(pc) =	sbr.abs _section_cstart, $3  }
0x38: {  	[dreg:$0x1] =	wrdreg $0xFFFFFFFF  }
0x39: {  	_ =	task.clear_ibuf [dreg:s7], $0x2FFFF;
	_ =	strace $0x9FFFFFFF  }
0x3a: {  	(tm) =	ssettm $0x7FFFFFFF  }
0x3b: {  	_ =	shalt  }
tec
execute0_lowered:
.L_overlay_start_1:
0x0: {  	(tag) =	ssettag $0x1  }
0x1: {  	s0 =	srdreg.scid  }
0x2: {  	s1 =	sshll.u32 s0, $0x4  }
0x3: {  	s6 =	rddreg [dreg:$0x0];
	s0 =	stileid.u32;
	s1 =	sand.u32 $0x10, s1  }
0x4: {  	s3 =	rddreg [dreg:$0x1];
	s1 =	sor.u32 s0, s1  }
0x5: {  	s5 =	simm.s32 $0x1;
	s31 =	simm.s32 $0x2;
	s2 =	sshll.u32 s1, $0x7  }
0x6: {  	s14 =	simm.s32 $0x0;
	s8 =	simm.s32 $0x1000;
	s4 =	ssub.s32 $0x1000, s2  }
0x7: {  	s9 =	simm.s32 $0x0;
	s15 =	simm.s32 $0x0;
	s30 =	sand.u32 $0xF80, s4  }
0x8: {  	s16 =	simm.s32 $0x0;
	s10 =	simm.s32 $0x0;
	p0 =	sne.s32 s30, $0x0  }
.Ltmp0:
0x9: {  	s7 =	sshrl.u32 s4, $0xC;
	s5 =	simm.s32 @!p0 $0x0;
	(pc) =	sbr.rel .LBB1_1-.Ltmp0, $4  }
0xa: {  	s11 =	simm.s32 $0x0;
	s1 =	rddreg [dreg:$0x2];
	s5 =	sadd.s32 s5, s7  }
0xb: {  	_ =	strace $0x8000004A;
	s4 =	simm.s32 $0x1;
	s5 =	smul.u32 $0xC8, s5  }
0xc: {  	s13 =	simm.s32 $0x0;
	s6 =	sadd.s32 $0x800, s6;
	[sflag:s4] =	ssyncpa.u1 $0x0  }
0xd: {  	s12 =	smov.u32 s2;
	[sflag:s31] =	ssyncpa.u1 $0x0;
	s7 =	sor.u32 $0x1, s5  }
.LBB1_4:
0xe: {  	_ =	sdelay $0x3  }
0xf: {  	[tilespmem:v0+s19+$0xFFFFFFD0 ss:$0x1] =	vst.idx.msk $0xffff, v6  }
0x10: {  	v56 =	vld.idx.msk [tilespmem:v1+s18+$0x0 ss:$0x1], $0xffff;
	[tilespmem:v0+s19+$0xFFFFFFE0 ss:$0x1] =	vst.idx.msk $0xffff, v4  }
0x11: {  	v57 =	vld.idx.msk [tilespmem:v1+s18+$0xFFFFFF90 ss:$0x1], $0xffff;
	[tilespmem:v0+s19+$0xFFFFFFF0 ss:$0x1] =	vst.idx.msk $0xffff, v2  }
0x12: {  	v58 =	vld.idx.msk [tilespmem:v1+s18+$0xFFFFFFA0 ss:$0x1], $0xffff;
	[tilespmem:v0+s19+$0x0 ss:$0x1] =	vst.idx.msk $0xffff, v3  }
0x13: {  	v59 =	vld.idx.msk [tilespmem:v1+s18+$0xFFFFFFB0 ss:$0x1], $0xffff;
	[tilespmem:v0+s19+$0x10 ss:$0x1] =	vst.idx.msk $0xffff, v5  }
0x14: {  	v60 =	vld.idx.msk [tilespmem:v1+s18+$0xFFFFFFC0 ss:$0x1], $0xffff;
	[tilespmem:v0+s19+$0x20 ss:$0x1] =	vst.idx.msk $0xffff, v7  }
0x15: {  	v61 =	vld.idx.msk [tilespmem:v1+s18+$0xFFFFFFD0 ss:$0x1], $0xffff;
	s27 =	sshll.u32 s16, $0x9;
	[tilespmem:v0+s18+$0x30 ss:$0x1] =	vst.idx.msk $0xffff, v56  }
0x16: {  	s20 =	sshll.u32 s14, $0x3;
	v62 =	vld.idx.msk [tilespmem:v1+s18+$0xFFFFFFE0 ss:$0x1], $0xffff;
	s28 =	sshll.u32 s16, $0x7;
	s30 =	sand.u32 $0x78, s14;
	[tilespmem:v0+s18+$0xFFFFFFC0 ss:$0x1] =	vst.idx.msk $0xffff, v57  }
0x17: {  	v63 =	vld.idx.msk [tilespmem:v1+s18+$0xFFFFFFF0 ss:$0x1], $0xffff;
	s15 =	sshll.u32 s15, $0x12;
	s19 =	sand.u32 $0x1FF000, s27;
	s20 =	sand.u32 $0x1FFC00, s20;
	[tilespmem:v0+s18+$0xFFFFFFD0 ss:$0x1] =	vst.idx.msk $0xffff, v58  }
0x18: {  	s29 =	sand.u32 $0x200, s28;
	s16 =	sand.u32 $0x180, s28;
	s19 =	sadd.s32 s19, s20;
	[tilespmem:v0+s18+$0xFFFFFFE0 ss:$0x1] =	vst.idx.msk $0xffff, v59  }
0x19: {  	s31 =	sand.u32 $0x7, s14;
	s16 =	sor.u32 s16, s30;
	s19 =	sor.u32 s29, s19;
	[tilespmem:v0+s18+$0xFFFFFFF0 ss:$0x1] =	vst.idx.msk $0xffff, v60  }
0x1a: {  	s15 =	sadd.s32 s3, s15;
	s16 =	sshrl.u32 s16, $0x3;
	s19 =	sshrl.u32 s19, $0x3;
	[tilespmem:v0+s18+$0x0 ss:$0x1] =	vst.idx.msk $0xffff, v61  }
0x1b: {  	s14 =	sshll.u32 s31, $0x12;
	s15 =	sadd.s32 s16, s15;
	[tilespmem:v0+s18+$0x10 ss:$0x1] =	vst.idx.msk $0xffff, v62;
	s19 =	sand.u32 $0x3FFC0, s19  }
0x1c: {  	s14 =	sor.u32 $0x400, s14;
	[tilespmem:v0+s18+$0x20 ss:$0x1] =	vst.idx.msk $0xffff, v63;
	s15 =	sadd.s32 s19, s15  }
0x1d: {  	[hbm4b:s15+s14] =	stream.strided.scatter [tilespmem:s17], [sflag:$0x2], $0x4000, s8, s14, $0x38;
	[tilespmem:$0x10000] =	vst v63  }
.LBB1_5:
0x1e: {  	s17 =	sadd.s32 $0x80, s10  }
0x1f: {  	s14 =	simm.s32 $0x1;
	p1 =	sgt.s32 s17, $0x1FF  }
0x20: {  	s14 =	simm.s32 @!p1 $0x0  }
0x21: {  	s18 =	sadd.s32 s14, s11  }
0x22: {  	s20 =	smov.u32 s12;
	s14 =	sadd.s32 $0x1000, s12;
	p2 =	sgt.s32 s18, $0x31  }
0x23: {  	s20 =	smov.u32 @p2 s14  }
0x24: {  	p0 =	slt.u32 s13, $0x2;
	s17 =	simm.s32 @p1 $0x0;
	p1 =	sgt.s32 s20, $0xFFF  }
0x25: {  	s19 =	simm.s32 @!p0 $0x2;
	s20 =	smov.u32 @p1 s2;
	p1 =	sne.s32 s13, s7  }
.Ltmp1:
0x26: {  	_ =	swait.ge @!p0 [sflag:s19], $0x4000;
	(pc) =	sbr.rel @!p1 .LBB1_6-.Ltmp1, $4  }
0x27: {  	s15 =	smov.u32 s11;
	[sflag:s19] =	ssyncset.done @!p0 $0x0  }
0x28: {  	s16 =	smov.u32 s12;
	s9 =	sadd.s32 $0x4000, s9;
	[sflag:s19] =	ssyncadd.s32 @!p0 $0xFFFFC000  }
0x29: {  	s18 =	simm.s32 @p2 $0x0;
	s14 =	smov.u32 s10;
	s10 =	smov.u32 s17  }
0x2a: {  	s11 =	smov.u32 s18;
	s13 =	sadd.s32 $0x1, s13;
	s12 =	smov.u32 s20  }
.LBB1_1:
0x2b: {  	p0 =	sge.u32 s13, s5  }
0x2c: {  	s17 =	sshll.u32 @!p0 s11, $0x9;
	s18 =	sshll.u32 @!p0 s10, $0x3  }
0x2d: {  	s19 =	sshll.u32 @!p0 s11, $0x7;
	s17 =	sand.u32 @!p0 $0xFFFFF000, s17;
	s18 =	sand.u32 @!p0 $0xFFFFFC00, s18  }
0x2e: {  	s17 =	sadd.s32 @!p0 s17, s18;
	s18 =	sand.u32 @!p0 $0x200, s19  }
0x2f: {  	s17 =	sor.u32 @!p0 s18, s17  }
0x30: {  	s17 =	sshrl.u32 @!p0 s17, $0x9  }
0x31: {  	s31 =	sadd.s32 $0xFFFFFFFF, s13;
	s18 =	smulhi.u32 @!p0 $0x4924925, s17  }
0x32: {  	s20 =	sxor.u32 @!p0 $0xFFFFFFFF, s13;
	s21 =	sand.u32 @!p0 $0x78, s10;
	s22 =	smul.u32 @!p0 $0xE00, s12  }
0x33: {  	s20 =	sshll.u32 @!p0 s20, $0xE;
	s19 =	sand.u32 @!p0 $0x180, s19;
	s18 =	smul.u32 @!p0 $0x38, s18  }
0x34: {  	s20 =	sand.u32 @!p0 $0x4000, s20;
	s19 =	sor.u32 @!p0 s21, s19;
	s21 =	sand.u32 @!p0 $0x7, s10  }
0x35: {  	s17 =	ssub.s32 @!p0 s17, s18;
	s18 =	sshrl.u32 @!p0 s19, $0x3;
	s19 =	sadd.s32 @!p0 s6, s22  }
0x36: {  	s17 =	sshll.u32 @!p0 s17, $0x6;
	s18 =	sadd.s32 @!p0 s18, s19;
	s19 =	sshll.u32 @!p0 s21, $0x12  }
0x37: {  	s17 =	sadd.s32 @!p0 s17, s18;
	s18 =	sor.u32 @!p0 $0x80, s19;
	s19 =	simm.s32 @!p0 $0x7000  }
0x38: {  	[tilespmem:s20], [sflag:$0x1] =	stream.strided.gather @!p0 [hbm4b:s17+s18], $0x4000, s19, s18, $0x38;
	[tilespmem:$0x10000] =	vst v63  }
0x39: {  	p0 =	sge.u32 s31, s5  }
.Ltmp2:
0x3a: {  	_ = 	snop;
	(pc) =	sbr.rel @p0 .LBB1_5-.Ltmp2, $1  }
0x3b: {  	_ =	sdelay $0x3  }
0x3c: {  	s17 =	sand.u32 $0x4000, s9  }
0x3d: {  	s18 =	sor.u32 $0x70, s17  }
0x3e: {  	v1 =	vmov s18;
	_ =	sdelay $0x1  }
0x3f: {  	_ =	swait.ge [sflag:s4], $0x4000  }
0x40: {  	[sflag:s4] =	ssyncset.done $0x0  }
0x41: {  	s19 =	simm.s32 $0x0;
	[sflag:s4] =	ssyncadd.s32 $0xFFFFC000  }
0x42: {  	s17 =	sor.u32 $0x8040, s17;
	v7 =	vld.idx.msk [tilespmem:v1+s19+$0x0 ss:$0x1], $0xffff  }
0x43: {  	v0 =	vmov s17;
	v8 =	vld.idx.msk [tilespmem:v1+s19+$0xFFFFFF90 ss:$0x1], $0xffff  }
0x44: {  	v6 =	vld.idx.msk [tilespmem:v1+s19+$0xFFFFFFA0 ss:$0x1], $0xffff  }
0x45: {  	v4 =	vld.idx.msk [tilespmem:v1+s19+$0xFFFFFFB0 ss:$0x1], $0xffff  }
0x46: {  	v2 =	vld.idx.msk [tilespmem:v1+s19+$0xFFFFFFC0 ss:$0x1], $0xffff  }
0x47: {  	s31 =	sshll.u32 s13, $0xE;
	v3 =	vld.idx.msk [tilespmem:v1+s19+$0xFFFFFFD0 ss:$0x1], $0xffff  }
0x48: {  	s17 =	sand.u32 $0x4000, s31;
	v5 =	vld.idx.msk [tilespmem:v1+s19+$0xFFFFFFE0 ss:$0x1], $0xffff;
	[tilespmem:v0+s19+$0x30 ss:$0x1] =	vst.idx.msk $0xffff, v7  }
0x49: {  	s20 =	simm.s32 $0x400;
	s18 =	simm.s32 $0x80;
	s17 =	sor.u32 $0x8000, s17;
	[tilespmem:v0+s19+$0xFFFFFFC0 ss:$0x1] =	vst.idx.msk $0xffff, v8;
	v7 =	vld.idx.msk [tilespmem:v1+s19+$0xFFFFFFF0 ss:$0x1], $0xffff  }
.LBB1_3:
0x4a: {  	p0 =	sne.s32 s20, $0xFE00;
	v8 =	vld.idx.msk [tilespmem:v1+s18+$0x0 ss:$0x1], $0xffff;
	[tilespmem:v0+s19+$0xFFFFFFD0 ss:$0x1] =	vst.idx.msk $0xffff, v6  }
0x4b: {  	v9 =	vld.idx.msk [tilespmem:v1+s18+$0xFFFFFF90 ss:$0x1], $0xffff;
	[tilespmem:v0+s19+$0xFFFFFFE0 ss:$0x1] =	vst.idx.msk $0xffff, v4  }
0x4c: {  	v6 =	vld.idx.msk [tilespmem:v1+s18+$0xFFFFFFA0 ss:$0x1], $0xffff;
	[tilespmem:v0+s19+$0xFFFFFFF0 ss:$0x1] =	vst.idx.msk $0xffff, v2  }
.Ltmp3:
0x4d: {  	v4 =	vld.idx.msk [tilespmem:v1+s18+$0xFFFFFFB0 ss:$0x1], $0xffff;
	[tilespmem:v0+s19+$0x0 ss:$0x1] =	vst.idx.msk $0xffff, v3;
	(pc) =	sbr.rel @p0 .LBB1_3-.Ltmp3, $4  }
0x4e: {  	v2 =	vld.idx.msk [tilespmem:v1+s18+$0xFFFFFFC0 ss:$0x1], $0xffff;
	[tilespmem:v0+s19+$0x10 ss:$0x1] =	vst.idx.msk $0xffff, v5  }
0x4f: {  	v3 =	vld.idx.msk [tilespmem:v1+s18+$0xFFFFFFD0 ss:$0x1], $0xffff;
	[tilespmem:v0+s19+$0x20 ss:$0x1] =	vst.idx.msk $0xffff, v7;
	s19 =	smov.u32 s18  }
0x50: {  	v5 =	vld.idx.msk [tilespmem:v1+s19+$0xFFFFFFE0 ss:$0x1], $0xffff;
	[tilespmem:v0+s19+$0x30 ss:$0x1] =	vst.idx.msk $0xffff, v8  }
0x51: {  	s18 =	sshra.s32 s20, $0x2;
	s20 =	sadd.s32 $0x200, s20;
	[tilespmem:v0+s19+$0xFFFFFFC0 ss:$0x1] =	vst.idx.msk $0xffff, v9;
	v7 =	vld.idx.msk [tilespmem:v1+s19+$0xFFFFFFF0 ss:$0x1], $0xffff  }
.Ltmp4:
0x52: {  	_ = 	snop;
	(pc) =	sbr.rel .LBB1_4-.Ltmp4, $1  }
0x53: {  	_ =	sdelay $0x3  }
.LBB1_6:
0x54: {  	_ =	sfence.sel $0x180000  }
0x55: {  	s2 =	simm.s32 $0x1;
	[bflag:$0x0] =	sbarrier.arrive $0xFFFF  }
0x56: {  	s31 =	simm.s32 $0x2;
	[sflag:s2] =	ssyncpa.u1 $0x1  }
0x57: {  	[sflag:s31] =	ssyncpa.u1 $0x1  }
0x58: {  	p0 =	sne.s32 s0, $0x0;
	_ =	strace $0x9000004A  }
0x59: {  	s0 =	sadd.s32 @!p0 $0x100000, s1;
	[bflag:$0x2] =	sbarrier.arrive $0xFFFF  }
0x5a: {  	[sflag:s0] =	ssyncadd.tile.s32 @!p0 $0x1;
	_ =	shalt  }
.Lfunc_end1:
_tile_overlayer_lowered:
.L_overlay_start_2:
0x5b: {  	(tag) =	ssettag $0x2  }
0x5c: {  	s0 =	rddreg [dreg:$0x0];
	s2 =	stileid.u32  }
0x5d: {  	s1 =	rddreg [dreg:$0x1];
	p0 =	sne.s32 s2, $0x0  }
0x5e: {  	s3 =	rddreg [dreg:$0x2];
	[bflag:$0x3] =	sbarrier.arrive $0xFFFF;
	s2 =	simm.s32 @!p0 $0x1C01  }
0x5f: {  	[timem:s3], [sflag:s2] =	dma.local @!p0 [hbm:s0], s1  }
0x60: {  	s0 =	simm.s32 @!p0 $0x1  }
0x61: {  	_ =	swait.ge @!p0 [sflag:s0], s1  }
0x62: {  	s1 =	ssub.s32 @!p0 $0x0, s1;
	[sflag:s0] =	ssyncset.done @!p0 $0x0  }
0x63: {  	[sflag:s0] =	ssyncadd.s32 @!p0 s1  }
0x64: {  	[bflag:$0x3] =	sbarrier.arrive $0xFFFF  }
0x65: {  	_ =	shalt  }

</sc_bundles>
